<compile_context>
chip_gen: v7x
topology: tpu7x:2x2x1
jax: 0.10.2.dev20260603
libtpu: 0.0.44.dev20260713+nightly
codegen_flags: <defaults>
</compile_context>

<pallas_src>
import functools

import jax
import jax.numpy as jnp
from jax import lax
from jax.experimental import pallas as pl
from jax.experimental.pallas import tpu as pltpu
from jax.experimental.pallas import tpu_sc as plsc

N_NODES = 10000
N_EDGES = 320000
D = 128

NC = 2
NS = 16
NW = NC * NS
C = 128
CH = 80
CHG = CH // 8
EPW = C * CH
E_PAD = NW * EPW - N_EDGES
NPAD = 10240
ROWS_PER_TILE = NPAD // NS

_SQRT_HALF = 0.7071067811865476


def _gelu_exact(v):
    return 0.5 * v * (1.0 + lax.erf(v * _SQRT_HALF))


DEG_ROWS = 2 * NPAD // 128


def _sc_group(x_hbm, accx, idx, rows0, rows1, gsem0, gsem1, ssem0, ssem1):
    rows = (rows0, rows1)
    gsem = (gsem0, gsem1)
    ssem = (ssem0, ssem1)
    pltpu.make_async_copy(rows0, accx.at[idx.at[0]], ssem0).wait()
    pltpu.async_copy(x_hbm.at[idx.at[1]], rows0, gsem0)
    for c in range(1, 8):
        b = c % 2
        pltpu.make_async_copy(rows[b], accx.at[idx.at[0]], ssem[b]).wait()
        pltpu.async_copy(x_hbm.at[idx.at[2 * c + 1]], rows[b], gsem[b])
        pltpu.make_async_copy(x_hbm.at[idx.at[0]], rows[1 - b],
                              gsem[1 - b]).wait()
        pltpu.async_copy(rows[1 - b], accx.at[idx.at[2 * (c - 1)]],
                         ssem[1 - b], add=True)
    pltpu.make_async_copy(x_hbm.at[idx.at[0]], rows1, gsem1).wait()
    pltpu.async_copy(rows1, accx.at[idx.at[14]], ssem1, add=True)


def _sc_body(x_hbm, idx_hbm, z128_hbm,
             out_nbx,
             idxa, idxb, rows0, rows1, accx,
             gsem0, gsem1, ssem0, ssem1, isema, isemb):
    cid = lax.axis_index("c")
    sid = lax.axis_index("s")
    wid = sid * NC + cid

    base = sid * ROWS_PER_TILE
    pltpu.sync_copy(z128_hbm, accx.at[pl.ds(base, ROWS_PER_TILE)])
    plsc.subcore_barrier()

    gbase = wid * CHG

    pltpu.sync_copy(idx_hbm.at[gbase], idxa)
    pltpu.sync_copy(z128_hbm.at[pl.ds(0, C)], rows0)
    pltpu.sync_copy(z128_hbm.at[pl.ds(0, C)], rows1)
    pltpu.async_copy(rows0, accx.at[idxa.at[0]], ssem0, add=True)
    pltpu.async_copy(rows1, accx.at[idxa.at[0]], ssem1, add=True)

    def pair_body(p, carry):
        @pl.when(p > 0)
        def _():
            pltpu.make_async_copy(idx_hbm.at[gbase], idxa, isema).wait()

        pltpu.async_copy(idx_hbm.at[gbase + 2 * p + 1], idxb, isemb)
        _sc_group(x_hbm, accx, idxa, rows0, rows1,
                  gsem0, gsem1, ssem0, ssem1)
        pltpu.make_async_copy(idx_hbm.at[gbase], idxb, isemb).wait()
        _sc_group(x_hbm, accx, idxb, rows0, rows1,
                  gsem0, gsem1, ssem0, ssem1)

        @pl.when(p < CHG // 2 - 1)
        def _():
            pltpu.async_copy(idx_hbm.at[gbase + 2 * p + 2], idxa, isema)

        return carry

    lax.fori_loop(0, CHG // 2, pair_body, 0)
    pltpu.make_async_copy(rows0, accx.at[idxb.at[0]], ssem0).wait()
    pltpu.make_async_copy(rows1, accx.at[idxb.at[0]], ssem1).wait()
    plsc.subcore_barrier()

    pltpu.sync_copy(accx.at[pl.ds(base, ROWS_PER_TILE)],
                    out_nbx.at[cid, pl.ds(base, ROWS_PER_TILE)])


def _sc_deg_body(idx_hbm, z128_hbm, out_deg, idxa, deg_v):
    cid = lax.axis_index("c")
    sid = lax.axis_index("s")
    wid = sid * NC + cid

    pltpu.sync_copy(z128_hbm.at[pl.ds(0, DEG_ROWS)], deg_v)

    iota16 = lax.iota(jnp.int32, 16)
    colw = jnp.bitwise_and(iota16, 1)
    pairid = jnp.right_shift(iota16, 1)
    pair_masks = [pairid == kk for kk in range(8)]
    ones16 = jnp.full((16,), 1.0, dtype=jnp.float32)

    gbase = wid * CHG

    def gbody(g, carry):
        pltpu.sync_copy(idx_hbm.at[gbase + g], idxa)
        for c in range(8):
            def h(kk, carry2):
                sv = idxa[2 * c, pl.ds(kk * 16, 16)]
                flat = jnp.left_shift(sv, 1) + colw
                r = jnp.right_shift(flat, 7)
                cc = jnp.bitwise_and(flat, 127)
                for mm in pair_masks:
                    plsc.addupdate_scatter(deg_v, [r, cc], ones16, mask=mm)
                return carry2

            lax.fori_loop(0, C // 16, h, 0)
        return carry

    lax.fori_loop(0, CHG, gbody, 0)
    pltpu.sync_copy(deg_v, out_deg.at[cid, sid])


@functools.lru_cache(maxsize=1)
def _build_sc_scatter():
    return pl.kernel(
        _sc_body,
        out_type=jax.ShapeDtypeStruct((NC, NPAD, D), jnp.float32),
        mesh=plsc.VectorSubcoreMesh(core_axis_name="c", subcore_axis_name="s",
                                    num_cores=NC, num_subcores=NS),
        scratch_types=(
            pltpu.VMEM((16, C), jnp.int32),
            pltpu.VMEM((16, C), jnp.int32),
            pltpu.VMEM((C, D), jnp.float32),
            pltpu.VMEM((C, D), jnp.float32),
            pltpu.VMEM_SHARED((NPAD, D), jnp.float32),
            pltpu.SemaphoreType.DMA,
            pltpu.SemaphoreType.DMA,
            pltpu.SemaphoreType.DMA,
            pltpu.SemaphoreType.DMA,
            pltpu.SemaphoreType.DMA,
            pltpu.SemaphoreType.DMA,
        ),
        compiler_params=pltpu.CompilerParams(needs_layout_passes=False),
    )


@functools.lru_cache(maxsize=1)
def _build_sc_deg():
    return pl.kernel(
        _sc_deg_body,
        out_type=jax.ShapeDtypeStruct((NC, NS, DEG_ROWS, 128), jnp.float32),
        mesh=plsc.VectorSubcoreMesh(core_axis_name="c", subcore_axis_name="s",
                                    num_cores=NC, num_subcores=NS),
        scratch_types=(
            pltpu.VMEM((16, C), jnp.int32),
            pltpu.VMEM((DEG_ROWS, 128), jnp.float32),
        ),
        compiler_params=pltpu.CompilerParams(needs_layout_passes=False),
    )


BLK = 400


def _dense_body(x_ref, nbp_ref, degp_ref, wn_ref, bn_ref,
                we1_ref, we2_ref, be_ref, wu1_ref, wu2_ref, wu3_ref, bu_ref,
                out_ref):
    f32 = jnp.float32
    xb = x_ref[...]
    wn = wn_ref[...]
    node = jnp.dot(xb, wn, preferred_element_type=f32) + bn_ref[...]
    nbx = nbp_ref[0] + nbp_ref[1]
    deg = jnp.sum(degp_ref[...], axis=1, keepdims=True)
    nb = jnp.dot(nbx, wn, preferred_element_type=f32) + deg * bn_ref[...]
    es = (deg * (jnp.dot(node, we1_ref[...], preferred_element_type=f32)
                 + be_ref[...])
          + jnp.dot(nb, we2_ref[...], preferred_element_type=f32))
    out_ref[...] = (jnp.dot(_gelu_exact(node), wu1_ref[...],
                            preferred_element_type=f32)
                    + jnp.dot(_gelu_exact(nb), wu2_ref[...],
                              preferred_element_type=f32)
                    + jnp.dot(_gelu_exact(es), wu3_ref[...],
                              preferred_element_type=f32)
                    + bu_ref[...])


def _w_spec():
    return pl.BlockSpec((D, D), lambda i: (0, 0))


def _b_spec():
    return pl.BlockSpec((1, D), lambda i: (0, 0))


_dense_call = pl.pallas_call(
    _dense_body,
    grid=(N_NODES // BLK,),
    in_specs=[
        pl.BlockSpec((BLK, D), lambda i: (i, 0)),
        pl.BlockSpec((NC, BLK, D), lambda i: (0, i, 0)),
        pl.BlockSpec((BLK, 2 * NC * NS), lambda i: (i, 0)),
        _w_spec(), _b_spec(),
        _w_spec(), _w_spec(), _b_spec(),
        _w_spec(), _w_spec(), _w_spec(), _b_spec(),
    ],
    out_specs=pl.BlockSpec((BLK, D), lambda i: (i, 0)),
    out_shape=jax.ShapeDtypeStruct((N_NODES, D), jnp.float32),
)


def kernel(input_embeddings, edge_index, W_node, b_node, W_edge, b_edge,
           W_upd, b_upd):
    x = input_embeddings
    src = jnp.concatenate([edge_index[0].astype(jnp.int32),
                           jnp.full((E_PAD,), NPAD - 1, jnp.int32)])
    dst = jnp.concatenate([edge_index[1].astype(jnp.int32),
                           jnp.zeros((E_PAD,), jnp.int32)])
    idx = jnp.stack([src.reshape(NW, CHG, 8, C),
                     dst.reshape(NW, CHG, 8, C)],
                    axis=3).reshape(NW * CHG, 16, C)
    z128 = jnp.zeros((ROWS_PER_TILE, D), jnp.float32)

    nbx_parts = _build_sc_scatter()(x, idx, z128)
    deg_raw = _build_sc_deg()(idx, z128)
    deg_parts = (deg_raw.reshape(NC * NS, NPAD, 2)
                 .transpose(1, 0, 2).reshape(NPAD, 2 * NC * NS))

    out = _dense_call(
        x, nbx_parts, deg_parts,
        W_node.T, b_node.reshape(1, D),
        W_edge[:, :D].T, W_edge[:, D:].T, b_edge.reshape(1, D),
        W_upd[:, :D].T, W_upd[:, D:2 * D].T, W_upd[:, 2 * D:].T,
        b_upd.reshape(1, D),
    )
    return out

# --- scband reference (transcript-rebuilt; emitter-appended) ---
"""Pipeline reference for scband-gnnlayer-21457656611215 (READ-ONLY COPY).

The authoritative reference and input builder live on the scoring server;
editing this copy changes nothing except your own understanding.
"""

import jax, jax.numpy as jnp
import numpy as np

N_NODES = 10000
N_EDGES = 320000
D = 128


def setup_inputs(seed: int = 0) -> dict:
    key = jax.random.key(seed)
    k1, k2, k3, k4, k5, k6, k7, k8 = jax.random.split(key, 8)
    x = jax.random.normal(k1, (N_NODES, D), dtype=jnp.float32)
    edge_index = jax.random.randint(k2, (2, N_EDGES), 0, N_NODES, dtype=jnp.int64)
    # Learned parameters, torch nn.Linear convention: out = x @ W.T + b, W: [out, in]
    W_node = jax.random.normal(k3, (D, D), dtype=jnp.float32) * 0.02
    b_node = jnp.zeros((D,), dtype=jnp.float32)
    W_edge = jax.random.normal(k4, (D, 2 * D), dtype=jnp.float32) * 0.02
    b_edge = jnp.zeros((D,), dtype=jnp.float32)
    W_upd = jax.random.normal(k5, (D, 3 * D), dtype=jnp.float32) * 0.02
    b_upd = jnp.zeros((D,), dtype=jnp.float32)
    return {
        "input_embeddings": x,
        "edge_index": edge_index,
        "W_node": W_node,
        "b_node": b_node,
        "W_edge": W_edge,
        "b_edge": b_edge,
        "W_upd": W_upd,
        "b_upd": b_upd,
    }


def reference(input_embeddings, edge_index, W_node, b_node, W_edge, b_edge, W_upd, b_upd):
    # Single-graph GNNLayer forward (intended semantics of the torch module):
    # 1. node embeddings: linear on input embeddings
    # 2. edge embeddings: linear on concat(node[src], node[dst])
    # 3. pre-GELU: concat(node_emb, sum of neighbor node embs, sum of incident edge embs) per vertex
    # 4. GELU (torch default = exact erf form)
    # 5. output: linear
    N = input_embeddings.shape[0]
    d = input_embeddings.shape[1]
    src = edge_index[0]
    dst = edge_index[1]
    node_embeddings = input_embeddings @ W_node.T + b_node
    edge_in = jnp.concatenate([node_embeddings[src], node_embeddings[dst]], axis=1)
    edge_embeddings = edge_in @ W_edge.T + b_edge
    neighbor_sum = jax.ops.segment_sum(node_embeddings[dst], src, num_segments=N)
    edge_sum = jax.ops.segment_sum(edge_embeddings, src, num_segments=N)
    pre_gelu = jnp.concatenate([node_embeddings, neighbor_sum, edge_sum], axis=1)
    gelu_embeddings = jax.nn.gelu(pre_gelu, approximate=False)
    out_embeddings = gelu_embeddings @ W_upd.T + b_upd
    return out_embeddings

if __name__ == "__main__":
    import jax
    _d = setup_inputs()
    print(jax.jit(kernel)(*tuple(_d.values())))

</pallas_src>

<mosaic_0001>
#map = affine_map<(d0, d1) -> (0, 0)>
#map1 = affine_map<(d0, d1) -> (0, 0, 0)>
module attributes {stable_mosaic.version = 14 : i64} {
  func.func @_sc_body(%arg0: i32, %arg1: i32, %arg2: memref<10000x128xf32, #tpu.memory_space<hbm>>, %arg3: memref<320x16x128xi32, #tpu.memory_space<hbm>>, %arg4: memref<640x128xf32, #tpu.memory_space<hbm>>, %arg5: memref<2x10240x128xf32, #tpu.memory_space<hbm>>, %arg6: memref<16x128xi32, #tpu.memory_space<vmem>>, %arg7: memref<16x128xi32, #tpu.memory_space<vmem>>, %arg8: memref<128x128xf32, #tpu.memory_space<vmem>>, %arg9: memref<128x128xf32, #tpu.memory_space<vmem>>, %arg10: memref<10240x128xf32, #tpu.memory_space<vmem_shared>>, %arg11: memref<!tpu.dma_semaphore, #tpu.memory_space<semaphore_mem>>, %arg12: memref<!tpu.dma_semaphore, #tpu.memory_space<semaphore_mem>>, %arg13: memref<!tpu.dma_semaphore, #tpu.memory_space<semaphore_mem>>, %arg14: memref<!tpu.dma_semaphore, #tpu.memory_space<semaphore_mem>>, %arg15: memref<!tpu.dma_semaphore, #tpu.memory_space<semaphore_mem>>, %arg16: memref<!tpu.dma_semaphore, #tpu.memory_space<semaphore_mem>>) attributes {dimension_semantics = [#tpu.dimension_semantics<core_parallel>, #tpu.dimension_semantics<subcore_parallel>], iteration_bounds = array<i64: 2, 16>, scalar_prefetch = 0 : i64, scratch_operands = 11 : i64, tpu.core_type = #tpu.core_type<sc_vector_subcore>, window_params = [{transform_indices = #map}, {transform_indices = #map1}, {transform_indices = #map}, {transform_indices = #map1}]} {
    %mul3A = arith.constant 2 : i32
    %mul3A_0 = arith.muli %arg1, %mul3A : i32
    %add3A = arith.addi %mul3A_0, %arg0 : i32
    %mul3A_1 = arith.constant 640 : i32
    %mul3A_2 = arith.muli %arg1, %mul3A_1 : i32
    "tpu.region"() ({
      %run_scoped3A = tpu.sem_alloc : memref<!tpu.dma_semaphore, #tpu.memory_space<semaphore_mem>>
      %dma_start3A_37 = arith.constant 0 : i32
      %dma_start3A_38 = tpu.memref_slice %arg10[%mul3A_2, %dma_start3A_37] : memref<10240x128xf32, #tpu.memory_space<vmem_shared>> -> memref<640x128xf32, #tpu.memory_space<vmem_shared>>
      tpu.enqueue_dma source(%arg4 : memref<640x128xf32, #tpu.memory_space<hbm>>) target(%dma_start3A_38 : memref<640x128xf32, #tpu.memory_space<vmem_shared>>) target_semaphore(%run_scoped3A : memref<!tpu.dma_semaphore, #tpu.memory_space<semaphore_mem>>)
      %dma_wait3A_39 = arith.constant 0 : i32
      %dma_wait3A_40 = tpu.memref_slice %arg10[%mul3A_2, %dma_wait3A_39] : memref<10240x128xf32, #tpu.memory_space<vmem_shared>> -> memref<640x128xf32, #tpu.memory_space<vmem_shared>>
      tpu.wait_dma2 semaphore(%run_scoped3A : memref<!tpu.dma_semaphore, #tpu.memory_space<semaphore_mem>>) src(%arg4 : memref<640x128xf32, #tpu.memory_space<hbm>>) dst(%dma_wait3A_40 : memref<640x128xf32, #tpu.memory_space<vmem_shared>>)
      tpu.yield
    }) : () -> ()
    %barrier3A = arith.constant 0 : index
    tpu.barrier barrier_id(%barrier3A)
    %mul3A_3 = arith.constant 10 : i32
    %mul3A_4 = arith.muli %add3A, %mul3A_3 : i32
    "tpu.region"() ({
      %run_scoped3A = tpu.sem_alloc : memref<!tpu.dma_semaphore, #tpu.memory_space<semaphore_mem>>
      %dma_start3A_37 = arith.constant 0 : i32
      %dma_start3A_38 = arith.constant 0 : i32
      %dma_start3A_39 = tpu.memref_slice %arg3[%mul3A_4, %dma_start3A_37, %dma_start3A_38] : memref<320x16x128xi32, #tpu.memory_space<hbm>> -> memref<1x16x128xi32, #tpu.memory_space<hbm>>
      %dma_start3A_40 = tpu.memref_squeeze %dma_start3A_39 : memref<1x16x128xi32, #tpu.memory_space<hbm>> -> memref<16x128xi32, #tpu.memory_space<hbm>>
      %dma_start3A_41 = arith.constant 0 : i32
      %dma_start3A_42 = arith.constant 0 : i32
      %dma_start3A_43 = tpu.memref_slice %arg3[%mul3A_4, %dma_start3A_41, %dma_start3A_42] : memref<320x16x128xi32, #tpu.memory_space<hbm>> -> memref<1x16x128xi32, #tpu.memory_space<hbm>>
      %dma_start3A_44 = tpu.memref_squeeze %dma_start3A_43 : memref<1x16x128xi32, #tpu.memory_space<hbm>> -> memref<16x128xi32, #tpu.memory_space<hbm>>
      tpu.enqueue_dma source(%dma_start3A_44 : memref<16x128xi32, #tpu.memory_space<hbm>>) target(%arg6 : memref<16x128xi32, #tpu.memory_space<vmem>>) target_semaphore(%run_scoped3A : memref<!tpu.dma_semaphore, #tpu.memory_space<semaphore_mem>>)
      %dma_wait3A_45 = arith.constant 0 : i32
      %dma_wait3A_46 = arith.constant 0 : i32
      %dma_wait3A_47 = tpu.memref_slice %arg3[%mul3A_4, %dma_wait3A_45, %dma_wait3A_46] : memref<320x16x128xi32, #tpu.memory_space<hbm>> -> memref<1x16x128xi32, #tpu.memory_space<hbm>>
      %dma_wait3A_48 = tpu.memref_squeeze %dma_wait3A_47 : memref<1x16x128xi32, #tpu.memory_space<hbm>> -> memref<16x128xi32, #tpu.memory_space<hbm>>
      %dma_wait3A_49 = arith.constant 0 : i32
      %dma_wait3A_50 = arith.constant 0 : i32
      %dma_wait3A_51 = tpu.memref_slice %arg3[%mul3A_4, %dma_wait3A_49, %dma_wait3A_50] : memref<320x16x128xi32, #tpu.memory_space<hbm>> -> memref<1x16x128xi32, #tpu.memory_space<hbm>>
      %dma_wait3A_52 = tpu.memref_squeeze %dma_wait3A_51 : memref<1x16x128xi32, #tpu.memory_space<hbm>> -> memref<16x128xi32, #tpu.memory_space<hbm>>
      tpu.wait_dma2 semaphore(%run_scoped3A : memref<!tpu.dma_semaphore, #tpu.memory_space<semaphore_mem>>) src(%dma_wait3A_52 : memref<16x128xi32, #tpu.memory_space<hbm>>) dst(%arg6 : memref<16x128xi32, #tpu.memory_space<vmem>>)
      tpu.yield
    }) : () -> ()
    "tpu.region"() ({
      %run_scoped3A = tpu.sem_alloc : memref<!tpu.dma_semaphore, #tpu.memory_space<semaphore_mem>>
      %dma_start3A_37 = arith.constant 0 : i32
      %dma_start3A_38 = arith.constant 0 : i32
      %dma_start3A_39 = tpu.memref_slice %arg4[%dma_start3A_37, %dma_start3A_38] : memref<640x128xf32, #tpu.memory_space<hbm>> -> memref<128x128xf32, #tpu.memory_space<hbm>>
      %dma_start3A_40 = arith.constant 0 : i32
      %dma_start3A_41 = arith.constant 0 : i32
      %dma_start3A_42 = tpu.memref_slice %arg4[%dma_start3A_40, %dma_start3A_41] : memref<640x128xf32, #tpu.memory_space<hbm>> -> memref<128x128xf32, #tpu.memory_space<hbm>>
      tpu.enqueue_dma source(%dma_start3A_42 : memref<128x128xf32, #tpu.memory_space<hbm>>) target(%arg8 : memref<128x128xf32, #tpu.memory_space<vmem>>) target_semaphore(%run_scoped3A : memref<!tpu.dma_semaphore, #tpu.memory_space<semaphore_mem>>)
      %dma_wait3A_43 = arith.constant 0 : i32
      %dma_wait3A_44 = arith.constant 0 : i32
      %dma_wait3A_45 = tpu.memref_slice %arg4[%dma_wait3A_43, %dma_wait3A_44] : memref<640x128xf32, #tpu.memory_space<hbm>> -> memref<128x128xf32, #tpu.memory_space<hbm>>
      %dma_wait3A_46 = arith.constant 0 : i32
      %dma_wait3A_47 = arith.constant 0 : i32
      %dma_wait3A_48 = tpu.memref_slice %arg4[%dma_wait3A_46, %dma_wait3A_47] : memref<640x128xf32, #tpu.memory_space<hbm>> -> memref<128x128xf32, #tpu.memory_space<hbm>>
      tpu.wait_dma2 semaphore(%run_scoped3A : memref<!tpu.dma_semaphore, #tpu.memory_space<semaphore_mem>>) src(%dma_wait3A_48 : memref<128x128xf32, #tpu.memory_space<hbm>>) dst(%arg8 : memref<128x128xf32, #tpu.memory_space<vmem>>)
      tpu.yield
    }) : () -> ()
    "tpu.region"() ({
      %run_scoped3A = tpu.sem_alloc : memref<!tpu.dma_semaphore, #tpu.memory_space<semaphore_mem>>
      %dma_start3A_37 = arith.constant 0 : i32
      %dma_start3A_38 = arith.constant 0 : i32
      %dma_start3A_39 = tpu.memref_slice %arg4[%dma_start3A_37, %dma_start3A_38] : memref<640x128xf32, #tpu.memory_space<hbm>> -> memref<128x128xf32, #tpu.memory_space<hbm>>
      %dma_start3A_40 = arith.constant 0 : i32
      %dma_start3A_41 = arith.constant 0 : i32
      %dma_start3A_42 = tpu.memref_slice %arg4[%dma_start3A_40, %dma_start3A_41] : memref<640x128xf32, #tpu.memory_space<hbm>> -> memref<128x128xf32, #tpu.memory_space<hbm>>
      tpu.enqueue_dma source(%dma_start3A_42 : memref<128x128xf32, #tpu.memory_space<hbm>>) target(%arg9 : memref<128x128xf32, #tpu.memory_space<vmem>>) target_semaphore(%run_scoped3A : memref<!tpu.dma_semaphore, #tpu.memory_space<semaphore_mem>>)
      %dma_wait3A_43 = arith.constant 0 : i32
      %dma_wait3A_44 = arith.constant 0 : i32
      %dma_wait3A_45 = tpu.memref_slice %arg4[%dma_wait3A_43, %dma_wait3A_44] : memref<640x128xf32, #tpu.memory_space<hbm>> -> memref<128x128xf32, #tpu.memory_space<hbm>>
      %dma_wait3A_46 = arith.constant 0 : i32
      %dma_wait3A_47 = arith.constant 0 : i32
      %dma_wait3A_48 = tpu.memref_slice %arg4[%dma_wait3A_46, %dma_wait3A_47] : memref<640x128xf32, #tpu.memory_space<hbm>> -> memref<128x128xf32, #tpu.memory_space<hbm>>
      tpu.wait_dma2 semaphore(%run_scoped3A : memref<!tpu.dma_semaphore, #tpu.memory_space<semaphore_mem>>) src(%dma_wait3A_48 : memref<128x128xf32, #tpu.memory_space<hbm>>) dst(%arg9 : memref<128x128xf32, #tpu.memory_space<vmem>>)
      tpu.yield
    }) : () -> ()
    %dma_start3A = arith.constant 0 : i32
    %dma_start3A_5 = arith.constant 0 : i32
    %dma_start3A_6 = tpu.memref_slice %arg6[%dma_start3A, %dma_start3A_5] : memref<16x128xi32, #tpu.memory_space<vmem>> -> memref<1x128xi32, #tpu.memory_space<vmem>>
    %dma_start3A_7 = tpu.memref_squeeze %dma_start3A_6 : memref<1x128xi32, #tpu.memory_space<vmem>> -> memref<128xi32, #tpu.memory_space<vmem>>
    %dma_start3A_8 = arith.constant 0 : i32
    %dma_start3A_9 = arith.constant 0 : i32
    %dma_start3A_10 = tpu.memref_slice %arg10[%dma_start3A_8, %dma_start3A_9] : memref<10240x128xf32, #tpu.memory_space<vmem_shared>> -> memref<10240x128xf32, #tpu.memory_space<vmem_shared>>
    tpu.enqueue_indirect_dma source(%arg8 : memref<128x128xf32, #tpu.memory_space<vmem>>) target(%dma_start3A_10 : memref<10240x128xf32, #tpu.memory_space<vmem_shared>>) offsets(%dma_start3A_7 : memref<128xi32, #tpu.memory_space<vmem>>) semaphore(%arg13 : memref<!tpu.dma_semaphore, #tpu.memory_space<semaphore_mem>>) {add = true}
    %dma_start3A_11 = arith.constant 0 : i32
    %dma_start3A_12 = arith.constant 0 : i32
    %dma_start3A_13 = tpu.memref_slice %arg6[%dma_start3A_11, %dma_start3A_12] : memref<16x128xi32, #tpu.memory_space<vmem>> -> memref<1x128xi32, #tpu.memory_space<vmem>>
    %dma_start3A_14 = tpu.memref_squeeze %dma_start3A_13 : memref<1x128xi32, #tpu.memory_space<vmem>> -> memref<128xi32, #tpu.memory_space<vmem>>
    %dma_start3A_15 = arith.constant 0 : i32
    %dma_start3A_16 = arith.constant 0 : i32
    %dma_start3A_17 = tpu.memref_slice %arg10[%dma_start3A_15, %dma_start3A_16] : memref<10240x128xf32, #tpu.memory_space<vmem_shared>> -> memref<10240x128xf32, #tpu.memory_space<vmem_shared>>
    tpu.enqueue_indirect_dma source(%arg9 : memref<128x128xf32, #tpu.memory_space<vmem>>) target(%dma_start3A_17 : memref<10240x128xf32, #tpu.memory_space<vmem_shared>>) offsets(%dma_start3A_14 : memref<128xi32, #tpu.memory_space<vmem>>) semaphore(%arg14 : memref<!tpu.dma_semaphore, #tpu.memory_space<semaphore_mem>>) {add = true}
    %scan3A = arith.constant 0 : i32
    %scan3A_18 = arith.constant 0 : i32
    %scan3A_19 = arith.constant 5 : i32
    %scan3A_20 = arith.addi %scan3A_18, %scan3A_19 : i32
    %scan3A_21 = arith.constant 1 : i32
    scf.for %scan3A_37 = %scan3A_18 to %scan3A_20 step %scan3A_21  : i32 {
      %gt3A = arith.constant 0 : i32
      %gt3A_38 = arith.cmpi sgt, %scan3A_37, %gt3A : i32
      %convert_element_type3A = arith.extui %gt3A_38 : i1 to i32
      %cond3A = arith.constant 0 : i32
      %cond3A_39 = arith.cmpi ne, %convert_element_type3A, %cond3A : i32
      scf.if %cond3A_39 {
        %dma_wait3A_513 = arith.constant 0 : i32
        %dma_wait3A_514 = arith.constant 0 : i32
        %dma_wait3A_515 = tpu.memref_slice %arg3[%mul3A_4, %dma_wait3A_513, %dma_wait3A_514] : memref<320x16x128xi32, #tpu.memory_space<hbm>> -> memref<1x16x128xi32, #tpu.memory_space<hbm>>
        %dma_wait3A_516 = tpu.memref_squeeze %dma_wait3A_515 : memref<1x16x128xi32, #tpu.memory_space<hbm>> -> memref<16x128xi32, #tpu.memory_space<hbm>>
        %dma_wait3A_517 = arith.constant 0 : i32
        %dma_wait3A_518 = arith.constant 0 : i32
        %dma_wait3A_519 = tpu.memref_slice %arg3[%mul3A_4, %dma_wait3A_517, %dma_wait3A_518] : memref<320x16x128xi32, #tpu.memory_space<hbm>> -> memref<1x16x128xi32, #tpu.memory_space<hbm>>
        %dma_wait3A_520 = tpu.memref_squeeze %dma_wait3A_519 : memref<1x16x128xi32, #tpu.memory_space<hbm>> -> memref<16x128xi32, #tpu.memory_space<hbm>>
        tpu.wait_dma2 semaphore(%arg15 : memref<!tpu.dma_semaphore, #tpu.memory_space<semaphore_mem>>) src(%dma_wait3A_520 : memref<16x128xi32, #tpu.memory_space<hbm>>) dst(%arg6 : memref<16x128xi32, #tpu.memory_space<vmem>>)
      } else {
      }
      %mul3A_40 = arith.constant 2 : i32
      %mul3A_41 = arith.muli %mul3A_40, %scan3A_37 : i32
      %add3A_42 = arith.addi %mul3A_4, %mul3A_41 : i32
      %add3A_43 = arith.constant 1 : i32
      %add3A_44 = arith.addi %add3A_42, %add3A_43 : i32
      %dma_start3A_45 = arith.constant 0 : i32
      %dma_start3A_46 = arith.constant 0 : i32
      %dma_start3A_47 = tpu.memref_slice %arg3[%add3A_44, %dma_start3A_45, %dma_start3A_46] : memref<320x16x128xi32, #tpu.memory_space<hbm>> -> memref<1x16x128xi32, #tpu.memory_space<hbm>>
      %dma_start3A_48 = tpu.memref_squeeze %dma_start3A_47 : memref<1x16x128xi32, #tpu.memory_space<hbm>> -> memref<16x128xi32, #tpu.memory_space<hbm>>
      %dma_start3A_49 = arith.constant 0 : i32
      %dma_start3A_50 = arith.constant 0 : i32
      %dma_start3A_51 = tpu.memref_slice %arg3[%add3A_44, %dma_start3A_49, %dma_start3A_50] : memref<320x16x128xi32, #tpu.memory_space<hbm>> -> memref<1x16x128xi32, #tpu.memory_space<hbm>>
      %dma_start3A_52 = tpu.memref_squeeze %dma_start3A_51 : memref<1x16x128xi32, #tpu.memory_space<hbm>> -> memref<16x128xi32, #tpu.memory_space<hbm>>
      tpu.enqueue_dma source(%dma_start3A_52 : memref<16x128xi32, #tpu.memory_space<hbm>>) target(%arg7 : memref<16x128xi32, #tpu.memory_space<vmem>>) target_semaphore(%arg16 : memref<!tpu.dma_semaphore, #tpu.memory_space<semaphore_mem>>)
      %dma_wait3A_53 = arith.constant 0 : i32
      %dma_wait3A_54 = arith.constant 0 : i32
      %dma_wait3A_55 = tpu.memref_slice %arg6[%dma_wait3A_53, %dma_wait3A_54] : memref<16x128xi32, #tpu.memory_space<vmem>> -> memref<1x128xi32, #tpu.memory_space<vmem>>
      %dma_wait3A_56 = tpu.memref_squeeze %dma_wait3A_55 : memref<1x128xi32, #tpu.memory_space<vmem>> -> memref<128xi32, #tpu.memory_space<vmem>>
      %dma_wait3A_57 = arith.constant 0 : i32
      %dma_wait3A_58 = arith.constant 0 : i32
      %dma_wait3A_59 = tpu.memref_slice %arg10[%dma_wait3A_57, %dma_wait3A_58] : memref<10240x128xf32, #tpu.memory_space<vmem_shared>> -> memref<10240x128xf32, #tpu.memory_space<vmem_shared>>
      tpu.wait_indirect_dma semaphore(%arg13 : memref<!tpu.dma_semaphore, #tpu.memory_space<semaphore_mem>>) src(%arg8 : memref<128x128xf32, #tpu.memory_space<vmem>>) dst(%dma_wait3A_59 : memref<10240x128xf32, #tpu.memory_space<vmem_shared>>)
      %dma_start3A_60 = arith.constant 1 : i32
      %dma_start3A_61 = arith.constant 0 : i32
      %dma_start3A_62 = tpu.memref_slice %arg6[%dma_start3A_60, %dma_start3A_61] : memref<16x128xi32, #tpu.memory_space<vmem>> -> memref<1x128xi32, #tpu.memory_space<vmem>>
      %dma_start3A_63 = tpu.memref_squeeze %dma_start3A_62 : memref<1x128xi32, #tpu.memory_space<vmem>> -> memref<128xi32, #tpu.memory_space<vmem>>
      %dma_start3A_64 = arith.constant 0 : i32
      %dma_start3A_65 = arith.constant 0 : i32
      %dma_start3A_66 = tpu.memref_slice %arg2[%dma_start3A_64, %dma_start3A_65] : memref<10000x128xf32, #tpu.memory_space<hbm>> -> memref<10000x128xf32, #tpu.memory_space<hbm>>
      tpu.enqueue_indirect_dma source(%dma_start3A_66 : memref<10000x128xf32, #tpu.memory_space<hbm>>) target(%arg8 : memref<128x128xf32, #tpu.memory_space<vmem>>) offsets(%dma_start3A_63 : memref<128xi32, #tpu.memory_space<vmem>>) semaphore(%arg11 : memref<!tpu.dma_semaphore, #tpu.memory_space<semaphore_mem>>)
      %dma_wait3A_67 = arith.constant 0 : i32
      %dma_wait3A_68 = arith.constant 0 : i32
      %dma_wait3A_69 = tpu.memref_slice %arg6[%dma_wait3A_67, %dma_wait3A_68] : memref<16x128xi32, #tpu.memory_space<vmem>> -> memref<1x128xi32, #tpu.memory_space<vmem>>
      %dma_wait3A_70 = tpu.memref_squeeze %dma_wait3A_69 : memref<1x128xi32, #tpu.memory_space<vmem>> -> memref<128xi32, #tpu.memory_space<vmem>>
      %dma_wait3A_71 = arith.constant 0 : i32
      %dma_wait3A_72 = arith.constant 0 : i32
      %dma_wait3A_73 = tpu.memref_slice %arg10[%dma_wait3A_71, %dma_wait3A_72] : memref<10240x128xf32, #tpu.memory_space<vmem_shared>> -> memref<10240x128xf32, #tpu.memory_space<vmem_shared>>
      tpu.wait_indirect_dma semaphore(%arg14 : memref<!tpu.dma_semaphore, #tpu.memory_space<semaphore_mem>>) src(%arg9 : memref<128x128xf32, #tpu.memory_space<vmem>>) dst(%dma_wait3A_73 : memref<10240x128xf32, #tpu.memory_space<vmem_shared>>)
      %dma_start3A_74 = arith.constant 3 : i32
      %dma_start3A_75 = arith.constant 0 : i32
      %dma_start3A_76 = tpu.memref_slice %arg6[%dma_start3A_74, %dma_start3A_75] : memref<16x128xi32, #tpu.memory_space<vmem>> -> memref<1x128xi32, #tpu.memory_space<vmem>>
      %dma_start3A_77 = tpu.memref_squeeze %dma_start3A_76 : memref<1x128xi32, #tpu.memory_space<vmem>> -> memref<128xi32, #tpu.memory_space<vmem>>
      %dma_start3A_78 = arith.constant 0 : i32
      %dma_start3A_79 = arith.constant 0 : i32
      %dma_start3A_80 = tpu.memref_slice %arg2[%dma_start3A_78, %dma_start3A_79] : memref<10000x128xf32, #tpu.memory_space<hbm>> -> memref<10000x128xf32, #tpu.memory_space<hbm>>
      tpu.enqueue_indirect_dma source(%dma_start3A_80 : memref<10000x128xf32, #tpu.memory_space<hbm>>) target(%arg9 : memref<128x128xf32, #tpu.memory_space<vmem>>) offsets(%dma_start3A_77 : memref<128xi32, #tpu.memory_space<vmem>>) semaphore(%arg12 : memref<!tpu.dma_semaphore, #tpu.memory_space<semaphore_mem>>)
      %dma_wait3A_81 = arith.constant 0 : i32
      %dma_wait3A_82 = arith.constant 0 : i32
      %dma_wait3A_83 = tpu.memref_slice %arg6[%dma_wait3A_81, %dma_wait3A_82] : memref<16x128xi32, #tpu.memory_space<vmem>> -> memref<1x128xi32, #tpu.memory_space<vmem>>
      %dma_wait3A_84 = tpu.memref_squeeze %dma_wait3A_83 : memref<1x128xi32, #tpu.memory_space<vmem>> -> memref<128xi32, #tpu.memory_space<vmem>>
      %dma_wait3A_85 = arith.constant 0 : i32
      %dma_wait3A_86 = arith.constant 0 : i32
      %dma_wait3A_87 = tpu.memref_slice %arg2[%dma_wait3A_85, %dma_wait3A_86] : memref<10000x128xf32, #tpu.memory_space<hbm>> -> memref<10000x128xf32, #tpu.memory_space<hbm>>
      tpu.wait_indirect_dma semaphore(%arg11 : memref<!tpu.dma_semaphore, #tpu.memory_space<semaphore_mem>>) src(%dma_wait3A_87 : memref<10000x128xf32, #tpu.memory_space<hbm>>) dst(%arg8 : memref<128x128xf32, #tpu.memory_space<vmem>>)
      %dma_start3A_88 = arith.constant 0 : i32
      %dma_start3A_89 = arith.constant 0 : i32
      %dma_start3A_90 = tpu.memref_slice %arg6[%dma_start3A_88, %dma_start3A_89] : memref<16x128xi32, #tpu.memory_space<vmem>> -> memref<1x128xi32, #tpu.memory_space<vmem>>
      %dma_start3A_91 = tpu.memref_squeeze %dma_start3A_90 : memref<1x128xi32, #tpu.memory_space<vmem>> -> memref<128xi32, #tpu.memory_space<vmem>>
      %dma_start3A_92 = arith.constant 0 : i32
      %dma_start3A_93 = arith.constant 0 : i32
      %dma_start3A_94 = tpu.memref_slice %arg10[%dma_start3A_92, %dma_start3A_93] : memref<10240x128xf32, #tpu.memory_space<vmem_shared>> -> memref<10240x128xf32, #tpu.memory_space<vmem_shared>>
      tpu.enqueue_indirect_dma source(%arg8 : memref<128x128xf32, #tpu.memory_space<vmem>>) target(%dma_start3A_94 : memref<10240x128xf32, #tpu.memory_space<vmem_shared>>) offsets(%dma_start3A_91 : memref<128xi32, #tpu.memory_space<vmem>>) semaphore(%arg13 : memref<!tpu.dma_semaphore, #tpu.memory_space<semaphore_mem>>) {add = true}
      %dma_wait3A_95 = arith.constant 0 : i32
      %dma_wait3A_96 = arith.constant 0 : i32
      %dma_wait3A_97 = tpu.memref_slice %arg6[%dma_wait3A_95, %dma_wait3A_96] : memref<16x128xi32, #tpu.memory_space<vmem>> -> memref<1x128xi32, #tpu.memory_space<vmem>>
      %dma_wait3A_98 = tpu.memref_squeeze %dma_wait3A_97 : memref<1x128xi32, #tpu.memory_space<vmem>> -> memref<128xi32, #tpu.memory_space<vmem>>
      %dma_wait3A_99 = arith.constant 0 : i32
      %dma_wait3A_100 = arith.constant 0 : i32
      %dma_wait3A_101 = tpu.memref_slice %arg10[%dma_wait3A_99, %dma_wait3A_100] : memref<10240x128xf32, #tpu.memory_space<vmem_shared>> -> memref<10240x128xf32, #tpu.memory_space<vmem_shared>>
      tpu.wait_indirect_dma semaphore(%arg13 : memref<!tpu.dma_semaphore, #tpu.memory_space<semaphore_mem>>) src(%arg8 : memref<128x128xf32, #tpu.memory_space<vmem>>) dst(%dma_wait3A_101 : memref<10240x128xf32, #tpu.memory_space<vmem_shared>>)
      %dma_start3A_102 = arith.constant 5 : i32
      %dma_start3A_103 = arith.constant 0 : i32
      %dma_start3A_104 = tpu.memref_slice %arg6[%dma_start3A_102, %dma_start3A_103] : memref<16x128xi32, #tpu.memory_space<vmem>> -> memref<1x128xi32, #tpu.memory_space<vmem>>
      %dma_start3A_105 = tpu.memref_squeeze %dma_start3A_104 : memref<1x128xi32, #tpu.memory_space<vmem>> -> memref<128xi32, #tpu.memory_space<vmem>>
      %dma_start3A_106 = arith.constant 0 : i32
      %dma_start3A_107 = arith.constant 0 : i32
      %dma_start3A_108 = tpu.memref_slice %arg2[%dma_start3A_106, %dma_start3A_107] : memref<10000x128xf32, #tpu.memory_space<hbm>> -> memref<10000x128xf32, #tpu.memory_space<hbm>>
      tpu.enqueue_indirect_dma source(%dma_start3A_108 : memref<10000x128xf32, #tpu.memory_space<hbm>>) target(%arg8 : memref<128x128xf32, #tpu.memory_space<vmem>>) offsets(%dma_start3A_105 : memref<128xi32, #tpu.memory_space<vmem>>) semaphore(%arg11 : memref<!tpu.dma_semaphore, #tpu.memory_space<semaphore_mem>>)
      %dma_wait3A_109 = arith.constant 0 : i32
      %dma_wait3A_110 = arith.constant 0 : i32
      %dma_wait3A_111 = tpu.memref_slice %arg6[%dma_wait3A_109, %dma_wait3A_110] : memref<16x128xi32, #tpu.memory_space<vmem>> -> memref<1x128xi32, #tpu.memory_space<vmem>>
      %dma_wait3A_112 = tpu.memref_squeeze %dma_wait3A_111 : memref<1x128xi32, #tpu.memory_space<vmem>> -> memref<128xi32, #tpu.memory_space<vmem>>
      %dma_wait3A_113 = arith.constant 0 : i32
      %dma_wait3A_114 = arith.constant 0 : i32
      %dma_wait3A_115 = tpu.memref_slice %arg2[%dma_wait3A_113, %dma_wait3A_114] : memref<10000x128xf32, #tpu.memory_space<hbm>> -> memref<10000x128xf32, #tpu.memory_space<hbm>>
      tpu.wait_indirect_dma semaphore(%arg12 : memref<!tpu.dma_semaphore, #tpu.memory_space<semaphore_mem>>) src(%dma_wait3A_115 : memref<10000x128xf32, #tpu.memory_space<hbm>>) dst(%arg9 : memref<128x128xf32, #tpu.memory_space<vmem>>)
      %dma_start3A_116 = arith.constant 2 : i32
      %dma_start3A_117 = arith.constant 0 : i32
      %dma_start3A_118 = tpu.memref_slice %arg6[%dma_start3A_116, %dma_start3A_117] : memref<16x128xi32, #tpu.memory_space<vmem>> -> memref<1x128xi32, #tpu.memory_space<vmem>>
      %dma_start3A_119 = tpu.memref_squeeze %dma_start3A_118 : memref<1x128xi32, #tpu.memory_space<vmem>> -> memref<128xi32, #tpu.memory_space<vmem>>
      %dma_start3A_120 = arith.constant 0 : i32
      %dma_start3A_121 = arith.constant 0 : i32
      %dma_start3A_122 = tpu.memref_slice %arg10[%dma_start3A_120, %dma_start3A_121] : memref<10240x128xf32, #tpu.memory_space<vmem_shared>> -> memref<10240x128xf32, #tpu.memory_space<vmem_shared>>
      tpu.enqueue_indirect_dma source(%arg9 : memref<128x128xf32, #tpu.memory_space<vmem>>) target(%dma_start3A_122 : memref<10240x128xf32, #tpu.memory_space<vmem_shared>>) offsets(%dma_start3A_119 : memref<128xi32, #tpu.memory_space<vmem>>) semaphore(%arg14 : memref<!tpu.dma_semaphore, #tpu.memory_space<semaphore_mem>>) {add = true}
      %dma_wait3A_123 = arith.constant 0 : i32
      %dma_wait3A_124 = arith.constant 0 : i32
      %dma_wait3A_125 = tpu.memref_slice %arg6[%dma_wait3A_123, %dma_wait3A_124] : memref<16x128xi32, #tpu.memory_space<vmem>> -> memref<1x128xi32, #tpu.memory_space<vmem>>
      %dma_wait3A_126 = tpu.memref_squeeze %dma_wait3A_125 : memref<1x128xi32, #tpu.memory_space<vmem>> -> memref<128xi32, #tpu.memory_space<vmem>>
      %dma_wait3A_127 = arith.constant 0 : i32
      %dma_wait3A_128 = arith.constant 0 : i32
      %dma_wait3A_129 = tpu.memref_slice %arg10[%dma_wait3A_127, %dma_wait3A_128] : memref<10240x128xf32, #tpu.memory_space<vmem_shared>> -> memref<10240x128xf32, #tpu.memory_space<vmem_shared>>
      tpu.wait_indirect_dma semaphore(%arg14 : memref<!tpu.dma_semaphore, #tpu.memory_space<semaphore_mem>>) src(%arg9 : memref<128x128xf32, #tpu.memory_space<vmem>>) dst(%dma_wait3A_129 : memref<10240x128xf32, #tpu.memory_space<vmem_shared>>)
      %dma_start3A_130 = arith.constant 7 : i32
      %dma_start3A_131 = arith.constant 0 : i32
      %dma_start3A_132 = tpu.memref_slice %arg6[%dma_start3A_130, %dma_start3A_131] : memref<16x128xi32, #tpu.memory_space<vmem>> -> memref<1x128xi32, #tpu.memory_space<vmem>>
      %dma_start3A_133 = tpu.memref_squeeze %dma_start3A_132 : memref<1x128xi32, #tpu.memory_space<vmem>> -> memref<128xi32, #tpu.memory_space<vmem>>
      %dma_start3A_134 = arith.constant 0 : i32
      %dma_start3A_135 = arith.constant 0 : i32
      %dma_start3A_136 = tpu.memref_slice %arg2[%dma_start3A_134, %dma_start3A_135] : memref<10000x128xf32, #tpu.memory_space<hbm>> -> memref<10000x128xf32, #tpu.memory_space<hbm>>
      tpu.enqueue_indirect_dma source(%dma_start3A_136 : memref<10000x128xf32, #tpu.memory_space<hbm>>) target(%arg9 : memref<128x128xf32, #tpu.memory_space<vmem>>) offsets(%dma_start3A_133 : memref<128xi32, #tpu.memory_space<vmem>>) semaphore(%arg12 : memref<!tpu.dma_semaphore, #tpu.memory_space<semaphore_mem>>)
      %dma_wait3A_137 = arith.constant 0 : i32
      %dma_wait3A_138 = arith.constant 0 : i32
      %dma_wait3A_139 = tpu.memref_slice %arg6[%dma_wait3A_137, %dma_wait3A_138] : memref<16x128xi32, #tpu.memory_space<vmem>> -> memref<1x128xi32, #tpu.memory_space<vmem>>
      %dma_wait3A_140 = tpu.memref_squeeze %dma_wait3A_139 : memref<1x128xi32, #tpu.memory_space<vmem>> -> memref<128xi32, #tpu.memory_space<vmem>>
      %dma_wait3A_141 = arith.constant 0 : i32
      %dma_wait3A_142 = arith.constant 0 : i32
      %dma_wait3A_143 = tpu.memref_slice %arg2[%dma_wait3A_141, %dma_wait3A_142] : memref<10000x128xf32, #tpu.memory_space<hbm>> -> memref<10000x128xf32, #tpu.memory_space<hbm>>
      tpu.wait_indirect_dma semaphore(%arg11 : memref<!tpu.dma_semaphore, #tpu.memory_space<semaphore_mem>>) src(%dma_wait3A_143 : memref<10000x128xf32, #tpu.memory_space<hbm>>) dst(%arg8 : memref<128x128xf32, #tpu.memory_space<vmem>>)
      %dma_start3A_144 = arith.constant 4 : i32
      %dma_start3A_145 = arith.constant 0 : i32
      %dma_start3A_146 = tpu.memref_slice %arg6[%dma_start3A_144, %dma_start3A_145] : memref<16x128xi32, #tpu.memory_space<vmem>> -> memref<1x128xi32, #tpu.memory_space<vmem>>
      %dma_start3A_147 = tpu.memref_squeeze %dma_start3A_146 : memref<1x128xi32, #tpu.memory_space<vmem>> -> memref<128xi32, #tpu.memory_space<vmem>>
      %dma_start3A_148 = arith.constant 0 : i32
      %dma_start3A_149 = arith.constant 0 : i32
      %dma_start3A_150 = tpu.memref_slice %arg10[%dma_start3A_148, %dma_start3A_149] : memref<10240x128xf32, #tpu.memory_space<vmem_shared>> -> memref<10240x128xf32, #tpu.memory_space<vmem_shared>>
      tpu.enqueue_indirect_dma source(%arg8 : memref<128x128xf32, #tpu.memory_space<vmem>>) target(%dma_start3A_150 : memref<10240x128xf32, #tpu.memory_space<vmem_shared>>) offsets(%dma_start3A_147 : memref<128xi32, #tpu.memory_space<vmem>>) semaphore(%arg13 : memref<!tpu.dma_semaphore, #tpu.memory_space<semaphore_mem>>) {add = true}
      %dma_wait3A_151 = arith.constant 0 : i32
      %dma_wait3A_152 = arith.constant 0 : i32
      %dma_wait3A_153 = tpu.memref_slice %arg6[%dma_wait3A_151, %dma_wait3A_152] : memref<16x128xi32, #tpu.memory_space<vmem>> -> memref<1x128xi32, #tpu.memory_space<vmem>>
      %dma_wait3A_154 = tpu.memref_squeeze %dma_wait3A_153 : memref<1x128xi32, #tpu.memory_space<vmem>> -> memref<128xi32, #tpu.memory_space<vmem>>
      %dma_wait3A_155 = arith.constant 0 : i32
      %dma_wait3A_156 = arith.constant 0 : i32
      %dma_wait3A_157 = tpu.memref_slice %arg10[%dma_wait3A_155, %dma_wait3A_156] : memref<10240x128xf32, #tpu.memory_space<vmem_shared>> -> memref<10240x128xf32, #tpu.memory_space<vmem_shared>>
      tpu.wait_indirect_dma semaphore(%arg13 : memref<!tpu.dma_semaphore, #tpu.memory_space<semaphore_mem>>) src(%arg8 : memref<128x128xf32, #tpu.memory_space<vmem>>) dst(%dma_wait3A_157 : memref<10240x128xf32, #tpu.memory_space<vmem_shared>>)
      %dma_start3A_158 = arith.constant 9 : i32
      %dma_start3A_159 = arith.constant 0 : i32
      %dma_start3A_160 = tpu.memref_slice %arg6[%dma_start3A_158, %dma_start3A_159] : memref<16x128xi32, #tpu.memory_space<vmem>> -> memref<1x128xi32, #tpu.memory_space<vmem>>
      %dma_start3A_161 = tpu.memref_squeeze %dma_start3A_160 : memref<1x128xi32, #tpu.memory_space<vmem>> -> memref<128xi32, #tpu.memory_space<vmem>>
      %dma_start3A_162 = arith.constant 0 : i32
      %dma_start3A_163 = arith.constant 0 : i32
      %dma_start3A_164 = tpu.memref_slice %arg2[%dma_start3A_162, %dma_start3A_163] : memref<10000x128xf32, #tpu.memory_space<hbm>> -> memref<10000x128xf32, #tpu.memory_space<hbm>>
      tpu.enqueue_indirect_dma source(%dma_start3A_164 : memref<10000x128xf32, #tpu.memory_space<hbm>>) target(%arg8 : memref<128x128xf32, #tpu.memory_space<vmem>>) offsets(%dma_start3A_161 : memref<128xi32, #tpu.memory_space<vmem>>) semaphore(%arg11 : memref<!tpu.dma_semaphore, #tpu.memory_space<semaphore_mem>>)
      %dma_wait3A_165 = arith.constant 0 : i32
      %dma_wait3A_166 = arith.constant 0 : i32
      %dma_wait3A_167 = tpu.memref_slice %arg6[%dma_wait3A_165, %dma_wait3A_166] : memref<16x128xi32, #tpu.memory_space<vmem>> -> memref<1x128xi32, #tpu.memory_space<vmem>>
      %dma_wait3A_168 = tpu.memref_squeeze %dma_wait3A_167 : memref<1x128xi32, #tpu.memory_space<vmem>> -> memref<128xi32, #tpu.memory_space<vmem>>
      %dma_wait3A_169 = arith.constant 0 : i32
      %dma_wait3A_170 = arith.constant 0 : i32
      %dma_wait3A_171 = tpu.memref_slice %arg2[%dma_wait3A_169, %dma_wait3A_170] : memref<10000x128xf32, #tpu.memory_space<hbm>> -> memref<10000x128xf32, #tpu.memory_space<hbm>>
      tpu.wait_indirect_dma semaphore(%arg12 : memref<!tpu.dma_semaphore, #tpu.memory_space<semaphore_mem>>) src(%dma_wait3A_171 : memref<10000x128xf32, #tpu.memory_space<hbm>>) dst(%arg9 : memref<128x128xf32, #tpu.memory_space<vmem>>)
      %dma_start3A_172 = arith.constant 6 : i32
      %dma_start3A_173 = arith.constant 0 : i32
      %dma_start3A_174 = tpu.memref_slice %arg6[%dma_start3A_172, %dma_start3A_173] : memref<16x128xi32, #tpu.memory_space<vmem>> -> memref<1x128xi32, #tpu.memory_space<vmem>>
      %dma_start3A_175 = tpu.memref_squeeze %dma_start3A_174 : memref<1x128xi32, #tpu.memory_space<vmem>> -> memref<128xi32, #tpu.memory_space<vmem>>
      %dma_start3A_176 = arith.constant 0 : i32
      %dma_start3A_177 = arith.constant 0 : i32
      %dma_start3A_178 = tpu.memref_slice %arg10[%dma_start3A_176, %dma_start3A_177] : memref<10240x128xf32, #tpu.memory_space<vmem_shared>> -> memref<10240x128xf32, #tpu.memory_space<vmem_shared>>
      tpu.enqueue_indirect_dma source(%arg9 : memref<128x128xf32, #tpu.memory_space<vmem>>) target(%dma_start3A_178 : memref<10240x128xf32, #tpu.memory_space<vmem_shared>>) offsets(%dma_start3A_175 : memref<128xi32, #tpu.memory_space<vmem>>) semaphore(%arg14 : memref<!tpu.dma_semaphore, #tpu.memory_space<semaphore_mem>>) {add = true}
      %dma_wait3A_179 = arith.constant 0 : i32
      %dma_wait3A_180 = arith.constant 0 : i32
      %dma_wait3A_181 = tpu.memref_slice %arg6[%dma_wait3A_179, %dma_wait3A_180] : memref<16x128xi32, #tpu.memory_space<vmem>> -> memref<1x128xi32, #tpu.memory_space<vmem>>
      %dma_wait3A_182 = tpu.memref_squeeze %dma_wait3A_181 : memref<1x128xi32, #tpu.memory_space<vmem>> -> memref<128xi32, #tpu.memory_space<vmem>>
      %dma_wait3A_183 = arith.constant 0 : i32
      %dma_wait3A_184 = arith.constant 0 : i32
      %dma_wait3A_185 = tpu.memref_slice %arg10[%dma_wait3A_183, %dma_wait3A_184] : memref<10240x128xf32, #tpu.memory_space<vmem_shared>> -> memref<10240x128xf32, #tpu.memory_space<vmem_shared>>
      tpu.wait_indirect_dma semaphore(%arg14 : memref<!tpu.dma_semaphore, #tpu.memory_space<semaphore_mem>>) src(%arg9 : memref<128x128xf32, #tpu.memory_space<vmem>>) dst(%dma_wait3A_185 : memref<10240x128xf32, #tpu.memory_space<vmem_shared>>)
      %dma_start3A_186 = arith.constant 11 : i32
      %dma_start3A_187 = arith.constant 0 : i32
      %dma_start3A_188 = tpu.memref_slice %arg6[%dma_start3A_186, %dma_start3A_187] : memref<16x128xi32, #tpu.memory_space<vmem>> -> memref<1x128xi32, #tpu.memory_space<vmem>>
      %dma_start3A_189 = tpu.memref_squeeze %dma_start3A_188 : memref<1x128xi32, #tpu.memory_space<vmem>> -> memref<128xi32, #tpu.memory_space<vmem>>
      %dma_start3A_190 = arith.constant 0 : i32
      %dma_start3A_191 = arith.constant 0 : i32
      %dma_start3A_192 = tpu.memref_slice %arg2[%dma_start3A_190, %dma_start3A_191] : memref<10000x128xf32, #tpu.memory_space<hbm>> -> memref<10000x128xf32, #tpu.memory_space<hbm>>
      tpu.enqueue_indirect_dma source(%dma_start3A_192 : memref<10000x128xf32, #tpu.memory_space<hbm>>) target(%arg9 : memref<128x128xf32, #tpu.memory_space<vmem>>) offsets(%dma_start3A_189 : memref<128xi32, #tpu.memory_space<vmem>>) semaphore(%arg12 : memref<!tpu.dma_semaphore, #tpu.memory_space<semaphore_mem>>)
      %dma_wait3A_193 = arith.constant 0 : i32
      %dma_wait3A_194 = arith.constant 0 : i32
      %dma_wait3A_195 = tpu.memref_slice %arg6[%dma_wait3A_193, %dma_wait3A_194] : memref<16x128xi32, #tpu.memory_space<vmem>> -> memref<1x128xi32, #tpu.memory_space<vmem>>
      %dma_wait3A_196 = tpu.memref_squeeze %dma_wait3A_195 : memref<1x128xi32, #tpu.memory_space<vmem>> -> memref<128xi32, #tpu.memory_space<vmem>>
      %dma_wait3A_197 = arith.constant 0 : i32
      %dma_wait3A_198 = arith.constant 0 : i32
      %dma_wait3A_199 = tpu.memref_slice %arg2[%dma_wait3A_197, %dma_wait3A_198] : memref<10000x128xf32, #tpu.memory_space<hbm>> -> memref<10000x128xf32, #tpu.memory_space<hbm>>
      tpu.wait_indirect_dma semaphore(%arg11 : memref<!tpu.dma_semaphore, #tpu.memory_space<semaphore_mem>>) src(%dma_wait3A_199 : memref<10000x128xf32, #tpu.memory_space<hbm>>) dst(%arg8 : memref<128x128xf32, #tpu.memory_space<vmem>>)
      %dma_start3A_200 = arith.constant 8 : i32
      %dma_start3A_201 = arith.constant 0 : i32
      %dma_start3A_202 = tpu.memref_slice %arg6[%dma_start3A_200, %dma_start3A_201] : memref<16x128xi32, #tpu.memory_space<vmem>> -> memref<1x128xi32, #tpu.memory_space<vmem>>
      %dma_start3A_203 = tpu.memref_squeeze %dma_start3A_202 : memref<1x128xi32, #tpu.memory_space<vmem>> -> memref<128xi32, #tpu.memory_space<vmem>>
      %dma_start3A_204 = arith.constant 0 : i32
      %dma_start3A_205 = arith.constant 0 : i32
      %dma_start3A_206 = tpu.memref_slice %arg10[%dma_start3A_204, %dma_start3A_205] : memref<10240x128xf32, #tpu.memory_space<vmem_shared>> -> memref<10240x128xf32, #tpu.memory_space<vmem_shared>>
      tpu.enqueue_indirect_dma source(%arg8 : memref<128x128xf32, #tpu.memory_space<vmem>>) target(%dma_start3A_206 : memref<10240x128xf32, #tpu.memory_space<vmem_shared>>) offsets(%dma_start3A_203 : memref<128xi32, #tpu.memory_space<vmem>>) semaphore(%arg13 : memref<!tpu.dma_semaphore, #tpu.memory_space<semaphore_mem>>) {add = true}
      %dma_wait3A_207 = arith.constant 0 : i32
      %dma_wait3A_208 = arith.constant 0 : i32
      %dma_wait3A_209 = tpu.memref_slice %arg6[%dma_wait3A_207, %dma_wait3A_208] : memref<16x128xi32, #tpu.memory_space<vmem>> -> memref<1x128xi32, #tpu.memory_space<vmem>>
      %dma_wait3A_210 = tpu.memref_squeeze %dma_wait3A_209 : memref<1x128xi32, #tpu.memory_space<vmem>> -> memref<128xi32, #tpu.memory_space<vmem>>
      %dma_wait3A_211 = arith.constant 0 : i32
      %dma_wait3A_212 = arith.constant 0 : i32
      %dma_wait3A_213 = tpu.memref_slice %arg10[%dma_wait3A_211, %dma_wait3A_212] : memref<10240x128xf32, #tpu.memory_space<vmem_shared>> -> memref<10240x128xf32, #tpu.memory_space<vmem_shared>>
      tpu.wait_indirect_dma semaphore(%arg13 : memref<!tpu.dma_semaphore, #tpu.memory_space<semaphore_mem>>) src(%arg8 : memref<128x128xf32, #tpu.memory_space<vmem>>) dst(%dma_wait3A_213 : memref<10240x128xf32, #tpu.memory_space<vmem_shared>>)
      %dma_start3A_214 = arith.constant 13 : i32
      %dma_start3A_215 = arith.constant 0 : i32
      %dma_start3A_216 = tpu.memref_slice %arg6[%dma_start3A_214, %dma_start3A_215] : memref<16x128xi32, #tpu.memory_space<vmem>> -> memref<1x128xi32, #tpu.memory_space<vmem>>
      %dma_start3A_217 = tpu.memref_squeeze %dma_start3A_216 : memref<1x128xi32, #tpu.memory_space<vmem>> -> memref<128xi32, #tpu.memory_space<vmem>>
      %dma_start3A_218 = arith.constant 0 : i32
      %dma_start3A_219 = arith.constant 0 : i32
      %dma_start3A_220 = tpu.memref_slice %arg2[%dma_start3A_218, %dma_start3A_219] : memref<10000x128xf32, #tpu.memory_space<hbm>> -> memref<10000x128xf32, #tpu.memory_space<hbm>>
      tpu.enqueue_indirect_dma source(%dma_start3A_220 : memref<10000x128xf32, #tpu.memory_space<hbm>>) target(%arg8 : memref<128x128xf32, #tpu.memory_space<vmem>>) offsets(%dma_start3A_217 : memref<128xi32, #tpu.memory_space<vmem>>) semaphore(%arg11 : memref<!tpu.dma_semaphore, #tpu.memory_space<semaphore_mem>>)
      %dma_wait3A_221 = arith.constant 0 : i32
      %dma_wait3A_222 = arith.constant 0 : i32
      %dma_wait3A_223 = tpu.memref_slice %arg6[%dma_wait3A_221, %dma_wait3A_222] : memref<16x128xi32, #tpu.memory_space<vmem>> -> memref<1x128xi32, #tpu.memory_space<vmem>>
      %dma_wait3A_224 = tpu.memref_squeeze %dma_wait3A_223 : memref<1x128xi32, #tpu.memory_space<vmem>> -> memref<128xi32, #tpu.memory_space<vmem>>
      %dma_wait3A_225 = arith.constant 0 : i32
      %dma_wait3A_226 = arith.constant 0 : i32
      %dma_wait3A_227 = tpu.memref_slice %arg2[%dma_wait3A_225, %dma_wait3A_226] : memref<10000x128xf32, #tpu.memory_space<hbm>> -> memref<10000x128xf32, #tpu.memory_space<hbm>>
      tpu.wait_indirect_dma semaphore(%arg12 : memref<!tpu.dma_semaphore, #tpu.memory_space<semaphore_mem>>) src(%dma_wait3A_227 : memref<10000x128xf32, #tpu.memory_space<hbm>>) dst(%arg9 : memref<128x128xf32, #tpu.memory_space<vmem>>)
      %dma_start3A_228 = arith.constant 10 : i32
      %dma_start3A_229 = arith.constant 0 : i32
      %dma_start3A_230 = tpu.memref_slice %arg6[%dma_start3A_228, %dma_start3A_229] : memref<16x128xi32, #tpu.memory_space<vmem>> -> memref<1x128xi32, #tpu.memory_space<vmem>>
      %dma_start3A_231 = tpu.memref_squeeze %dma_start3A_230 : memref<1x128xi32, #tpu.memory_space<vmem>> -> memref<128xi32, #tpu.memory_space<vmem>>
      %dma_start3A_232 = arith.constant 0 : i32
      %dma_start3A_233 = arith.constant 0 : i32
      %dma_start3A_234 = tpu.memref_slice %arg10[%dma_start3A_232, %dma_start3A_233] : memref<10240x128xf32, #tpu.memory_space<vmem_shared>> -> memref<10240x128xf32, #tpu.memory_space<vmem_shared>>
      tpu.enqueue_indirect_dma source(%arg9 : memref<128x128xf32, #tpu.memory_space<vmem>>) target(%dma_start3A_234 : memref<10240x128xf32, #tpu.memory_space<vmem_shared>>) offsets(%dma_start3A_231 : memref<128xi32, #tpu.memory_space<vmem>>) semaphore(%arg14 : memref<!tpu.dma_semaphore, #tpu.memory_space<semaphore_mem>>) {add = true}
      %dma_wait3A_235 = arith.constant 0 : i32
      %dma_wait3A_236 = arith.constant 0 : i32
      %dma_wait3A_237 = tpu.memref_slice %arg6[%dma_wait3A_235, %dma_wait3A_236] : memref<16x128xi32, #tpu.memory_space<vmem>> -> memref<1x128xi32, #tpu.memory_space<vmem>>
      %dma_wait3A_238 = tpu.memref_squeeze %dma_wait3A_237 : memref<1x128xi32, #tpu.memory_space<vmem>> -> memref<128xi32, #tpu.memory_space<vmem>>
      %dma_wait3A_239 = arith.constant 0 : i32
      %dma_wait3A_240 = arith.constant 0 : i32
      %dma_wait3A_241 = tpu.memref_slice %arg10[%dma_wait3A_239, %dma_wait3A_240] : memref<10240x128xf32, #tpu.memory_space<vmem_shared>> -> memref<10240x128xf32, #tpu.memory_space<vmem_shared>>
      tpu.wait_indirect_dma semaphore(%arg14 : memref<!tpu.dma_semaphore, #tpu.memory_space<semaphore_mem>>) src(%arg9 : memref<128x128xf32, #tpu.memory_space<vmem>>) dst(%dma_wait3A_241 : memref<10240x128xf32, #tpu.memory_space<vmem_shared>>)
      %dma_start3A_242 = arith.constant 15 : i32
      %dma_start3A_243 = arith.constant 0 : i32
      %dma_start3A_244 = tpu.memref_slice %arg6[%dma_start3A_242, %dma_start3A_243] : memref<16x128xi32, #tpu.memory_space<vmem>> -> memref<1x128xi32, #tpu.memory_space<vmem>>
      %dma_start3A_245 = tpu.memref_squeeze %dma_start3A_244 : memref<1x128xi32, #tpu.memory_space<vmem>> -> memref<128xi32, #tpu.memory_space<vmem>>
      %dma_start3A_246 = arith.constant 0 : i32
      %dma_start3A_247 = arith.constant 0 : i32
      %dma_start3A_248 = tpu.memref_slice %arg2[%dma_start3A_246, %dma_start3A_247] : memref<10000x128xf32, #tpu.memory_space<hbm>> -> memref<10000x128xf32, #tpu.memory_space<hbm>>
      tpu.enqueue_indirect_dma source(%dma_start3A_248 : memref<10000x128xf32, #tpu.memory_space<hbm>>) target(%arg9 : memref<128x128xf32, #tpu.memory_space<vmem>>) offsets(%dma_start3A_245 : memref<128xi32, #tpu.memory_space<vmem>>) semaphore(%arg12 : memref<!tpu.dma_semaphore, #tpu.memory_space<semaphore_mem>>)
      %dma_wait3A_249 = arith.constant 0 : i32
      %dma_wait3A_250 = arith.constant 0 : i32
      %dma_wait3A_251 = tpu.memref_slice %arg6[%dma_wait3A_249, %dma_wait3A_250] : memref<16x128xi32, #tpu.memory_space<vmem>> -> memref<1x128xi32, #tpu.memory_space<vmem>>
      %dma_wait3A_252 = tpu.memref_squeeze %dma_wait3A_251 : memref<1x128xi32, #tpu.memory_space<vmem>> -> memref<128xi32, #tpu.memory_space<vmem>>
      %dma_wait3A_253 = arith.constant 0 : i32
      %dma_wait3A_254 = arith.constant 0 : i32
      %dma_wait3A_255 = tpu.memref_slice %arg2[%dma_wait3A_253, %dma_wait3A_254] : memref<10000x128xf32, #tpu.memory_space<hbm>> -> memref<10000x128xf32, #tpu.memory_space<hbm>>
      tpu.wait_indirect_dma semaphore(%arg11 : memref<!tpu.dma_semaphore, #tpu.memory_space<semaphore_mem>>) src(%dma_wait3A_255 : memref<10000x128xf32, #tpu.memory_space<hbm>>) dst(%arg8 : memref<128x128xf32, #tpu.memory_space<vmem>>)
      %dma_start3A_256 = arith.constant 12 : i32
      %dma_start3A_257 = arith.constant 0 : i32
      %dma_start3A_258 = tpu.memref_slice %arg6[%dma_start3A_256, %dma_start3A_257] : memref<16x128xi32, #tpu.memory_space<vmem>> -> memref<1x128xi32, #tpu.memory_space<vmem>>
      %dma_start3A_259 = tpu.memref_squeeze %dma_start3A_258 : memref<1x128xi32, #tpu.memory_space<vmem>> -> memref<128xi32, #tpu.memory_space<vmem>>
      %dma_start3A_260 = arith.constant 0 : i32
      %dma_start3A_261 = arith.constant 0 : i32
      %dma_start3A_262 = tpu.memref_slice %arg10[%dma_start3A_260, %dma_start3A_261] : memref<10240x128xf32, #tpu.memory_space<vmem_shared>> -> memref<10240x128xf32, #tpu.memory_space<vmem_shared>>
      tpu.enqueue_indirect_dma source(%arg8 : memref<128x128xf32, #tpu.memory_space<vmem>>) target(%dma_start3A_262 : memref<10240x128xf32, #tpu.memory_space<vmem_shared>>) offsets(%dma_start3A_259 : memref<128xi32, #tpu.memory_space<vmem>>) semaphore(%arg13 : memref<!tpu.dma_semaphore, #tpu.memory_space<semaphore_mem>>) {add = true}
      %dma_wait3A_263 = arith.constant 0 : i32
      %dma_wait3A_264 = arith.constant 0 : i32
      %dma_wait3A_265 = tpu.memref_slice %arg6[%dma_wait3A_263, %dma_wait3A_264] : memref<16x128xi32, #tpu.memory_space<vmem>> -> memref<1x128xi32, #tpu.memory_space<vmem>>
      %dma_wait3A_266 = tpu.memref_squeeze %dma_wait3A_265 : memref<1x128xi32, #tpu.memory_space<vmem>> -> memref<128xi32, #tpu.memory_space<vmem>>
      %dma_wait3A_267 = arith.constant 0 : i32
      %dma_wait3A_268 = arith.constant 0 : i32
      %dma_wait3A_269 = tpu.memref_slice %arg2[%dma_wait3A_267, %dma_wait3A_268] : memref<10000x128xf32, #tpu.memory_space<hbm>> -> memref<10000x128xf32, #tpu.memory_space<hbm>>
      tpu.wait_indirect_dma semaphore(%arg12 : memref<!tpu.dma_semaphore, #tpu.memory_space<semaphore_mem>>) src(%dma_wait3A_269 : memref<10000x128xf32, #tpu.memory_space<hbm>>) dst(%arg9 : memref<128x128xf32, #tpu.memory_space<vmem>>)
      %dma_start3A_270 = arith.constant 14 : i32
      %dma_start3A_271 = arith.constant 0 : i32
      %dma_start3A_272 = tpu.memref_slice %arg6[%dma_start3A_270, %dma_start3A_271] : memref<16x128xi32, #tpu.memory_space<vmem>> -> memref<1x128xi32, #tpu.memory_space<vmem>>
      %dma_start3A_273 = tpu.memref_squeeze %dma_start3A_272 : memref<1x128xi32, #tpu.memory_space<vmem>> -> memref<128xi32, #tpu.memory_space<vmem>>
      %dma_start3A_274 = arith.constant 0 : i32
      %dma_start3A_275 = arith.constant 0 : i32
      %dma_start3A_276 = tpu.memref_slice %arg10[%dma_start3A_274, %dma_start3A_275] : memref<10240x128xf32, #tpu.memory_space<vmem_shared>> -> memref<10240x128xf32, #tpu.memory_space<vmem_shared>>
      tpu.enqueue_indirect_dma source(%arg9 : memref<128x128xf32, #tpu.memory_space<vmem>>) target(%dma_start3A_276 : memref<10240x128xf32, #tpu.memory_space<vmem_shared>>) offsets(%dma_start3A_273 : memref<128xi32, #tpu.memory_space<vmem>>) semaphore(%arg14 : memref<!tpu.dma_semaphore, #tpu.memory_space<semaphore_mem>>) {add = true}
      %dma_wait3A_277 = arith.constant 0 : i32
      %dma_wait3A_278 = arith.constant 0 : i32
      %dma_wait3A_279 = tpu.memref_slice %arg3[%mul3A_4, %dma_wait3A_277, %dma_wait3A_278] : memref<320x16x128xi32, #tpu.memory_space<hbm>> -> memref<1x16x128xi32, #tpu.memory_space<hbm>>
      %dma_wait3A_280 = tpu.memref_squeeze %dma_wait3A_279 : memref<1x16x128xi32, #tpu.memory_space<hbm>> -> memref<16x128xi32, #tpu.memory_space<hbm>>
      %dma_wait3A_281 = arith.constant 0 : i32
      %dma_wait3A_282 = arith.constant 0 : i32
      %dma_wait3A_283 = tpu.memref_slice %arg3[%mul3A_4, %dma_wait3A_281, %dma_wait3A_282] : memref<320x16x128xi32, #tpu.memory_space<hbm>> -> memref<1x16x128xi32, #tpu.memory_space<hbm>>
      %dma_wait3A_284 = tpu.memref_squeeze %dma_wait3A_283 : memref<1x16x128xi32, #tpu.memory_space<hbm>> -> memref<16x128xi32, #tpu.memory_space<hbm>>
      tpu.wait_dma2 semaphore(%arg16 : memref<!tpu.dma_semaphore, #tpu.memory_space<semaphore_mem>>) src(%dma_wait3A_284 : memref<16x128xi32, #tpu.memory_space<hbm>>) dst(%arg7 : memref<16x128xi32, #tpu.memory_space<vmem>>)
      %dma_wait3A_285 = arith.constant 0 : i32
      %dma_wait3A_286 = arith.constant 0 : i32
      %dma_wait3A_287 = tpu.memref_slice %arg7[%dma_wait3A_285, %dma_wait3A_286] : memref<16x128xi32, #tpu.memory_space<vmem>> -> memref<1x128xi32, #tpu.memory_space<vmem>>
      %dma_wait3A_288 = tpu.memref_squeeze %dma_wait3A_287 : memref<1x128xi32, #tpu.memory_space<vmem>> -> memref<128xi32, #tpu.memory_space<vmem>>
      %dma_wait3A_289 = arith.constant 0 : i32
      %dma_wait3A_290 = arith.constant 0 : i32
      %dma_wait3A_291 = tpu.memref_slice %arg10[%dma_wait3A_289, %dma_wait3A_290] : memref<10240x128xf32, #tpu.memory_space<vmem_shared>> -> memref<10240x128xf32, #tpu.memory_space<vmem_shared>>
      tpu.wait_indirect_dma semaphore(%arg13 : memref<!tpu.dma_semaphore, #tpu.memory_space<semaphore_mem>>) src(%arg8 : memref<128x128xf32, #tpu.memory_space<vmem>>) dst(%dma_wait3A_291 : memref<10240x128xf32, #tpu.memory_space<vmem_shared>>)
      %dma_start3A_292 = arith.constant 1 : i32
      %dma_start3A_293 = arith.constant 0 : i32
      %dma_start3A_294 = tpu.memref_slice %arg7[%dma_start3A_292, %dma_start3A_293] : memref<16x128xi32, #tpu.memory_space<vmem>> -> memref<1x128xi32, #tpu.memory_space<vmem>>
      %dma_start3A_295 = tpu.memref_squeeze %dma_start3A_294 : memref<1x128xi32, #tpu.memory_space<vmem>> -> memref<128xi32, #tpu.memory_space<vmem>>
      %dma_start3A_296 = arith.constant 0 : i32
      %dma_start3A_297 = arith.constant 0 : i32
      %dma_start3A_298 = tpu.memref_slice %arg2[%dma_start3A_296, %dma_start3A_297] : memref<10000x128xf32, #tpu.memory_space<hbm>> -> memref<10000x128xf32, #tpu.memory_space<hbm>>
      tpu.enqueue_indirect_dma source(%dma_start3A_298 : memref<10000x128xf32, #tpu.memory_space<hbm>>) target(%arg8 : memref<128x128xf32, #tpu.memory_space<vmem>>) offsets(%dma_start3A_295 : memref<128xi32, #tpu.memory_space<vmem>>) semaphore(%arg11 : memref<!tpu.dma_semaphore, #tpu.memory_space<semaphore_mem>>)
      %dma_wait3A_299 = arith.constant 0 : i32
      %dma_wait3A_300 = arith.constant 0 : i32
      %dma_wait3A_301 = tpu.memref_slice %arg7[%dma_wait3A_299, %dma_wait3A_300] : memref<16x128xi32, #tpu.memory_space<vmem>> -> memref<1x128xi32, #tpu.memory_space<vmem>>
      %dma_wait3A_302 = tpu.memref_squeeze %dma_wait3A_301 : memref<1x128xi32, #tpu.memory_space<vmem>> -> memref<128xi32, #tpu.memory_space<vmem>>
      %dma_wait3A_303 = arith.constant 0 : i32
      %dma_wait3A_304 = arith.constant 0 : i32
      %dma_wait3A_305 = tpu.memref_slice %arg10[%dma_wait3A_303, %dma_wait3A_304] : memref<10240x128xf32, #tpu.memory_space<vmem_shared>> -> memref<10240x128xf32, #tpu.memory_space<vmem_shared>>
      tpu.wait_indirect_dma semaphore(%arg14 : memref<!tpu.dma_semaphore, #tpu.memory_space<semaphore_mem>>) src(%arg9 : memref<128x128xf32, #tpu.memory_space<vmem>>) dst(%dma_wait3A_305 : memref<10240x128xf32, #tpu.memory_space<vmem_shared>>)
      %dma_start3A_306 = arith.constant 3 : i32
      %dma_start3A_307 = arith.constant 0 : i32
      %dma_start3A_308 = tpu.memref_slice %arg7[%dma_start3A_306, %dma_start3A_307] : memref<16x128xi32, #tpu.memory_space<vmem>> -> memref<1x128xi32, #tpu.memory_space<vmem>>
      %dma_start3A_309 = tpu.memref_squeeze %dma_start3A_308 : memref<1x128xi32, #tpu.memory_space<vmem>> -> memref<128xi32, #tpu.memory_space<vmem>>
      %dma_start3A_310 = arith.constant 0 : i32
      %dma_start3A_311 = arith.constant 0 : i32
      %dma_start3A_312 = tpu.memref_slice %arg2[%dma_start3A_310, %dma_start3A_311] : memref<10000x128xf32, #tpu.memory_space<hbm>> -> memref<10000x128xf32, #tpu.memory_space<hbm>>
      tpu.enqueue_indirect_dma source(%dma_start3A_312 : memref<10000x128xf32, #tpu.memory_space<hbm>>) target(%arg9 : memref<128x128xf32, #tpu.memory_space<vmem>>) offsets(%dma_start3A_309 : memref<128xi32, #tpu.memory_space<vmem>>) semaphore(%arg12 : memref<!tpu.dma_semaphore, #tpu.memory_space<semaphore_mem>>)
      %dma_wait3A_313 = arith.constant 0 : i32
      %dma_wait3A_314 = arith.constant 0 : i32
      %dma_wait3A_315 = tpu.memref_slice %arg7[%dma_wait3A_313, %dma_wait3A_314] : memref<16x128xi32, #tpu.memory_space<vmem>> -> memref<1x128xi32, #tpu.memory_space<vmem>>
      %dma_wait3A_316 = tpu.memref_squeeze %dma_wait3A_315 : memref<1x128xi32, #tpu.memory_space<vmem>> -> memref<128xi32, #tpu.memory_space<vmem>>
      %dma_wait3A_317 = arith.constant 0 : i32
      %dma_wait3A_318 = arith.constant 0 : i32
      %dma_wait3A_319 = tpu.memref_slice %arg2[%dma_wait3A_317, %dma_wait3A_318] : memref<10000x128xf32, #tpu.memory_space<hbm>> -> memref<10000x128xf32, #tpu.memory_space<hbm>>
      tpu.wait_indirect_dma semaphore(%arg11 : memref<!tpu.dma_semaphore, #tpu.memory_space<semaphore_mem>>) src(%dma_wait3A_319 : memref<10000x128xf32, #tpu.memory_space<hbm>>) dst(%arg8 : memref<128x128xf32, #tpu.memory_space<vmem>>)
      %dma_start3A_320 = arith.constant 0 : i32
      %dma_start3A_321 = arith.constant 0 : i32
      %dma_start3A_322 = tpu.memref_slice %arg7[%dma_start3A_320, %dma_start3A_321] : memref<16x128xi32, #tpu.memory_space<vmem>> -> memref<1x128xi32, #tpu.memory_space<vmem>>
      %dma_start3A_323 = tpu.memref_squeeze %dma_start3A_322 : memref<1x128xi32, #tpu.memory_space<vmem>> -> memref<128xi32, #tpu.memory_space<vmem>>
      %dma_start3A_324 = arith.constant 0 : i32
      %dma_start3A_325 = arith.constant 0 : i32
      %dma_start3A_326 = tpu.memref_slice %arg10[%dma_start3A_324, %dma_start3A_325] : memref<10240x128xf32, #tpu.memory_space<vmem_shared>> -> memref<10240x128xf32, #tpu.memory_space<vmem_shared>>
      tpu.enqueue_indirect_dma source(%arg8 : memref<128x128xf32, #tpu.memory_space<vmem>>) target(%dma_start3A_326 : memref<10240x128xf32, #tpu.memory_space<vmem_shared>>) offsets(%dma_start3A_323 : memref<128xi32, #tpu.memory_space<vmem>>) semaphore(%arg13 : memref<!tpu.dma_semaphore, #tpu.memory_space<semaphore_mem>>) {add = true}
      %dma_wait3A_327 = arith.constant 0 : i32
      %dma_wait3A_328 = arith.constant 0 : i32
      %dma_wait3A_329 = tpu.memref_slice %arg7[%dma_wait3A_327, %dma_wait3A_328] : memref<16x128xi32, #tpu.memory_space<vmem>> -> memref<1x128xi32, #tpu.memory_space<vmem>>
      %dma_wait3A_330 = tpu.memref_squeeze %dma_wait3A_329 : memref<1x128xi32, #tpu.memory_space<vmem>> -> memref<128xi32, #tpu.memory_space<vmem>>
      %dma_wait3A_331 = arith.constant 0 : i32
      %dma_wait3A_332 = arith.constant 0 : i32
      %dma_wait3A_333 = tpu.memref_slice %arg10[%dma_wait3A_331, %dma_wait3A_332] : memref<10240x128xf32, #tpu.memory_space<vmem_shared>> -> memref<10240x128xf32, #tpu.memory_space<vmem_shared>>
      tpu.wait_indirect_dma semaphore(%arg13 : memref<!tpu.dma_semaphore, #tpu.memory_space<semaphore_mem>>) src(%arg8 : memref<128x128xf32, #tpu.memory_space<vmem>>) dst(%dma_wait3A_333 : memref<10240x128xf32, #tpu.memory_space<vmem_shared>>)
      %dma_start3A_334 = arith.constant 5 : i32
      %dma_start3A_335 = arith.constant 0 : i32
      %dma_start3A_336 = tpu.memref_slice %arg7[%dma_start3A_334, %dma_start3A_335] : memref<16x128xi32, #tpu.memory_space<vmem>> -> memref<1x128xi32, #tpu.memory_space<vmem>>
      %dma_start3A_337 = tpu.memref_squeeze %dma_start3A_336 : memref<1x128xi32, #tpu.memory_space<vmem>> -> memref<128xi32, #tpu.memory_space<vmem>>
      %dma_start3A_338 = arith.constant 0 : i32
      %dma_start3A_339 = arith.constant 0 : i32
      %dma_start3A_340 = tpu.memref_slice %arg2[%dma_start3A_338, %dma_start3A_339] : memref<10000x128xf32, #tpu.memory_space<hbm>> -> memref<10000x128xf32, #tpu.memory_space<hbm>>
      tpu.enqueue_indirect_dma source(%dma_start3A_340 : memref<10000x128xf32, #tpu.memory_space<hbm>>) target(%arg8 : memref<128x128xf32, #tpu.memory_space<vmem>>) offsets(%dma_start3A_337 : memref<128xi32, #tpu.memory_space<vmem>>) semaphore(%arg11 : memref<!tpu.dma_semaphore, #tpu.memory_space<semaphore_mem>>)
      %dma_wait3A_341 = arith.constant 0 : i32
      %dma_wait3A_342 = arith.constant 0 : i32
      %dma_wait3A_343 = tpu.memref_slice %arg7[%dma_wait3A_341, %dma_wait3A_342] : memref<16x128xi32, #tpu.memory_space<vmem>> -> memref<1x128xi32, #tpu.memory_space<vmem>>
      %dma_wait3A_344 = tpu.memref_squeeze %dma_wait3A_343 : memref<1x128xi32, #tpu.memory_space<vmem>> -> memref<128xi32, #tpu.memory_space<vmem>>
      %dma_wait3A_345 = arith.constant 0 : i32
      %dma_wait3A_346 = arith.constant 0 : i32
      %dma_wait3A_347 = tpu.memref_slice %arg2[%dma_wait3A_345, %dma_wait3A_346] : memref<10000x128xf32, #tpu.memory_space<hbm>> -> memref<10000x128xf32, #tpu.memory_space<hbm>>
      tpu.wait_indirect_dma semaphore(%arg12 : memref<!tpu.dma_semaphore, #tpu.memory_space<semaphore_mem>>) src(%dma_wait3A_347 : memref<10000x128xf32, #tpu.memory_space<hbm>>) dst(%arg9 : memref<128x128xf32, #tpu.memory_space<vmem>>)
      %dma_start3A_348 = arith.constant 2 : i32
      %dma_start3A_349 = arith.constant 0 : i32
      %dma_start3A_350 = tpu.memref_slice %arg7[%dma_start3A_348, %dma_start3A_349] : memref<16x128xi32, #tpu.memory_space<vmem>> -> memref<1x128xi32, #tpu.memory_space<vmem>>
      %dma_start3A_351 = tpu.memref_squeeze %dma_start3A_350 : memref<1x128xi32, #tpu.memory_space<vmem>> -> memref<128xi32, #tpu.memory_space<vmem>>
      %dma_start3A_352 = arith.constant 0 : i32
      %dma_start3A_353 = arith.constant 0 : i32
      %dma_start3A_354 = tpu.memref_slice %arg10[%dma_start3A_352, %dma_start3A_353] : memref<10240x128xf32, #tpu.memory_space<vmem_shared>> -> memref<10240x128xf32, #tpu.memory_space<vmem_shared>>
      tpu.enqueue_indirect_dma source(%arg9 : memref<128x128xf32, #tpu.memory_space<vmem>>) target(%dma_start3A_354 : memref<10240x128xf32, #tpu.memory_space<vmem_shared>>) offsets(%dma_start3A_351 : memref<128xi32, #tpu.memory_space<vmem>>) semaphore(%arg14 : memref<!tpu.dma_semaphore, #tpu.memory_space<semaphore_mem>>) {add = true}
      %dma_wait3A_355 = arith.constant 0 : i32
      %dma_wait3A_356 = arith.constant 0 : i32
      %dma_wait3A_357 = tpu.memref_slice %arg7[%dma_wait3A_355, %dma_wait3A_356] : memref<16x128xi32, #tpu.memory_space<vmem>> -> memref<1x128xi32, #tpu.memory_space<vmem>>
      %dma_wait3A_358 = tpu.memref_squeeze %dma_wait3A_357 : memref<1x128xi32, #tpu.memory_space<vmem>> -> memref<128xi32, #tpu.memory_space<vmem>>
      %dma_wait3A_359 = arith.constant 0 : i32
      %dma_wait3A_360 = arith.constant 0 : i32
      %dma_wait3A_361 = tpu.memref_slice %arg10[%dma_wait3A_359, %dma_wait3A_360] : memref<10240x128xf32, #tpu.memory_space<vmem_shared>> -> memref<10240x128xf32, #tpu.memory_space<vmem_shared>>
      tpu.wait_indirect_dma semaphore(%arg14 : memref<!tpu.dma_semaphore, #tpu.memory_space<semaphore_mem>>) src(%arg9 : memref<128x128xf32, #tpu.memory_space<vmem>>) dst(%dma_wait3A_361 : memref<10240x128xf32, #tpu.memory_space<vmem_shared>>)
      %dma_start3A_362 = arith.constant 7 : i32
      %dma_start3A_363 = arith.constant 0 : i32
      %dma_start3A_364 = tpu.memref_slice %arg7[%dma_start3A_362, %dma_start3A_363] : memref<16x128xi32, #tpu.memory_space<vmem>> -> memref<1x128xi32, #tpu.memory_space<vmem>>
      %dma_start3A_365 = tpu.memref_squeeze %dma_start3A_364 : memref<1x128xi32, #tpu.memory_space<vmem>> -> memref<128xi32, #tpu.memory_space<vmem>>
      %dma_start3A_366 = arith.constant 0 : i32
      %dma_start3A_367 = arith.constant 0 : i32
      %dma_start3A_368 = tpu.memref_slice %arg2[%dma_start3A_366, %dma_start3A_367] : memref<10000x128xf32, #tpu.memory_space<hbm>> -> memref<10000x128xf32, #tpu.memory_space<hbm>>
      tpu.enqueue_indirect_dma source(%dma_start3A_368 : memref<10000x128xf32, #tpu.memory_space<hbm>>) target(%arg9 : memref<128x128xf32, #tpu.memory_space<vmem>>) offsets(%dma_start3A_365 : memref<128xi32, #tpu.memory_space<vmem>>) semaphore(%arg12 : memref<!tpu.dma_semaphore, #tpu.memory_space<semaphore_mem>>)
      %dma_wait3A_369 = arith.constant 0 : i32
      %dma_wait3A_370 = arith.constant 0 : i32
      %dma_wait3A_371 = tpu.memref_slice %arg7[%dma_wait3A_369, %dma_wait3A_370] : memref<16x128xi32, #tpu.memory_space<vmem>> -> memref<1x128xi32, #tpu.memory_space<vmem>>
      %dma_wait3A_372 = tpu.memref_squeeze %dma_wait3A_371 : memref<1x128xi32, #tpu.memory_space<vmem>> -> memref<128xi32, #tpu.memory_space<vmem>>
      %dma_wait3A_373 = arith.constant 0 : i32
      %dma_wait3A_374 = arith.constant 0 : i32
      %dma_wait3A_375 = tpu.memref_slice %arg2[%dma_wait3A_373, %dma_wait3A_374] : memref<10000x128xf32, #tpu.memory_space<hbm>> -> memref<10000x128xf32, #tpu.memory_space<hbm>>
      tpu.wait_indirect_dma semaphore(%arg11 : memref<!tpu.dma_semaphore, #tpu.memory_space<semaphore_mem>>) src(%dma_wait3A_375 : memref<10000x128xf32, #tpu.memory_space<hbm>>) dst(%arg8 : memref<128x128xf32, #tpu.memory_space<vmem>>)
      %dma_start3A_376 = arith.constant 4 : i32
      %dma_start3A_377 = arith.constant 0 : i32
      %dma_start3A_378 = tpu.memref_slice %arg7[%dma_start3A_376, %dma_start3A_377] : memref<16x128xi32, #tpu.memory_space<vmem>> -> memref<1x128xi32, #tpu.memory_space<vmem>>
      %dma_start3A_379 = tpu.memref_squeeze %dma_start3A_378 : memref<1x128xi32, #tpu.memory_space<vmem>> -> memref<128xi32, #tpu.memory_space<vmem>>
      %dma_start3A_380 = arith.constant 0 : i32
      %dma_start3A_381 = arith.constant 0 : i32
      %dma_start3A_382 = tpu.memref_slice %arg10[%dma_start3A_380, %dma_start3A_381] : memref<10240x128xf32, #tpu.memory_space<vmem_shared>> -> memref<10240x128xf32, #tpu.memory_space<vmem_shared>>
      tpu.enqueue_indirect_dma source(%arg8 : memref<128x128xf32, #tpu.memory_space<vmem>>) target(%dma_start3A_382 : memref<10240x128xf32, #tpu.memory_space<vmem_shared>>) offsets(%dma_start3A_379 : memref<128xi32, #tpu.memory_space<vmem>>) semaphore(%arg13 : memref<!tpu.dma_semaphore, #tpu.memory_space<semaphore_mem>>) {add = true}
      %dma_wait3A_383 = arith.constant 0 : i32
      %dma_wait3A_384 = arith.constant 0 : i32
      %dma_wait3A_385 = tpu.memref_slice %arg7[%dma_wait3A_383, %dma_wait3A_384] : memref<16x128xi32, #tpu.memory_space<vmem>> -> memref<1x128xi32, #tpu.memory_space<vmem>>
      %dma_wait3A_386 = tpu.memref_squeeze %dma_wait3A_385 : memref<1x128xi32, #tpu.memory_space<vmem>> -> memref<128xi32, #tpu.memory_space<vmem>>
      %dma_wait3A_387 = arith.constant 0 : i32
      %dma_wait3A_388 = arith.constant 0 : i32
      %dma_wait3A_389 = tpu.memref_slice %arg10[%dma_wait3A_387, %dma_wait3A_388] : memref<10240x128xf32, #tpu.memory_space<vmem_shared>> -> memref<10240x128xf32, #tpu.memory_space<vmem_shared>>
      tpu.wait_indirect_dma semaphore(%arg13 : memref<!tpu.dma_semaphore, #tpu.memory_space<semaphore_mem>>) src(%arg8 : memref<128x128xf32, #tpu.memory_space<vmem>>) dst(%dma_wait3A_389 : memref<10240x128xf32, #tpu.memory_space<vmem_shared>>)
      %dma_start3A_390 = arith.constant 9 : i32
      %dma_start3A_391 = arith.constant 0 : i32
      %dma_start3A_392 = tpu.memref_slice %arg7[%dma_start3A_390, %dma_start3A_391] : memref<16x128xi32, #tpu.memory_space<vmem>> -> memref<1x128xi32, #tpu.memory_space<vmem>>
      %dma_start3A_393 = tpu.memref_squeeze %dma_start3A_392 : memref<1x128xi32, #tpu.memory_space<vmem>> -> memref<128xi32, #tpu.memory_space<vmem>>
      %dma_start3A_394 = arith.constant 0 : i32
      %dma_start3A_395 = arith.constant 0 : i32
      %dma_start3A_396 = tpu.memref_slice %arg2[%dma_start3A_394, %dma_start3A_395] : memref<10000x128xf32, #tpu.memory_space<hbm>> -> memref<10000x128xf32, #tpu.memory_space<hbm>>
      tpu.enqueue_indirect_dma source(%dma_start3A_396 : memref<10000x128xf32, #tpu.memory_space<hbm>>) target(%arg8 : memref<128x128xf32, #tpu.memory_space<vmem>>) offsets(%dma_start3A_393 : memref<128xi32, #tpu.memory_space<vmem>>) semaphore(%arg11 : memref<!tpu.dma_semaphore, #tpu.memory_space<semaphore_mem>>)
      %dma_wait3A_397 = arith.constant 0 : i32
      %dma_wait3A_398 = arith.constant 0 : i32
      %dma_wait3A_399 = tpu.memref_slice %arg7[%dma_wait3A_397, %dma_wait3A_398] : memref<16x128xi32, #tpu.memory_space<vmem>> -> memref<1x128xi32, #tpu.memory_space<vmem>>
      %dma_wait3A_400 = tpu.memref_squeeze %dma_wait3A_399 : memref<1x128xi32, #tpu.memory_space<vmem>> -> memref<128xi32, #tpu.memory_space<vmem>>
      %dma_wait3A_401 = arith.constant 0 : i32
      %dma_wait3A_402 = arith.constant 0 : i32
      %dma_wait3A_403 = tpu.memref_slice %arg2[%dma_wait3A_401, %dma_wait3A_402] : memref<10000x128xf32, #tpu.memory_space<hbm>> -> memref<10000x128xf32, #tpu.memory_space<hbm>>
      tpu.wait_indirect_dma semaphore(%arg12 : memref<!tpu.dma_semaphore, #tpu.memory_space<semaphore_mem>>) src(%dma_wait3A_403 : memref<10000x128xf32, #tpu.memory_space<hbm>>) dst(%arg9 : memref<128x128xf32, #tpu.memory_space<vmem>>)
      %dma_start3A_404 = arith.constant 6 : i32
      %dma_start3A_405 = arith.constant 0 : i32
      %dma_start3A_406 = tpu.memref_slice %arg7[%dma_start3A_404, %dma_start3A_405] : memref<16x128xi32, #tpu.memory_space<vmem>> -> memref<1x128xi32, #tpu.memory_space<vmem>>
      %dma_start3A_407 = tpu.memref_squeeze %dma_start3A_406 : memref<1x128xi32, #tpu.memory_space<vmem>> -> memref<128xi32, #tpu.memory_space<vmem>>
      %dma_start3A_408 = arith.constant 0 : i32
      %dma_start3A_409 = arith.constant 0 : i32
      %dma_start3A_410 = tpu.memref_slice %arg10[%dma_start3A_408, %dma_start3A_409] : memref<10240x128xf32, #tpu.memory_space<vmem_shared>> -> memref<10240x128xf32, #tpu.memory_space<vmem_shared>>
      tpu.enqueue_indirect_dma source(%arg9 : memref<128x128xf32, #tpu.memory_space<vmem>>) target(%dma_start3A_410 : memref<10240x128xf32, #tpu.memory_space<vmem_shared>>) offsets(%dma_start3A_407 : memref<128xi32, #tpu.memory_space<vmem>>) semaphore(%arg14 : memref<!tpu.dma_semaphore, #tpu.memory_space<semaphore_mem>>) {add = true}
      %dma_wait3A_411 = arith.constant 0 : i32
      %dma_wait3A_412 = arith.constant 0 : i32
      %dma_wait3A_413 = tpu.memref_slice %arg7[%dma_wait3A_411, %dma_wait3A_412] : memref<16x128xi32, #tpu.memory_space<vmem>> -> memref<1x128xi32, #tpu.memory_space<vmem>>
      %dma_wait3A_414 = tpu.memref_squeeze %dma_wait3A_413 : memref<1x128xi32, #tpu.memory_space<vmem>> -> memref<128xi32, #tpu.memory_space<vmem>>
      %dma_wait3A_415 = arith.constant 0 : i32
      %dma_wait3A_416 = arith.constant 0 : i32
      %dma_wait3A_417 = tpu.memref_slice %arg10[%dma_wait3A_415, %dma_wait3A_416] : memref<10240x128xf32, #tpu.memory_space<vmem_shared>> -> memref<10240x128xf32, #tpu.memory_space<vmem_shared>>
      tpu.wait_indirect_dma semaphore(%arg14 : memref<!tpu.dma_semaphore, #tpu.memory_space<semaphore_mem>>) src(%arg9 : memref<128x128xf32, #tpu.memory_space<vmem>>) dst(%dma_wait3A_417 : memref<10240x128xf32, #tpu.memory_space<vmem_shared>>)
      %dma_start3A_418 = arith.constant 11 : i32
      %dma_start3A_419 = arith.constant 0 : i32
      %dma_start3A_420 = tpu.memref_slice %arg7[%dma_start3A_418, %dma_start3A_419] : memref<16x128xi32, #tpu.memory_space<vmem>> -> memref<1x128xi32, #tpu.memory_space<vmem>>
      %dma_start3A_421 = tpu.memref_squeeze %dma_start3A_420 : memref<1x128xi32, #tpu.memory_space<vmem>> -> memref<128xi32, #tpu.memory_space<vmem>>
      %dma_start3A_422 = arith.constant 0 : i32
      %dma_start3A_423 = arith.constant 0 : i32
      %dma_start3A_424 = tpu.memref_slice %arg2[%dma_start3A_422, %dma_start3A_423] : memref<10000x128xf32, #tpu.memory_space<hbm>> -> memref<10000x128xf32, #tpu.memory_space<hbm>>
      tpu.enqueue_indirect_dma source(%dma_start3A_424 : memref<10000x128xf32, #tpu.memory_space<hbm>>) target(%arg9 : memref<128x128xf32, #tpu.memory_space<vmem>>) offsets(%dma_start3A_421 : memref<128xi32, #tpu.memory_space<vmem>>) semaphore(%arg12 : memref<!tpu.dma_semaphore, #tpu.memory_space<semaphore_mem>>)
      %dma_wait3A_425 = arith.constant 0 : i32
      %dma_wait3A_426 = arith.constant 0 : i32
      %dma_wait3A_427 = tpu.memref_slice %arg7[%dma_wait3A_425, %dma_wait3A_426] : memref<16x128xi32, #tpu.memory_space<vmem>> -> memref<1x128xi32, #tpu.memory_space<vmem>>
      %dma_wait3A_428 = tpu.memref_squeeze %dma_wait3A_427 : memref<1x128xi32, #tpu.memory_space<vmem>> -> memref<128xi32, #tpu.memory_space<vmem>>
      %dma_wait3A_429 = arith.constant 0 : i32
      %dma_wait3A_430 = arith.constant 0 : i32
      %dma_wait3A_431 = tpu.memref_slice %arg2[%dma_wait3A_429, %dma_wait3A_430] : memref<10000x128xf32, #tpu.memory_space<hbm>> -> memref<10000x128xf32, #tpu.memory_space<hbm>>
      tpu.wait_indirect_dma semaphore(%arg11 : memref<!tpu.dma_semaphore, #tpu.memory_space<semaphore_mem>>) src(%dma_wait3A_431 : memref<10000x128xf32, #tpu.memory_space<hbm>>) dst(%arg8 : memref<128x128xf32, #tpu.memory_space<vmem>>)
      %dma_start3A_432 = arith.constant 8 : i32
      %dma_start3A_433 = arith.constant 0 : i32
      %dma_start3A_434 = tpu.memref_slice %arg7[%dma_start3A_432, %dma_start3A_433] : memref<16x128xi32, #tpu.memory_space<vmem>> -> memref<1x128xi32, #tpu.memory_space<vmem>>
      %dma_start3A_435 = tpu.memref_squeeze %dma_start3A_434 : memref<1x128xi32, #tpu.memory_space<vmem>> -> memref<128xi32, #tpu.memory_space<vmem>>
      %dma_start3A_436 = arith.constant 0 : i32
      %dma_start3A_437 = arith.constant 0 : i32
      %dma_start3A_438 = tpu.memref_slice %arg10[%dma_start3A_436, %dma_start3A_437] : memref<10240x128xf32, #tpu.memory_space<vmem_shared>> -> memref<10240x128xf32, #tpu.memory_space<vmem_shared>>
      tpu.enqueue_indirect_dma source(%arg8 : memref<128x128xf32, #tpu.memory_space<vmem>>) target(%dma_start3A_438 : memref<10240x128xf32, #tpu.memory_space<vmem_shared>>) offsets(%dma_start3A_435 : memref<128xi32, #tpu.memory_space<vmem>>) semaphore(%arg13 : memref<!tpu.dma_semaphore, #tpu.memory_space<semaphore_mem>>) {add = true}
      %dma_wait3A_439 = arith.constant 0 : i32
      %dma_wait3A_440 = arith.constant 0 : i32
      %dma_wait3A_441 = tpu.memref_slice %arg7[%dma_wait3A_439, %dma_wait3A_440] : memref<16x128xi32, #tpu.memory_space<vmem>> -> memref<1x128xi32, #tpu.memory_space<vmem>>
      %dma_wait3A_442 = tpu.memref_squeeze %dma_wait3A_441 : memref<1x128xi32, #tpu.memory_space<vmem>> -> memref<128xi32, #tpu.memory_space<vmem>>
      %dma_wait3A_443 = arith.constant 0 : i32
      %dma_wait3A_444 = arith.constant 0 : i32
      %dma_wait3A_445 = tpu.memref_slice %arg10[%dma_wait3A_443, %dma_wait3A_444] : memref<10240x128xf32, #tpu.memory_space<vmem_shared>> -> memref<10240x128xf32, #tpu.memory_space<vmem_shared>>
      tpu.wait_indirect_dma semaphore(%arg13 : memref<!tpu.dma_semaphore, #tpu.memory_space<semaphore_mem>>) src(%arg8 : memref<128x128xf32, #tpu.memory_space<vmem>>) dst(%dma_wait3A_445 : memref<10240x128xf32, #tpu.memory_space<vmem_shared>>)
      %dma_start3A_446 = arith.constant 13 : i32
      %dma_start3A_447 = arith.constant 0 : i32
      %dma_start3A_448 = tpu.memref_slice %arg7[%dma_start3A_446, %dma_start3A_447] : memref<16x128xi32, #tpu.memory_space<vmem>> -> memref<1x128xi32, #tpu.memory_space<vmem>>
      %dma_start3A_449 = tpu.memref_squeeze %dma_start3A_448 : memref<1x128xi32, #tpu.memory_space<vmem>> -> memref<128xi32, #tpu.memory_space<vmem>>
      %dma_start3A_450 = arith.constant 0 : i32
      %dma_start3A_451 = arith.constant 0 : i32
      %dma_start3A_452 = tpu.memref_slice %arg2[%dma_start3A_450, %dma_start3A_451] : memref<10000x128xf32, #tpu.memory_space<hbm>> -> memref<10000x128xf32, #tpu.memory_space<hbm>>
      tpu.enqueue_indirect_dma source(%dma_start3A_452 : memref<10000x128xf32, #tpu.memory_space<hbm>>) target(%arg8 : memref<128x128xf32, #tpu.memory_space<vmem>>) offsets(%dma_start3A_449 : memref<128xi32, #tpu.memory_space<vmem>>) semaphore(%arg11 : memref<!tpu.dma_semaphore, #tpu.memory_space<semaphore_mem>>)
      %dma_wait3A_453 = arith.constant 0 : i32
      %dma_wait3A_454 = arith.constant 0 : i32
      %dma_wait3A_455 = tpu.memref_slice %arg7[%dma_wait3A_453, %dma_wait3A_454] : memref<16x128xi32, #tpu.memory_space<vmem>> -> memref<1x128xi32, #tpu.memory_space<vmem>>
      %dma_wait3A_456 = tpu.memref_squeeze %dma_wait3A_455 : memref<1x128xi32, #tpu.memory_space<vmem>> -> memref<128xi32, #tpu.memory_space<vmem>>
      %dma_wait3A_457 = arith.constant 0 : i32
      %dma_wait3A_458 = arith.constant 0 : i32
      %dma_wait3A_459 = tpu.memref_slice %arg2[%dma_wait3A_457, %dma_wait3A_458] : memref<10000x128xf32, #tpu.memory_space<hbm>> -> memref<10000x128xf32, #tpu.memory_space<hbm>>
      tpu.wait_indirect_dma semaphore(%arg12 : memref<!tpu.dma_semaphore, #tpu.memory_space<semaphore_mem>>) src(%dma_wait3A_459 : memref<10000x128xf32, #tpu.memory_space<hbm>>) dst(%arg9 : memref<128x128xf32, #tpu.memory_space<vmem>>)
      %dma_start3A_460 = arith.constant 10 : i32
      %dma_start3A_461 = arith.constant 0 : i32
      %dma_start3A_462 = tpu.memref_slice %arg7[%dma_start3A_460, %dma_start3A_461] : memref<16x128xi32, #tpu.memory_space<vmem>> -> memref<1x128xi32, #tpu.memory_space<vmem>>
      %dma_start3A_463 = tpu.memref_squeeze %dma_start3A_462 : memref<1x128xi32, #tpu.memory_space<vmem>> -> memref<128xi32, #tpu.memory_space<vmem>>
      %dma_start3A_464 = arith.constant 0 : i32
      %dma_start3A_465 = arith.constant 0 : i32
      %dma_start3A_466 = tpu.memref_slice %arg10[%dma_start3A_464, %dma_start3A_465] : memref<10240x128xf32, #tpu.memory_space<vmem_shared>> -> memref<10240x128xf32, #tpu.memory_space<vmem_shared>>
      tpu.enqueue_indirect_dma source(%arg9 : memref<128x128xf32, #tpu.memory_space<vmem>>) target(%dma_start3A_466 : memref<10240x128xf32, #tpu.memory_space<vmem_shared>>) offsets(%dma_start3A_463 : memref<128xi32, #tpu.memory_space<vmem>>) semaphore(%arg14 : memref<!tpu.dma_semaphore, #tpu.memory_space<semaphore_mem>>) {add = true}
      %dma_wait3A_467 = arith.constant 0 : i32
      %dma_wait3A_468 = arith.constant 0 : i32
      %dma_wait3A_469 = tpu.memref_slice %arg7[%dma_wait3A_467, %dma_wait3A_468] : memref<16x128xi32, #tpu.memory_space<vmem>> -> memref<1x128xi32, #tpu.memory_space<vmem>>
      %dma_wait3A_470 = tpu.memref_squeeze %dma_wait3A_469 : memref<1x128xi32, #tpu.memory_space<vmem>> -> memref<128xi32, #tpu.memory_space<vmem>>
      %dma_wait3A_471 = arith.constant 0 : i32
      %dma_wait3A_472 = arith.constant 0 : i32
      %dma_wait3A_473 = tpu.memref_slice %arg10[%dma_wait3A_471, %dma_wait3A_472] : memref<10240x128xf32, #tpu.memory_space<vmem_shared>> -> memref<10240x128xf32, #tpu.memory_space<vmem_shared>>
      tpu.wait_indirect_dma semaphore(%arg14 : memref<!tpu.dma_semaphore, #tpu.memory_space<semaphore_mem>>) src(%arg9 : memref<128x128xf32, #tpu.memory_space<vmem>>) dst(%dma_wait3A_473 : memref<10240x128xf32, #tpu.memory_space<vmem_shared>>)
      %dma_start3A_474 = arith.constant 15 : i32
      %dma_start3A_475 = arith.constant 0 : i32
      %dma_start3A_476 = tpu.memref_slice %arg7[%dma_start3A_474, %dma_start3A_475] : memref<16x128xi32, #tpu.memory_space<vmem>> -> memref<1x128xi32, #tpu.memory_space<vmem>>
      %dma_start3A_477 = tpu.memref_squeeze %dma_start3A_476 : memref<1x128xi32, #tpu.memory_space<vmem>> -> memref<128xi32, #tpu.memory_space<vmem>>
      %dma_start3A_478 = arith.constant 0 : i32
      %dma_start3A_479 = arith.constant 0 : i32
      %dma_start3A_480 = tpu.memref_slice %arg2[%dma_start3A_478, %dma_start3A_479] : memref<10000x128xf32, #tpu.memory_space<hbm>> -> memref<10000x128xf32, #tpu.memory_space<hbm>>
      tpu.enqueue_indirect_dma source(%dma_start3A_480 : memref<10000x128xf32, #tpu.memory_space<hbm>>) target(%arg9 : memref<128x128xf32, #tpu.memory_space<vmem>>) offsets(%dma_start3A_477 : memref<128xi32, #tpu.memory_space<vmem>>) semaphore(%arg12 : memref<!tpu.dma_semaphore, #tpu.memory_space<semaphore_mem>>)
      %dma_wait3A_481 = arith.constant 0 : i32
      %dma_wait3A_482 = arith.constant 0 : i32
      %dma_wait3A_483 = tpu.memref_slice %arg7[%dma_wait3A_481, %dma_wait3A_482] : memref<16x128xi32, #tpu.memory_space<vmem>> -> memref<1x128xi32, #tpu.memory_space<vmem>>
      %dma_wait3A_484 = tpu.memref_squeeze %dma_wait3A_483 : memref<1x128xi32, #tpu.memory_space<vmem>> -> memref<128xi32, #tpu.memory_space<vmem>>
      %dma_wait3A_485 = arith.constant 0 : i32
      %dma_wait3A_486 = arith.constant 0 : i32
      %dma_wait3A_487 = tpu.memref_slice %arg2[%dma_wait3A_485, %dma_wait3A_486] : memref<10000x128xf32, #tpu.memory_space<hbm>> -> memref<10000x128xf32, #tpu.memory_space<hbm>>
      tpu.wait_indirect_dma semaphore(%arg11 : memref<!tpu.dma_semaphore, #tpu.memory_space<semaphore_mem>>) src(%dma_wait3A_487 : memref<10000x128xf32, #tpu.memory_space<hbm>>) dst(%arg8 : memref<128x128xf32, #tpu.memory_space<vmem>>)
      %dma_start3A_488 = arith.constant 12 : i32
      %dma_start3A_489 = arith.constant 0 : i32
      %dma_start3A_490 = tpu.memref_slice %arg7[%dma_start3A_488, %dma_start3A_489] : memref<16x128xi32, #tpu.memory_space<vmem>> -> memref<1x128xi32, #tpu.memory_space<vmem>>
      %dma_start3A_491 = tpu.memref_squeeze %dma_start3A_490 : memref<1x128xi32, #tpu.memory_space<vmem>> -> memref<128xi32, #tpu.memory_space<vmem>>
      %dma_start3A_492 = arith.constant 0 : i32
      %dma_start3A_493 = arith.constant 0 : i32
      %dma_start3A_494 = tpu.memref_slice %arg10[%dma_start3A_492, %dma_start3A_493] : memref<10240x128xf32, #tpu.memory_space<vmem_shared>> -> memref<10240x128xf32, #tpu.memory_space<vmem_shared>>
      tpu.enqueue_indirect_dma source(%arg8 : memref<128x128xf32, #tpu.memory_space<vmem>>) target(%dma_start3A_494 : memref<10240x128xf32, #tpu.memory_space<vmem_shared>>) offsets(%dma_start3A_491 : memref<128xi32, #tpu.memory_space<vmem>>) semaphore(%arg13 : memref<!tpu.dma_semaphore, #tpu.memory_space<semaphore_mem>>) {add = true}
      %dma_wait3A_495 = arith.constant 0 : i32
      %dma_wait3A_496 = arith.constant 0 : i32
      %dma_wait3A_497 = tpu.memref_slice %arg7[%dma_wait3A_495, %dma_wait3A_496] : memref<16x128xi32, #tpu.memory_space<vmem>> -> memref<1x128xi32, #tpu.memory_space<vmem>>
      %dma_wait3A_498 = tpu.memref_squeeze %dma_wait3A_497 : memref<1x128xi32, #tpu.memory_space<vmem>> -> memref<128xi32, #tpu.memory_space<vmem>>
      %dma_wait3A_499 = arith.constant 0 : i32
      %dma_wait3A_500 = arith.constant 0 : i32
      %dma_wait3A_501 = tpu.memref_slice %arg2[%dma_wait3A_499, %dma_wait3A_500] : memref<10000x128xf32, #tpu.memory_space<hbm>> -> memref<10000x128xf32, #tpu.memory_space<hbm>>
      tpu.wait_indirect_dma semaphore(%arg12 : memref<!tpu.dma_semaphore, #tpu.memory_space<semaphore_mem>>) src(%dma_wait3A_501 : memref<10000x128xf32, #tpu.memory_space<hbm>>) dst(%arg9 : memref<128x128xf32, #tpu.memory_space<vmem>>)
      %dma_start3A_502 = arith.constant 14 : i32
      %dma_start3A_503 = arith.constant 0 : i32
      %dma_start3A_504 = tpu.memref_slice %arg7[%dma_start3A_502, %dma_start3A_503] : memref<16x128xi32, #tpu.memory_space<vmem>> -> memref<1x128xi32, #tpu.memory_space<vmem>>
      %dma_start3A_505 = tpu.memref_squeeze %dma_start3A_504 : memref<1x128xi32, #tpu.memory_space<vmem>> -> memref<128xi32, #tpu.memory_space<vmem>>
      %dma_start3A_506 = arith.constant 0 : i32
      %dma_start3A_507 = arith.constant 0 : i32
      %dma_start3A_508 = tpu.memref_slice %arg10[%dma_start3A_506, %dma_start3A_507] : memref<10240x128xf32, #tpu.memory_space<vmem_shared>> -> memref<10240x128xf32, #tpu.memory_space<vmem_shared>>
      tpu.enqueue_indirect_dma source(%arg9 : memref<128x128xf32, #tpu.memory_space<vmem>>) target(%dma_start3A_508 : memref<10240x128xf32, #tpu.memory_space<vmem_shared>>) offsets(%dma_start3A_505 : memref<128xi32, #tpu.memory_space<vmem>>) semaphore(%arg14 : memref<!tpu.dma_semaphore, #tpu.memory_space<semaphore_mem>>) {add = true}
      %lt3A = arith.constant 4 : i32
      %lt3A_509 = arith.cmpi slt, %scan3A_37, %lt3A : i32
      %convert_element_type3A_510 = arith.extui %lt3A_509 : i1 to i32
      %cond3A_511 = arith.constant 0 : i32
      %cond3A_512 = arith.cmpi ne, %convert_element_type3A_510, %cond3A_511 : i32
      scf.if %cond3A_512 {
        %mul3A_513 = arith.constant 2 : i32
        %mul3A_514 = arith.muli %mul3A_513, %scan3A_37 : i32
        %add3A_515 = arith.addi %mul3A_4, %mul3A_514 : i32
        %add3A_516 = arith.constant 2 : i32
        %add3A_517 = arith.addi %add3A_515, %add3A_516 : i32
        %dma_start3A_518 = arith.constant 0 : i32
        %dma_start3A_519 = arith.constant 0 : i32
        %dma_start3A_520 = tpu.memref_slice %arg3[%add3A_517, %dma_start3A_518, %dma_start3A_519] : memref<320x16x128xi32, #tpu.memory_space<hbm>> -> memref<1x16x128xi32, #tpu.memory_space<hbm>>
        %dma_start3A_521 = tpu.memref_squeeze %dma_start3A_520 : memref<1x16x128xi32, #tpu.memory_space<hbm>> -> memref<16x128xi32, #tpu.memory_space<hbm>>
        %dma_start3A_522 = arith.constant 0 : i32
        %dma_start3A_523 = arith.constant 0 : i32
        %dma_start3A_524 = tpu.memref_slice %arg3[%add3A_517, %dma_start3A_522, %dma_start3A_523] : memref<320x16x128xi32, #tpu.memory_space<hbm>> -> memref<1x16x128xi32, #tpu.memory_space<hbm>>
        %dma_start3A_525 = tpu.memref_squeeze %dma_start3A_524 : memref<1x16x128xi32, #tpu.memory_space<hbm>> -> memref<16x128xi32, #tpu.memory_space<hbm>>
        tpu.enqueue_dma source(%dma_start3A_525 : memref<16x128xi32, #tpu.memory_space<hbm>>) target(%arg6 : memref<16x128xi32, #tpu.memory_space<vmem>>) target_semaphore(%arg15 : memref<!tpu.dma_semaphore, #tpu.memory_space<semaphore_mem>>)
      } else {
      }
    }
    %scan3A_22 = arith.constant 5 : i32
    %dma_wait3A = arith.constant 0 : i32
    %dma_wait3A_23 = arith.constant 0 : i32
    %dma_wait3A_24 = tpu.memref_slice %arg7[%dma_wait3A, %dma_wait3A_23] : memref<16x128xi32, #tpu.memory_space<vmem>> -> memref<1x128xi32, #tpu.memory_space<vmem>>
    %dma_wait3A_25 = tpu.memref_squeeze %dma_wait3A_24 : memref<1x128xi32, #tpu.memory_space<vmem>> -> memref<128xi32, #tpu.memory_space<vmem>>
    %dma_wait3A_26 = arith.constant 0 : i32
    %dma_wait3A_27 = arith.constant 0 : i32
    %dma_wait3A_28 = tpu.memref_slice %arg10[%dma_wait3A_26, %dma_wait3A_27] : memref<10240x128xf32, #tpu.memory_space<vmem_shared>> -> memref<10240x128xf32, #tpu.memory_space<vmem_shared>>
    tpu.wait_indirect_dma semaphore(%arg13 : memref<!tpu.dma_semaphore, #tpu.memory_space<semaphore_mem>>) src(%arg8 : memref<128x128xf32, #tpu.memory_space<vmem>>) dst(%dma_wait3A_28 : memref<10240x128xf32, #tpu.memory_space<vmem_shared>>)
    %dma_wait3A_29 = arith.constant 0 : i32
    %dma_wait3A_30 = arith.constant 0 : i32
    %dma_wait3A_31 = tpu.memref_slice %arg7[%dma_wait3A_29, %dma_wait3A_30] : memref<16x128xi32, #tpu.memory_space<vmem>> -> memref<1x128xi32, #tpu.memory_space<vmem>>
    %dma_wait3A_32 = tpu.memref_squeeze %dma_wait3A_31 : memref<1x128xi32, #tpu.memory_space<vmem>> -> memref<128xi32, #tpu.memory_space<vmem>>
    %dma_wait3A_33 = arith.constant 0 : i32
    %dma_wait3A_34 = arith.constant 0 : i32
    %dma_wait3A_35 = tpu.memref_slice %arg10[%dma_wait3A_33, %dma_wait3A_34] : memref<10240x128xf32, #tpu.memory_space<vmem_shared>> -> memref<10240x128xf32, #tpu.memory_space<vmem_shared>>
    tpu.wait_indirect_dma semaphore(%arg14 : memref<!tpu.dma_semaphore, #tpu.memory_space<semaphore_mem>>) src(%arg9 : memref<128x128xf32, #tpu.memory_space<vmem>>) dst(%dma_wait3A_35 : memref<10240x128xf32, #tpu.memory_space<vmem_shared>>)
    %barrier3A_36 = arith.constant 0 : index
    tpu.barrier barrier_id(%barrier3A_36)
    "tpu.region"() ({
      %run_scoped3A = tpu.sem_alloc : memref<!tpu.dma_semaphore, #tpu.memory_space<semaphore_mem>>
      %dma_start3A_37 = arith.constant 0 : i32
      %dma_start3A_38 = tpu.memref_slice %arg5[%arg0, %mul3A_2, %dma_start3A_37] : memref<2x10240x128xf32, #tpu.memory_space<hbm>> -> memref<1x640x128xf32, #tpu.memory_space<hbm>>
      %dma_start3A_39 = tpu.memref_squeeze %dma_start3A_38 : memref<1x640x128xf32, #tpu.memory_space<hbm>> -> memref<640x128xf32, #tpu.memory_space<hbm>>
      %dma_start3A_40 = arith.constant 0 : i32
      %dma_start3A_41 = tpu.memref_slice %arg10[%mul3A_2, %dma_start3A_40] : memref<10240x128xf32, #tpu.memory_space<vmem_shared>> -> memref<640x128xf32, #tpu.memory_space<vmem_shared>>
      tpu.enqueue_dma source(%dma_start3A_41 : memref<640x128xf32, #tpu.memory_space<vmem_shared>>) target(%dma_start3A_39 : memref<640x128xf32, #tpu.memory_space<hbm>>) target_semaphore(%run_scoped3A : memref<!tpu.dma_semaphore, #tpu.memory_space<semaphore_mem>>)
      %dma_wait3A_42 = arith.constant 0 : i32
      %dma_wait3A_43 = tpu.memref_slice %arg5[%arg0, %mul3A_2, %dma_wait3A_42] : memref<2x10240x128xf32, #tpu.memory_space<hbm>> -> memref<1x640x128xf32, #tpu.memory_space<hbm>>
      %dma_wait3A_44 = tpu.memref_squeeze %dma_wait3A_43 : memref<1x640x128xf32, #tpu.memory_space<hbm>> -> memref<640x128xf32, #tpu.memory_space<hbm>>
      %dma_wait3A_45 = arith.constant 0 : i32
      %dma_wait3A_46 = tpu.memref_slice %arg10[%mul3A_2, %dma_wait3A_45] : memref<10240x128xf32, #tpu.memory_space<vmem_shared>> -> memref<640x128xf32, #tpu.memory_space<vmem_shared>>
      tpu.wait_dma2 semaphore(%run_scoped3A : memref<!tpu.dma_semaphore, #tpu.memory_space<semaphore_mem>>) src(%dma_wait3A_46 : memref<640x128xf32, #tpu.memory_space<vmem_shared>>) dst(%dma_wait3A_44 : memref<640x128xf32, #tpu.memory_space<hbm>>)
      tpu.yield
    }) : () -> ()
    return
  }
}

#map = affine_map<(d0, d1) -> (0, 0, 0)>
#map1 = affine_map<(d0, d1) -> (0, 0)>
#map2 = affine_map<(d0, d1) -> (0, 0, 0, 0)>
module attributes {stable_mosaic.version = 14 : i64} {
  func.func @_sc_deg_body(%arg0: i32, %arg1: i32, %arg2: memref<320x16x128xi32, #tpu.memory_space<hbm>>, %arg3: memref<640x128xf32, #tpu.memory_space<hbm>>, %arg4: memref<2x16x160x128xf32, #tpu.memory_space<hbm>>, %arg5: memref<16x128xi32, #tpu.memory_space<vmem>>, %arg6: memref<160x128xf32, #tpu.memory_space<vmem>>) attributes {dimension_semantics = [#tpu.dimension_semantics<core_parallel>, #tpu.dimension_semantics<subcore_parallel>], iteration_bounds = array<i64: 2, 16>, scalar_prefetch = 0 : i64, scratch_operands = 2 : i64, tpu.core_type = #tpu.core_type<sc_vector_subcore>, window_params = [{transform_indices = #map}, {transform_indices = #map1}, {transform_indices = #map2}]} {
    %mul3A = arith.constant 2 : i32
    %mul3A_0 = arith.muli %arg1, %mul3A : i32
    %add3A = arith.addi %mul3A_0, %arg0 : i32
    "tpu.region"() ({
      %run_scoped3A = tpu.sem_alloc : memref<!tpu.dma_semaphore, #tpu.memory_space<semaphore_mem>>
      %dma_start3A = arith.constant 0 : i32
      %dma_start3A_36 = arith.constant 0 : i32
      %dma_start3A_37 = tpu.memref_slice %arg3[%dma_start3A, %dma_start3A_36] : memref<640x128xf32, #tpu.memory_space<hbm>> -> memref<160x128xf32, #tpu.memory_space<hbm>>
      %dma_start3A_38 = arith.constant 0 : i32
      %dma_start3A_39 = arith.constant 0 : i32
      %dma_start3A_40 = tpu.memref_slice %arg3[%dma_start3A_38, %dma_start3A_39] : memref<640x128xf32, #tpu.memory_space<hbm>> -> memref<160x128xf32, #tpu.memory_space<hbm>>
      tpu.enqueue_dma source(%dma_start3A_40 : memref<160x128xf32, #tpu.memory_space<hbm>>) target(%arg6 : memref<160x128xf32, #tpu.memory_space<vmem>>) target_semaphore(%run_scoped3A : memref<!tpu.dma_semaphore, #tpu.memory_space<semaphore_mem>>)
      %dma_wait3A = arith.constant 0 : i32
      %dma_wait3A_41 = arith.constant 0 : i32
      %dma_wait3A_42 = tpu.memref_slice %arg3[%dma_wait3A, %dma_wait3A_41] : memref<640x128xf32, #tpu.memory_space<hbm>> -> memref<160x128xf32, #tpu.memory_space<hbm>>
      %dma_wait3A_43 = arith.constant 0 : i32
      %dma_wait3A_44 = arith.constant 0 : i32
      %dma_wait3A_45 = tpu.memref_slice %arg3[%dma_wait3A_43, %dma_wait3A_44] : memref<640x128xf32, #tpu.memory_space<hbm>> -> memref<160x128xf32, #tpu.memory_space<hbm>>
      tpu.wait_dma2 semaphore(%run_scoped3A : memref<!tpu.dma_semaphore, #tpu.memory_space<semaphore_mem>>) src(%dma_wait3A_45 : memref<160x128xf32, #tpu.memory_space<hbm>>) dst(%arg6 : memref<160x128xf32, #tpu.memory_space<vmem>>)
      tpu.yield
    }) : () -> ()
    %iota3A = tpu.iota {dimensions = array<i32: 0>} : vector<16xi32>
    %and3A = arith.constant 1 : i32
    %and3A_1 = vector.broadcast %and3A : i32 to vector<16xi32>
    %and3A_2 = arith.andi %iota3A, %and3A_1 : vector<16xi32>
    %shift_right_arithmetic3A = arith.constant 1 : i32
    %shift_right_arithmetic3A_3 = vector.broadcast %shift_right_arithmetic3A : i32 to vector<16xi32>
    %shift_right_arithmetic3A_4 = arith.shrsi %iota3A, %shift_right_arithmetic3A_3 : vector<16xi32>
    %eq3A = arith.constant 0 : i32
    %eq3A_5 = vector.broadcast %eq3A : i32 to vector<16xi32>
    %eq3A_6 = arith.cmpi eq, %shift_right_arithmetic3A_4, %eq3A_5 : vector<16xi32>
    %eq3A_7 = arith.constant 1 : i32
    %eq3A_8 = vector.broadcast %eq3A_7 : i32 to vector<16xi32>
    %eq3A_9 = arith.cmpi eq, %shift_right_arithmetic3A_4, %eq3A_8 : vector<16xi32>
    %eq3A_10 = arith.constant 2 : i32
    %eq3A_11 = vector.broadcast %eq3A_10 : i32 to vector<16xi32>
    %eq3A_12 = arith.cmpi eq, %shift_right_arithmetic3A_4, %eq3A_11 : vector<16xi32>
    %eq3A_13 = arith.constant 3 : i32
    %eq3A_14 = vector.broadcast %eq3A_13 : i32 to vector<16xi32>
    %eq3A_15 = arith.cmpi eq, %shift_right_arithmetic3A_4, %eq3A_14 : vector<16xi32>
    %eq3A_16 = arith.constant 4 : i32
    %eq3A_17 = vector.broadcast %eq3A_16 : i32 to vector<16xi32>
    %eq3A_18 = arith.cmpi eq, %shift_right_arithmetic3A_4, %eq3A_17 : vector<16xi32>
    %eq3A_19 = arith.constant 5 : i32
    %eq3A_20 = vector.broadcast %eq3A_19 : i32 to vector<16xi32>
    %eq3A_21 = arith.cmpi eq, %shift_right_arithmetic3A_4, %eq3A_20 : vector<16xi32>
    %eq3A_22 = arith.constant 6 : i32
    %eq3A_23 = vector.broadcast %eq3A_22 : i32 to vector<16xi32>
    %eq3A_24 = arith.cmpi eq, %shift_right_arithmetic3A_4, %eq3A_23 : vector<16xi32>
    %eq3A_25 = arith.constant 7 : i32
    %eq3A_26 = vector.broadcast %eq3A_25 : i32 to vector<16xi32>
    %eq3A_27 = arith.cmpi eq, %shift_right_arithmetic3A_4, %eq3A_26 : vector<16xi32>
    %broadcast_in_dim3A = arith.constant 1.000000e+00 : f32
    %broadcast_in_dim3A_28 = vector.broadcast %broadcast_in_dim3A : f32 to vector<16xf32>
    %mul3A_29 = arith.constant 10 : i32
    %mul3A_30 = arith.muli %add3A, %mul3A_29 : i32
    %scan3A = arith.constant 0 : i32
    %scan3A_31 = arith.constant 0 : i32
    %scan3A_32 = arith.constant 10 : i32
    %scan3A_33 = arith.addi %scan3A_31, %scan3A_32 : i32
    %scan3A_34 = arith.constant 1 : i32
    scf.for %scan3A_36 = %scan3A_31 to %scan3A_33 step %scan3A_34  : i32 {
      %add3A_37 = arith.addi %mul3A_30, %scan3A_36 : i32
      "tpu.region"() ({
        %run_scoped3A = tpu.sem_alloc : memref<!tpu.dma_semaphore, #tpu.memory_space<semaphore_mem>>
        %dma_start3A = arith.constant 0 : i32
        %dma_start3A_86 = arith.constant 0 : i32
        %dma_start3A_87 = tpu.memref_slice %arg2[%add3A_37, %dma_start3A, %dma_start3A_86] : memref<320x16x128xi32, #tpu.memory_space<hbm>> -> memref<1x16x128xi32, #tpu.memory_space<hbm>>
        %dma_start3A_88 = tpu.memref_squeeze %dma_start3A_87 : memref<1x16x128xi32, #tpu.memory_space<hbm>> -> memref<16x128xi32, #tpu.memory_space<hbm>>
        %dma_start3A_89 = arith.constant 0 : i32
        %dma_start3A_90 = arith.constant 0 : i32
        %dma_start3A_91 = tpu.memref_slice %arg2[%add3A_37, %dma_start3A_89, %dma_start3A_90] : memref<320x16x128xi32, #tpu.memory_space<hbm>> -> memref<1x16x128xi32, #tpu.memory_space<hbm>>
        %dma_start3A_92 = tpu.memref_squeeze %dma_start3A_91 : memref<1x16x128xi32, #tpu.memory_space<hbm>> -> memref<16x128xi32, #tpu.memory_space<hbm>>
        tpu.enqueue_dma source(%dma_start3A_92 : memref<16x128xi32, #tpu.memory_space<hbm>>) target(%arg5 : memref<16x128xi32, #tpu.memory_space<vmem>>) target_semaphore(%run_scoped3A : memref<!tpu.dma_semaphore, #tpu.memory_space<semaphore_mem>>)
        %dma_wait3A = arith.constant 0 : i32
        %dma_wait3A_93 = arith.constant 0 : i32
        %dma_wait3A_94 = tpu.memref_slice %arg2[%add3A_37, %dma_wait3A, %dma_wait3A_93] : memref<320x16x128xi32, #tpu.memory_space<hbm>> -> memref<1x16x128xi32, #tpu.memory_space<hbm>>
        %dma_wait3A_95 = tpu.memref_squeeze %dma_wait3A_94 : memref<1x16x128xi32, #tpu.memory_space<hbm>> -> memref<16x128xi32, #tpu.memory_space<hbm>>
        %dma_wait3A_96 = arith.constant 0 : i32
        %dma_wait3A_97 = arith.constant 0 : i32
        %dma_wait3A_98 = tpu.memref_slice %arg2[%add3A_37, %dma_wait3A_96, %dma_wait3A_97] : memref<320x16x128xi32, #tpu.memory_space<hbm>> -> memref<1x16x128xi32, #tpu.memory_space<hbm>>
        %dma_wait3A_99 = tpu.memref_squeeze %dma_wait3A_98 : memref<1x16x128xi32, #tpu.memory_space<hbm>> -> memref<16x128xi32, #tpu.memory_space<hbm>>
        tpu.wait_dma2 semaphore(%run_scoped3A : memref<!tpu.dma_semaphore, #tpu.memory_space<semaphore_mem>>) src(%dma_wait3A_99 : memref<16x128xi32, #tpu.memory_space<hbm>>) dst(%arg5 : memref<16x128xi32, #tpu.memory_space<vmem>>)
        tpu.yield
      }) : () -> ()
      %scan3A_38 = arith.constant 0 : i32
      %scan3A_39 = arith.constant 0 : i32
      %scan3A_40 = arith.constant 8 : i32
      %scan3A_41 = arith.addi %scan3A_39, %scan3A_40 : i32
      %scan3A_42 = arith.constant 1 : i32
      scf.for %scan3A_86 = %scan3A_39 to %scan3A_41 step %scan3A_42  : i32 {
        %mul3A_87 = arith.constant 16 : i32
        %mul3A_88 = arith.muli %scan3A_86, %mul3A_87 : i32
        %get3A = arith.constant 0 : i32
        %get3A_89 = arith.index_cast %get3A : i32 to index
        %get3A_90 = arith.index_cast %mul3A_88 : i32 to index
        %get3A_91 = tpu.vector_load %arg5[%get3A_89, %get3A_90] {strides = array<i32>} : memref<16x128xi32, #tpu.memory_space<vmem>>, vector<16xi32>,
        %shift_left3A = arith.constant 1 : i32
        %shift_left3A_92 = vector.broadcast %shift_left3A : i32 to vector<16xi32>
        %shift_left3A_93 = arith.shli %get3A_91, %shift_left3A_92 : vector<16xi32>
        %add3A_94 = arith.addi %shift_left3A_93, %and3A_2 : vector<16xi32>
        %shift_right_arithmetic3A_95 = arith.constant 7 : i32
        %shift_right_arithmetic3A_96 = vector.broadcast %shift_right_arithmetic3A_95 : i32 to vector<16xi32>
        %shift_right_arithmetic3A_97 = arith.shrsi %add3A_94, %shift_right_arithmetic3A_96 : vector<16xi32>
        %and3A_98 = arith.constant 127 : i32
        %and3A_99 = vector.broadcast %and3A_98 : i32 to vector<16xi32>
        %and3A_100 = arith.andi %add3A_94, %and3A_99 : vector<16xi32>
        tpu.vector_store_idx %arg6[%shift_right_arithmetic3A_97, %and3A_100], %broadcast_in_dim3A_28 masked %eq3A_6 {add = true} : memref<160x128xf32, #tpu.memory_space<vmem>>[vector<16xi32>, vector<16xi32>], vector<16xf32>, vector<16xi1>
        tpu.vector_store_idx %arg6[%shift_right_arithmetic3A_97, %and3A_100], %broadcast_in_dim3A_28 masked %eq3A_9 {add = true} : memref<160x128xf32, #tpu.memory_space<vmem>>[vector<16xi32>, vector<16xi32>], vector<16xf32>, vector<16xi1>
        tpu.vector_store_idx %arg6[%shift_right_arithmetic3A_97, %and3A_100], %broadcast_in_dim3A_28 masked %eq3A_12 {add = true} : memref<160x128xf32, #tpu.memory_space<vmem>>[vector<16xi32>, vector<16xi32>], vector<16xf32>, vector<16xi1>
        tpu.vector_store_idx %arg6[%shift_right_arithmetic3A_97, %and3A_100], %broadcast_in_dim3A_28 masked %eq3A_15 {add = true} : memref<160x128xf32, #tpu.memory_space<vmem>>[vector<16xi32>, vector<16xi32>], vector<16xf32>, vector<16xi1>
        tpu.vector_store_idx %arg6[%shift_right_arithmetic3A_97, %and3A_100], %broadcast_in_dim3A_28 masked %eq3A_18 {add = true} : memref<160x128xf32, #tpu.memory_space<vmem>>[vector<16xi32>, vector<16xi32>], vector<16xf32>, vector<16xi1>
        tpu.vector_store_idx %arg6[%shift_right_arithmetic3A_97, %and3A_100], %broadcast_in_dim3A_28 masked %eq3A_21 {add = true} : memref<160x128xf32, #tpu.memory_space<vmem>>[vector<16xi32>, vector<16xi32>], vector<16xf32>, vector<16xi1>
        tpu.vector_store_idx %arg6[%shift_right_arithmetic3A_97, %and3A_100], %broadcast_in_dim3A_28 masked %eq3A_24 {add = true} : memref<160x128xf32, #tpu.memory_space<vmem>>[vector<16xi32>, vector<16xi32>], vector<16xf32>, vector<16xi1>
        tpu.vector_store_idx %arg6[%shift_right_arithmetic3A_97, %and3A_100], %broadcast_in_dim3A_28 masked %eq3A_27 {add = true} : memref<160x128xf32, #tpu.memory_space<vmem>>[vector<16xi32>, vector<16xi32>], vector<16xf32>, vector<16xi1>
      }
      %scan3A_43 = arith.constant 8 : i32
      %scan3A_44 = arith.constant 0 : i32
      %scan3A_45 = arith.constant 0 : i32
      %scan3A_46 = arith.constant 8 : i32
      %scan3A_47 = arith.addi %scan3A_45, %scan3A_46 : i32
      %scan3A_48 = arith.constant 1 : i32
      scf.for %scan3A_86 = %scan3A_45 to %scan3A_47 step %scan3A_48  : i32 {
        %mul3A_87 = arith.constant 16 : i32
        %mul3A_88 = arith.muli %scan3A_86, %mul3A_87 : i32
        %get3A = arith.constant 2 : i32
        %get3A_89 = arith.index_cast %get3A : i32 to index
        %get3A_90 = arith.index_cast %mul3A_88 : i32 to index
        %get3A_91 = tpu.vector_load %arg5[%get3A_89, %get3A_90] {strides = array<i32>} : memref<16x128xi32, #tpu.memory_space<vmem>>, vector<16xi32>,
        %shift_left3A = arith.constant 1 : i32
        %shift_left3A_92 = vector.broadcast %shift_left3A : i32 to vector<16xi32>
        %shift_left3A_93 = arith.shli %get3A_91, %shift_left3A_92 : vector<16xi32>
        %add3A_94 = arith.addi %shift_left3A_93, %and3A_2 : vector<16xi32>
        %shift_right_arithmetic3A_95 = arith.constant 7 : i32
        %shift_right_arithmetic3A_96 = vector.broadcast %shift_right_arithmetic3A_95 : i32 to vector<16xi32>
        %shift_right_arithmetic3A_97 = arith.shrsi %add3A_94, %shift_right_arithmetic3A_96 : vector<16xi32>
        %and3A_98 = arith.constant 127 : i32
        %and3A_99 = vector.broadcast %and3A_98 : i32 to vector<16xi32>
        %and3A_100 = arith.andi %add3A_94, %and3A_99 : vector<16xi32>
        tpu.vector_store_idx %arg6[%shift_right_arithmetic3A_97, %and3A_100], %broadcast_in_dim3A_28 masked %eq3A_6 {add = true} : memref<160x128xf32, #tpu.memory_space<vmem>>[vector<16xi32>, vector<16xi32>], vector<16xf32>, vector<16xi1>
        tpu.vector_store_idx %arg6[%shift_right_arithmetic3A_97, %and3A_100], %broadcast_in_dim3A_28 masked %eq3A_9 {add = true} : memref<160x128xf32, #tpu.memory_space<vmem>>[vector<16xi32>, vector<16xi32>], vector<16xf32>, vector<16xi1>
        tpu.vector_store_idx %arg6[%shift_right_arithmetic3A_97, %and3A_100], %broadcast_in_dim3A_28 masked %eq3A_12 {add = true} : memref<160x128xf32, #tpu.memory_space<vmem>>[vector<16xi32>, vector<16xi32>], vector<16xf32>, vector<16xi1>
        tpu.vector_store_idx %arg6[%shift_right_arithmetic3A_97, %and3A_100], %broadcast_in_dim3A_28 masked %eq3A_15 {add = true} : memref<160x128xf32, #tpu.memory_space<vmem>>[vector<16xi32>, vector<16xi32>], vector<16xf32>, vector<16xi1>
        tpu.vector_store_idx %arg6[%shift_right_arithmetic3A_97, %and3A_100], %broadcast_in_dim3A_28 masked %eq3A_18 {add = true} : memref<160x128xf32, #tpu.memory_space<vmem>>[vector<16xi32>, vector<16xi32>], vector<16xf32>, vector<16xi1>
        tpu.vector_store_idx %arg6[%shift_right_arithmetic3A_97, %and3A_100], %broadcast_in_dim3A_28 masked %eq3A_21 {add = true} : memref<160x128xf32, #tpu.memory_space<vmem>>[vector<16xi32>, vector<16xi32>], vector<16xf32>, vector<16xi1>
        tpu.vector_store_idx %arg6[%shift_right_arithmetic3A_97, %and3A_100], %broadcast_in_dim3A_28 masked %eq3A_24 {add = true} : memref<160x128xf32, #tpu.memory_space<vmem>>[vector<16xi32>, vector<16xi32>], vector<16xf32>, vector<16xi1>
        tpu.vector_store_idx %arg6[%shift_right_arithmetic3A_97, %and3A_100], %broadcast_in_dim3A_28 masked %eq3A_27 {add = true} : memref<160x128xf32, #tpu.memory_space<vmem>>[vector<16xi32>, vector<16xi32>], vector<16xf32>, vector<16xi1>
      }
      %scan3A_49 = arith.constant 8 : i32
      %scan3A_50 = arith.constant 0 : i32
      %scan3A_51 = arith.constant 0 : i32
      %scan3A_52 = arith.constant 8 : i32
      %scan3A_53 = arith.addi %scan3A_51, %scan3A_52 : i32
      %scan3A_54 = arith.constant 1 : i32
      scf.for %scan3A_86 = %scan3A_51 to %scan3A_53 step %scan3A_54  : i32 {
        %mul3A_87 = arith.constant 16 : i32
        %mul3A_88 = arith.muli %scan3A_86, %mul3A_87 : i32
        %get3A = arith.constant 4 : i32
        %get3A_89 = arith.index_cast %get3A : i32 to index
        %get3A_90 = arith.index_cast %mul3A_88 : i32 to index
        %get3A_91 = tpu.vector_load %arg5[%get3A_89, %get3A_90] {strides = array<i32>} : memref<16x128xi32, #tpu.memory_space<vmem>>, vector<16xi32>,
        %shift_left3A = arith.constant 1 : i32
        %shift_left3A_92 = vector.broadcast %shift_left3A : i32 to vector<16xi32>
        %shift_left3A_93 = arith.shli %get3A_91, %shift_left3A_92 : vector<16xi32>
        %add3A_94 = arith.addi %shift_left3A_93, %and3A_2 : vector<16xi32>
        %shift_right_arithmetic3A_95 = arith.constant 7 : i32
        %shift_right_arithmetic3A_96 = vector.broadcast %shift_right_arithmetic3A_95 : i32 to vector<16xi32>
        %shift_right_arithmetic3A_97 = arith.shrsi %add3A_94, %shift_right_arithmetic3A_96 : vector<16xi32>
        %and3A_98 = arith.constant 127 : i32
        %and3A_99 = vector.broadcast %and3A_98 : i32 to vector<16xi32>
        %and3A_100 = arith.andi %add3A_94, %and3A_99 : vector<16xi32>
        tpu.vector_store_idx %arg6[%shift_right_arithmetic3A_97, %and3A_100], %broadcast_in_dim3A_28 masked %eq3A_6 {add = true} : memref<160x128xf32, #tpu.memory_space<vmem>>[vector<16xi32>, vector<16xi32>], vector<16xf32>, vector<16xi1>
        tpu.vector_store_idx %arg6[%shift_right_arithmetic3A_97, %and3A_100], %broadcast_in_dim3A_28 masked %eq3A_9 {add = true} : memref<160x128xf32, #tpu.memory_space<vmem>>[vector<16xi32>, vector<16xi32>], vector<16xf32>, vector<16xi1>
        tpu.vector_store_idx %arg6[%shift_right_arithmetic3A_97, %and3A_100], %broadcast_in_dim3A_28 masked %eq3A_12 {add = true} : memref<160x128xf32, #tpu.memory_space<vmem>>[vector<16xi32>, vector<16xi32>], vector<16xf32>, vector<16xi1>
        tpu.vector_store_idx %arg6[%shift_right_arithmetic3A_97, %and3A_100], %broadcast_in_dim3A_28 masked %eq3A_15 {add = true} : memref<160x128xf32, #tpu.memory_space<vmem>>[vector<16xi32>, vector<16xi32>], vector<16xf32>, vector<16xi1>
        tpu.vector_store_idx %arg6[%shift_right_arithmetic3A_97, %and3A_100], %broadcast_in_dim3A_28 masked %eq3A_18 {add = true} : memref<160x128xf32, #tpu.memory_space<vmem>>[vector<16xi32>, vector<16xi32>], vector<16xf32>, vector<16xi1>
        tpu.vector_store_idx %arg6[%shift_right_arithmetic3A_97, %and3A_100], %broadcast_in_dim3A_28 masked %eq3A_21 {add = true} : memref<160x128xf32, #tpu.memory_space<vmem>>[vector<16xi32>, vector<16xi32>], vector<16xf32>, vector<16xi1>
        tpu.vector_store_idx %arg6[%shift_right_arithmetic3A_97, %and3A_100], %broadcast_in_dim3A_28 masked %eq3A_24 {add = true} : memref<160x128xf32, #tpu.memory_space<vmem>>[vector<16xi32>, vector<16xi32>], vector<16xf32>, vector<16xi1>
        tpu.vector_store_idx %arg6[%shift_right_arithmetic3A_97, %and3A_100], %broadcast_in_dim3A_28 masked %eq3A_27 {add = true} : memref<160x128xf32, #tpu.memory_space<vmem>>[vector<16xi32>, vector<16xi32>], vector<16xf32>, vector<16xi1>
      }
      %scan3A_55 = arith.constant 8 : i32
      %scan3A_56 = arith.constant 0 : i32
      %scan3A_57 = arith.constant 0 : i32
      %scan3A_58 = arith.constant 8 : i32
      %scan3A_59 = arith.addi %scan3A_57, %scan3A_58 : i32
      %scan3A_60 = arith.constant 1 : i32
      scf.for %scan3A_86 = %scan3A_57 to %scan3A_59 step %scan3A_60  : i32 {
        %mul3A_87 = arith.constant 16 : i32
        %mul3A_88 = arith.muli %scan3A_86, %mul3A_87 : i32
        %get3A = arith.constant 6 : i32
        %get3A_89 = arith.index_cast %get3A : i32 to index
        %get3A_90 = arith.index_cast %mul3A_88 : i32 to index
        %get3A_91 = tpu.vector_load %arg5[%get3A_89, %get3A_90] {strides = array<i32>} : memref<16x128xi32, #tpu.memory_space<vmem>>, vector<16xi32>,
        %shift_left3A = arith.constant 1 : i32
        %shift_left3A_92 = vector.broadcast %shift_left3A : i32 to vector<16xi32>
        %shift_left3A_93 = arith.shli %get3A_91, %shift_left3A_92 : vector<16xi32>
        %add3A_94 = arith.addi %shift_left3A_93, %and3A_2 : vector<16xi32>
        %shift_right_arithmetic3A_95 = arith.constant 7 : i32
        %shift_right_arithmetic3A_96 = vector.broadcast %shift_right_arithmetic3A_95 : i32 to vector<16xi32>
        %shift_right_arithmetic3A_97 = arith.shrsi %add3A_94, %shift_right_arithmetic3A_96 : vector<16xi32>
        %and3A_98 = arith.constant 127 : i32
        %and3A_99 = vector.broadcast %and3A_98 : i32 to vector<16xi32>
        %and3A_100 = arith.andi %add3A_94, %and3A_99 : vector<16xi32>
        tpu.vector_store_idx %arg6[%shift_right_arithmetic3A_97, %and3A_100], %broadcast_in_dim3A_28 masked %eq3A_6 {add = true} : memref<160x128xf32, #tpu.memory_space<vmem>>[vector<16xi32>, vector<16xi32>], vector<16xf32>, vector<16xi1>
        tpu.vector_store_idx %arg6[%shift_right_arithmetic3A_97, %and3A_100], %broadcast_in_dim3A_28 masked %eq3A_9 {add = true} : memref<160x128xf32, #tpu.memory_space<vmem>>[vector<16xi32>, vector<16xi32>], vector<16xf32>, vector<16xi1>
        tpu.vector_store_idx %arg6[%shift_right_arithmetic3A_97, %and3A_100], %broadcast_in_dim3A_28 masked %eq3A_12 {add = true} : memref<160x128xf32, #tpu.memory_space<vmem>>[vector<16xi32>, vector<16xi32>], vector<16xf32>, vector<16xi1>
        tpu.vector_store_idx %arg6[%shift_right_arithmetic3A_97, %and3A_100], %broadcast_in_dim3A_28 masked %eq3A_15 {add = true} : memref<160x128xf32, #tpu.memory_space<vmem>>[vector<16xi32>, vector<16xi32>], vector<16xf32>, vector<16xi1>
        tpu.vector_store_idx %arg6[%shift_right_arithmetic3A_97, %and3A_100], %broadcast_in_dim3A_28 masked %eq3A_18 {add = true} : memref<160x128xf32, #tpu.memory_space<vmem>>[vector<16xi32>, vector<16xi32>], vector<16xf32>, vector<16xi1>
        tpu.vector_store_idx %arg6[%shift_right_arithmetic3A_97, %and3A_100], %broadcast_in_dim3A_28 masked %eq3A_21 {add = true} : memref<160x128xf32, #tpu.memory_space<vmem>>[vector<16xi32>, vector<16xi32>], vector<16xf32>, vector<16xi1>
        tpu.vector_store_idx %arg6[%shift_right_arithmetic3A_97, %and3A_100], %broadcast_in_dim3A_28 masked %eq3A_24 {add = true} : memref<160x128xf32, #tpu.memory_space<vmem>>[vector<16xi32>, vector<16xi32>], vector<16xf32>, vector<16xi1>
        tpu.vector_store_idx %arg6[%shift_right_arithmetic3A_97, %and3A_100], %broadcast_in_dim3A_28 masked %eq3A_27 {add = true} : memref<160x128xf32, #tpu.memory_space<vmem>>[vector<16xi32>, vector<16xi32>], vector<16xf32>, vector<16xi1>
      }
      %scan3A_61 = arith.constant 8 : i32
      %scan3A_62 = arith.constant 0 : i32
      %scan3A_63 = arith.constant 0 : i32
      %scan3A_64 = arith.constant 8 : i32
      %scan3A_65 = arith.addi %scan3A_63, %scan3A_64 : i32
      %scan3A_66 = arith.constant 1 : i32
      scf.for %scan3A_86 = %scan3A_63 to %scan3A_65 step %scan3A_66  : i32 {
        %mul3A_87 = arith.constant 16 : i32
        %mul3A_88 = arith.muli %scan3A_86, %mul3A_87 : i32
        %get3A = arith.constant 8 : i32
        %get3A_89 = arith.index_cast %get3A : i32 to index
        %get3A_90 = arith.index_cast %mul3A_88 : i32 to index
        %get3A_91 = tpu.vector_load %arg5[%get3A_89, %get3A_90] {strides = array<i32>} : memref<16x128xi32, #tpu.memory_space<vmem>>, vector<16xi32>,
        %shift_left3A = arith.constant 1 : i32
        %shift_left3A_92 = vector.broadcast %shift_left3A : i32 to vector<16xi32>
        %shift_left3A_93 = arith.shli %get3A_91, %shift_left3A_92 : vector<16xi32>
        %add3A_94 = arith.addi %shift_left3A_93, %and3A_2 : vector<16xi32>
        %shift_right_arithmetic3A_95 = arith.constant 7 : i32
        %shift_right_arithmetic3A_96 = vector.broadcast %shift_right_arithmetic3A_95 : i32 to vector<16xi32>
        %shift_right_arithmetic3A_97 = arith.shrsi %add3A_94, %shift_right_arithmetic3A_96 : vector<16xi32>
        %and3A_98 = arith.constant 127 : i32
        %and3A_99 = vector.broadcast %and3A_98 : i32 to vector<16xi32>
        %and3A_100 = arith.andi %add3A_94, %and3A_99 : vector<16xi32>
        tpu.vector_store_idx %arg6[%shift_right_arithmetic3A_97, %and3A_100], %broadcast_in_dim3A_28 masked %eq3A_6 {add = true} : memref<160x128xf32, #tpu.memory_space<vmem>>[vector<16xi32>, vector<16xi32>], vector<16xf32>, vector<16xi1>
        tpu.vector_store_idx %arg6[%shift_right_arithmetic3A_97, %and3A_100], %broadcast_in_dim3A_28 masked %eq3A_9 {add = true} : memref<160x128xf32, #tpu.memory_space<vmem>>[vector<16xi32>, vector<16xi32>], vector<16xf32>, vector<16xi1>
        tpu.vector_store_idx %arg6[%shift_right_arithmetic3A_97, %and3A_100], %broadcast_in_dim3A_28 masked %eq3A_12 {add = true} : memref<160x128xf32, #tpu.memory_space<vmem>>[vector<16xi32>, vector<16xi32>], vector<16xf32>, vector<16xi1>
        tpu.vector_store_idx %arg6[%shift_right_arithmetic3A_97, %and3A_100], %broadcast_in_dim3A_28 masked %eq3A_15 {add = true} : memref<160x128xf32, #tpu.memory_space<vmem>>[vector<16xi32>, vector<16xi32>], vector<16xf32>, vector<16xi1>
        tpu.vector_store_idx %arg6[%shift_right_arithmetic3A_97, %and3A_100], %broadcast_in_dim3A_28 masked %eq3A_18 {add = true} : memref<160x128xf32, #tpu.memory_space<vmem>>[vector<16xi32>, vector<16xi32>], vector<16xf32>, vector<16xi1>
        tpu.vector_store_idx %arg6[%shift_right_arithmetic3A_97, %and3A_100], %broadcast_in_dim3A_28 masked %eq3A_21 {add = true} : memref<160x128xf32, #tpu.memory_space<vmem>>[vector<16xi32>, vector<16xi32>], vector<16xf32>, vector<16xi1>
        tpu.vector_store_idx %arg6[%shift_right_arithmetic3A_97, %and3A_100], %broadcast_in_dim3A_28 masked %eq3A_24 {add = true} : memref<160x128xf32, #tpu.memory_space<vmem>>[vector<16xi32>, vector<16xi32>], vector<16xf32>, vector<16xi1>
        tpu.vector_store_idx %arg6[%shift_right_arithmetic3A_97, %and3A_100], %broadcast_in_dim3A_28 masked %eq3A_27 {add = true} : memref<160x128xf32, #tpu.memory_space<vmem>>[vector<16xi32>, vector<16xi32>], vector<16xf32>, vector<16xi1>
      }
      %scan3A_67 = arith.constant 8 : i32
      %scan3A_68 = arith.constant 0 : i32
      %scan3A_69 = arith.constant 0 : i32
      %scan3A_70 = arith.constant 8 : i32
      %scan3A_71 = arith.addi %scan3A_69, %scan3A_70 : i32
      %scan3A_72 = arith.constant 1 : i32
      scf.for %scan3A_86 = %scan3A_69 to %scan3A_71 step %scan3A_72  : i32 {
        %mul3A_87 = arith.constant 16 : i32
        %mul3A_88 = arith.muli %scan3A_86, %mul3A_87 : i32
        %get3A = arith.constant 10 : i32
        %get3A_89 = arith.index_cast %get3A : i32 to index
        %get3A_90 = arith.index_cast %mul3A_88 : i32 to index
        %get3A_91 = tpu.vector_load %arg5[%get3A_89, %get3A_90] {strides = array<i32>} : memref<16x128xi32, #tpu.memory_space<vmem>>, vector<16xi32>,
        %shift_left3A = arith.constant 1 : i32
        %shift_left3A_92 = vector.broadcast %shift_left3A : i32 to vector<16xi32>
        %shift_left3A_93 = arith.shli %get3A_91, %shift_left3A_92 : vector<16xi32>
        %add3A_94 = arith.addi %shift_left3A_93, %and3A_2 : vector<16xi32>
        %shift_right_arithmetic3A_95 = arith.constant 7 : i32
        %shift_right_arithmetic3A_96 = vector.broadcast %shift_right_arithmetic3A_95 : i32 to vector<16xi32>
        %shift_right_arithmetic3A_97 = arith.shrsi %add3A_94, %shift_right_arithmetic3A_96 : vector<16xi32>
        %and3A_98 = arith.constant 127 : i32
        %and3A_99 = vector.broadcast %and3A_98 : i32 to vector<16xi32>
        %and3A_100 = arith.andi %add3A_94, %and3A_99 : vector<16xi32>
        tpu.vector_store_idx %arg6[%shift_right_arithmetic3A_97, %and3A_100], %broadcast_in_dim3A_28 masked %eq3A_6 {add = true} : memref<160x128xf32, #tpu.memory_space<vmem>>[vector<16xi32>, vector<16xi32>], vector<16xf32>, vector<16xi1>
        tpu.vector_store_idx %arg6[%shift_right_arithmetic3A_97, %and3A_100], %broadcast_in_dim3A_28 masked %eq3A_9 {add = true} : memref<160x128xf32, #tpu.memory_space<vmem>>[vector<16xi32>, vector<16xi32>], vector<16xf32>, vector<16xi1>
        tpu.vector_store_idx %arg6[%shift_right_arithmetic3A_97, %and3A_100], %broadcast_in_dim3A_28 masked %eq3A_12 {add = true} : memref<160x128xf32, #tpu.memory_space<vmem>>[vector<16xi32>, vector<16xi32>], vector<16xf32>, vector<16xi1>
        tpu.vector_store_idx %arg6[%shift_right_arithmetic3A_97, %and3A_100], %broadcast_in_dim3A_28 masked %eq3A_15 {add = true} : memref<160x128xf32, #tpu.memory_space<vmem>>[vector<16xi32>, vector<16xi32>], vector<16xf32>, vector<16xi1>
        tpu.vector_store_idx %arg6[%shift_right_arithmetic3A_97, %and3A_100], %broadcast_in_dim3A_28 masked %eq3A_18 {add = true} : memref<160x128xf32, #tpu.memory_space<vmem>>[vector<16xi32>, vector<16xi32>], vector<16xf32>, vector<16xi1>
        tpu.vector_store_idx %arg6[%shift_right_arithmetic3A_97, %and3A_100], %broadcast_in_dim3A_28 masked %eq3A_21 {add = true} : memref<160x128xf32, #tpu.memory_space<vmem>>[vector<16xi32>, vector<16xi32>], vector<16xf32>, vector<16xi1>
        tpu.vector_store_idx %arg6[%shift_right_arithmetic3A_97, %and3A_100], %broadcast_in_dim3A_28 masked %eq3A_24 {add = true} : memref<160x128xf32, #tpu.memory_space<vmem>>[vector<16xi32>, vector<16xi32>], vector<16xf32>, vector<16xi1>
        tpu.vector_store_idx %arg6[%shift_right_arithmetic3A_97, %and3A_100], %broadcast_in_dim3A_28 masked %eq3A_27 {add = true} : memref<160x128xf32, #tpu.memory_space<vmem>>[vector<16xi32>, vector<16xi32>], vector<16xf32>, vector<16xi1>
      }
      %scan3A_73 = arith.constant 8 : i32
      %scan3A_74 = arith.constant 0 : i32
      %scan3A_75 = arith.constant 0 : i32
      %scan3A_76 = arith.constant 8 : i32
      %scan3A_77 = arith.addi %scan3A_75, %scan3A_76 : i32
      %scan3A_78 = arith.constant 1 : i32
      scf.for %scan3A_86 = %scan3A_75 to %scan3A_77 step %scan3A_78  : i32 {
        %mul3A_87 = arith.constant 16 : i32
        %mul3A_88 = arith.muli %scan3A_86, %mul3A_87 : i32
        %get3A = arith.constant 12 : i32
        %get3A_89 = arith.index_cast %get3A : i32 to index
        %get3A_90 = arith.index_cast %mul3A_88 : i32 to index
        %get3A_91 = tpu.vector_load %arg5[%get3A_89, %get3A_90] {strides = array<i32>} : memref<16x128xi32, #tpu.memory_space<vmem>>, vector<16xi32>,
        %shift_left3A = arith.constant 1 : i32
        %shift_left3A_92 = vector.broadcast %shift_left3A : i32 to vector<16xi32>
        %shift_left3A_93 = arith.shli %get3A_91, %shift_left3A_92 : vector<16xi32>
        %add3A_94 = arith.addi %shift_left3A_93, %and3A_2 : vector<16xi32>
        %shift_right_arithmetic3A_95 = arith.constant 7 : i32
        %shift_right_arithmetic3A_96 = vector.broadcast %shift_right_arithmetic3A_95 : i32 to vector<16xi32>
        %shift_right_arithmetic3A_97 = arith.shrsi %add3A_94, %shift_right_arithmetic3A_96 : vector<16xi32>
        %and3A_98 = arith.constant 127 : i32
        %and3A_99 = vector.broadcast %and3A_98 : i32 to vector<16xi32>
        %and3A_100 = arith.andi %add3A_94, %and3A_99 : vector<16xi32>
        tpu.vector_store_idx %arg6[%shift_right_arithmetic3A_97, %and3A_100], %broadcast_in_dim3A_28 masked %eq3A_6 {add = true} : memref<160x128xf32, #tpu.memory_space<vmem>>[vector<16xi32>, vector<16xi32>], vector<16xf32>, vector<16xi1>
        tpu.vector_store_idx %arg6[%shift_right_arithmetic3A_97, %and3A_100], %broadcast_in_dim3A_28 masked %eq3A_9 {add = true} : memref<160x128xf32, #tpu.memory_space<vmem>>[vector<16xi32>, vector<16xi32>], vector<16xf32>, vector<16xi1>
        tpu.vector_store_idx %arg6[%shift_right_arithmetic3A_97, %and3A_100], %broadcast_in_dim3A_28 masked %eq3A_12 {add = true} : memref<160x128xf32, #tpu.memory_space<vmem>>[vector<16xi32>, vector<16xi32>], vector<16xf32>, vector<16xi1>
        tpu.vector_store_idx %arg6[%shift_right_arithmetic3A_97, %and3A_100], %broadcast_in_dim3A_28 masked %eq3A_15 {add = true} : memref<160x128xf32, #tpu.memory_space<vmem>>[vector<16xi32>, vector<16xi32>], vector<16xf32>, vector<16xi1>
        tpu.vector_store_idx %arg6[%shift_right_arithmetic3A_97, %and3A_100], %broadcast_in_dim3A_28 masked %eq3A_18 {add = true} : memref<160x128xf32, #tpu.memory_space<vmem>>[vector<16xi32>, vector<16xi32>], vector<16xf32>, vector<16xi1>
        tpu.vector_store_idx %arg6[%shift_right_arithmetic3A_97, %and3A_100], %broadcast_in_dim3A_28 masked %eq3A_21 {add = true} : memref<160x128xf32, #tpu.memory_space<vmem>>[vector<16xi32>, vector<16xi32>], vector<16xf32>, vector<16xi1>
        tpu.vector_store_idx %arg6[%shift_right_arithmetic3A_97, %and3A_100], %broadcast_in_dim3A_28 masked %eq3A_24 {add = true} : memref<160x128xf32, #tpu.memory_space<vmem>>[vector<16xi32>, vector<16xi32>], vector<16xf32>, vector<16xi1>
        tpu.vector_store_idx %arg6[%shift_right_arithmetic3A_97, %and3A_100], %broadcast_in_dim3A_28 masked %eq3A_27 {add = true} : memref<160x128xf32, #tpu.memory_space<vmem>>[vector<16xi32>, vector<16xi32>], vector<16xf32>, vector<16xi1>
      }
      %scan3A_79 = arith.constant 8 : i32
      %scan3A_80 = arith.constant 0 : i32
      %scan3A_81 = arith.constant 0 : i32
      %scan3A_82 = arith.constant 8 : i32
      %scan3A_83 = arith.addi %scan3A_81, %scan3A_82 : i32
      %scan3A_84 = arith.constant 1 : i32
      scf.for %scan3A_86 = %scan3A_81 to %scan3A_83 step %scan3A_84  : i32 {
        %mul3A_87 = arith.constant 16 : i32
        %mul3A_88 = arith.muli %scan3A_86, %mul3A_87 : i32
        %get3A = arith.constant 14 : i32
        %get3A_89 = arith.index_cast %get3A : i32 to index
        %get3A_90 = arith.index_cast %mul3A_88 : i32 to index
        %get3A_91 = tpu.vector_load %arg5[%get3A_89, %get3A_90] {strides = array<i32>} : memref<16x128xi32, #tpu.memory_space<vmem>>, vector<16xi32>,
        %shift_left3A = arith.constant 1 : i32
        %shift_left3A_92 = vector.broadcast %shift_left3A : i32 to vector<16xi32>
        %shift_left3A_93 = arith.shli %get3A_91, %shift_left3A_92 : vector<16xi32>
        %add3A_94 = arith.addi %shift_left3A_93, %and3A_2 : vector<16xi32>
        %shift_right_arithmetic3A_95 = arith.constant 7 : i32
        %shift_right_arithmetic3A_96 = vector.broadcast %shift_right_arithmetic3A_95 : i32 to vector<16xi32>
        %shift_right_arithmetic3A_97 = arith.shrsi %add3A_94, %shift_right_arithmetic3A_96 : vector<16xi32>
        %and3A_98 = arith.constant 127 : i32
        %and3A_99 = vector.broadcast %and3A_98 : i32 to vector<16xi32>
        %and3A_100 = arith.andi %add3A_94, %and3A_99 : vector<16xi32>
        tpu.vector_store_idx %arg6[%shift_right_arithmetic3A_97, %and3A_100], %broadcast_in_dim3A_28 masked %eq3A_6 {add = true} : memref<160x128xf32, #tpu.memory_space<vmem>>[vector<16xi32>, vector<16xi32>], vector<16xf32>, vector<16xi1>
        tpu.vector_store_idx %arg6[%shift_right_arithmetic3A_97, %and3A_100], %broadcast_in_dim3A_28 masked %eq3A_9 {add = true} : memref<160x128xf32, #tpu.memory_space<vmem>>[vector<16xi32>, vector<16xi32>], vector<16xf32>, vector<16xi1>
        tpu.vector_store_idx %arg6[%shift_right_arithmetic3A_97, %and3A_100], %broadcast_in_dim3A_28 masked %eq3A_12 {add = true} : memref<160x128xf32, #tpu.memory_space<vmem>>[vector<16xi32>, vector<16xi32>], vector<16xf32>, vector<16xi1>
        tpu.vector_store_idx %arg6[%shift_right_arithmetic3A_97, %and3A_100], %broadcast_in_dim3A_28 masked %eq3A_15 {add = true} : memref<160x128xf32, #tpu.memory_space<vmem>>[vector<16xi32>, vector<16xi32>], vector<16xf32>, vector<16xi1>
        tpu.vector_store_idx %arg6[%shift_right_arithmetic3A_97, %and3A_100], %broadcast_in_dim3A_28 masked %eq3A_18 {add = true} : memref<160x128xf32, #tpu.memory_space<vmem>>[vector<16xi32>, vector<16xi32>], vector<16xf32>, vector<16xi1>
        tpu.vector_store_idx %arg6[%shift_right_arithmetic3A_97, %and3A_100], %broadcast_in_dim3A_28 masked %eq3A_21 {add = true} : memref<160x128xf32, #tpu.memory_space<vmem>>[vector<16xi32>, vector<16xi32>], vector<16xf32>, vector<16xi1>
        tpu.vector_store_idx %arg6[%shift_right_arithmetic3A_97, %and3A_100], %broadcast_in_dim3A_28 masked %eq3A_24 {add = true} : memref<160x128xf32, #tpu.memory_space<vmem>>[vector<16xi32>, vector<16xi32>], vector<16xf32>, vector<16xi1>
        tpu.vector_store_idx %arg6[%shift_right_arithmetic3A_97, %and3A_100], %broadcast_in_dim3A_28 masked %eq3A_27 {add = true} : memref<160x128xf32, #tpu.memory_space<vmem>>[vector<16xi32>, vector<16xi32>], vector<16xf32>, vector<16xi1>
      }
      %scan3A_85 = arith.constant 8 : i32
    }
    %scan3A_35 = arith.constant 10 : i32
    "tpu.region"() ({
      %run_scoped3A = tpu.sem_alloc : memref<!tpu.dma_semaphore, #tpu.memory_space<semaphore_mem>>
      %dma_start3A = arith.constant 0 : i32
      %dma_start3A_36 = arith.constant 0 : i32
      %dma_start3A_37 = tpu.memref_slice %arg4[%arg0, %arg1, %dma_start3A, %dma_start3A_36] : memref<2x16x160x128xf32, #tpu.memory_space<hbm>> -> memref<1x1x160x128xf32, #tpu.memory_space<hbm>>
      %dma_start3A_38 = tpu.memref_squeeze %dma_start3A_37 : memref<1x1x160x128xf32, #tpu.memory_space<hbm>> -> memref<160x128xf32, #tpu.memory_space<hbm>>
      %dma_start3A_39 = arith.constant 0 : i32
      %dma_start3A_40 = arith.constant 0 : i32
      %dma_start3A_41 = tpu.memref_slice %arg4[%arg0, %arg1, %dma_start3A_39, %dma_start3A_40] : memref<2x16x160x128xf32, #tpu.memory_space<hbm>> -> memref<1x1x160x128xf32, #tpu.memory_space<hbm>>
      %dma_start3A_42 = tpu.memref_squeeze %dma_start3A_41 : memref<1x1x160x128xf32, #tpu.memory_space<hbm>> -> memref<160x128xf32, #tpu.memory_space<hbm>>
      tpu.enqueue_dma source(%arg6 : memref<160x128xf32, #tpu.memory_space<vmem>>) target(%dma_start3A_42 : memref<160x128xf32, #tpu.memory_space<hbm>>) target_semaphore(%run_scoped3A : memref<!tpu.dma_semaphore, #tpu.memory_space<semaphore_mem>>)
      %dma_wait3A = arith.constant 0 : i32
      %dma_wait3A_43 = arith.constant 0 : i32
      %dma_wait3A_44 = tpu.memref_slice %arg4[%arg0, %arg1, %dma_wait3A, %dma_wait3A_43] : memref<2x16x160x128xf32, #tpu.memory_space<hbm>> -> memref<1x1x160x128xf32, #tpu.memory_space<hbm>>
      %dma_wait3A_45 = tpu.memref_squeeze %dma_wait3A_44 : memref<1x1x160x128xf32, #tpu.memory_space<hbm>> -> memref<160x128xf32, #tpu.memory_space<hbm>>
      %dma_wait3A_46 = arith.constant 0 : i32
      %dma_wait3A_47 = arith.constant 0 : i32
      %dma_wait3A_48 = tpu.memref_slice %arg4[%arg0, %arg1, %dma_wait3A_46, %dma_wait3A_47] : memref<2x16x160x128xf32, #tpu.memory_space<hbm>> -> memref<1x1x160x128xf32, #tpu.memory_space<hbm>>
      %dma_wait3A_49 = tpu.memref_squeeze %dma_wait3A_48 : memref<1x1x160x128xf32, #tpu.memory_space<hbm>> -> memref<160x128xf32, #tpu.memory_space<hbm>>
      tpu.wait_dma2 semaphore(%run_scoped3A : memref<!tpu.dma_semaphore, #tpu.memory_space<semaphore_mem>>) src(%arg6 : memref<160x128xf32, #tpu.memory_space<vmem>>) dst(%dma_wait3A_49 : memref<160x128xf32, #tpu.memory_space<hbm>>)
      tpu.yield
    }) : () -> ()
    return
  }
}

module attributes {stable_mosaic.version = 14 : i64} {
  func.func @_dense_body(%arg0: i32, %arg1: memref<400x128xf32, #tpu.memory_space<vmem>>, %arg2: memref<2x400x128xf32, #tpu.memory_space<vmem>>, %arg3: memref<400x64xf32, #tpu.memory_space<vmem>>, %arg4: memref<128x128xf32, #tpu.memory_space<vmem>>, %arg5: memref<1x128xf32, #tpu.memory_space<vmem>>, %arg6: memref<128x128xf32, #tpu.memory_space<vmem>>, %arg7: memref<128x128xf32, #tpu.memory_space<vmem>>, %arg8: memref<1x128xf32, #tpu.memory_space<vmem>>, %arg9: memref<128x128xf32, #tpu.memory_space<vmem>>, %arg10: memref<128x128xf32, #tpu.memory_space<vmem>>, %arg11: memref<128x128xf32, #tpu.memory_space<vmem>>, %arg12: memref<1x128xf32, #tpu.memory_space<vmem>>, %arg13: memref<400x128xf32, #tpu.memory_space<vmem>>) attributes {dimension_semantics = [#tpu.dimension_semantics<arbitrary>], iteration_bounds = array<i64: 25>, scalar_prefetch = 0 : i64, scratch_operands = 0 : i64, tpu.core_type = #tpu.core_type<tc>, window_params = [{transform_indices = @transform_0, window_bounds = array<i64: 400, 128>}, {transform_indices = @transform_1, window_bounds = array<i64: 2, 400, 128>}, {transform_indices = @transform_2, window_bounds = array<i64: 400, 64>}, {pipeline_mode = #tpu.pipeline_mode<synchronous>, transform_indices = @transform_3, window_bounds = array<i64: 128, 128>}, {pipeline_mode = #tpu.pipeline_mode<synchronous>, transform_indices = @transform_4, window_bounds = array<i64: 1, 128>}, {pipeline_mode = #tpu.pipeline_mode<synchronous>, transform_indices = @transform_5, window_bounds = array<i64: 128, 128>}, {pipeline_mode = #tpu.pipeline_mode<synchronous>, transform_indices = @transform_6, window_bounds = array<i64: 128, 128>}, {pipeline_mode = #tpu.pipeline_mode<synchronous>, transform_indices = @transform_7, window_bounds = array<i64: 1, 128>}, {pipeline_mode = #tpu.pipeline_mode<synchronous>, transform_indices = @transform_8, window_bounds = array<i64: 128, 128>}, {pipeline_mode = #tpu.pipeline_mode<synchronous>, transform_indices = @transform_9, window_bounds = array<i64: 128, 128>}, {pipeline_mode = #tpu.pipeline_mode<synchronous>, transform_indices = @transform_10, window_bounds = array<i64: 128, 128>}, {pipeline_mode = #tpu.pipeline_mode<synchronous>, transform_indices = @transform_11, window_bounds = array<i64: 1, 128>}, {transform_indices = @transform_12, window_bounds = array<i64: 400, 128>}]} {
    %get3A = arith.constant 0 : index
    %get3A_0 = arith.constant 0 : index
    %get3A_1 = vector.load %arg1[%get3A, %get3A_0] : memref<400x128xf32, #tpu.memory_space<vmem>>, vector<400x128xf32>
    %get3A_2 = arith.constant 0 : index
    %get3A_3 = arith.constant 0 : index
    %get3A_4 = vector.load %arg4[%get3A_2, %get3A_3] : memref<128x128xf32, #tpu.memory_space<vmem>>, vector<128x128xf32>
    %dot_general3A = arith.constant dense<0.000000e+00> : vector<400x128xf32>
    %dot_general3A_5 = tpu.matmul %get3A_1, %get3A_4, %dot_general3A {dimension_numbers = #tpu.dot_dimension_numbers<[1], [0], [0], [1], [0, 0, 1, 1], [], []>, transpose_lhs_hint = false} : vector<400x128xf32>, vector<128x128xf32>, vector<400x128xf32> -> vector<400x128xf32>
    %get3A_6 = arith.constant 0 : index
    %get3A_7 = arith.constant 0 : index
    %get3A_8 = vector.load %arg5[%get3A_6, %get3A_7] : memref<1x128xf32, #tpu.memory_space<vmem>>, vector<1x128xf32>
    %add3A = vector.broadcast %get3A_8 : vector<1x128xf32> to vector<400x128xf32>
    %add3A_9 = arith.addf %dot_general3A_5, %add3A : vector<400x128xf32>
    %get3A_10 = arith.constant 0 : index
    %get3A_11 = arith.constant 0 : index
    %get3A_12 = arith.constant 0 : index
    %get3A_13 = vector.load %arg2[%get3A_10, %get3A_11, %get3A_12] : memref<2x400x128xf32, #tpu.memory_space<vmem>>, vector<1x400x128xf32>
    %get3A_14 = vector.shape_cast %get3A_13 : vector<1x400x128xf32> to vector<400x128xf32>
    %get3A_15 = arith.constant 1 : index
    %get3A_16 = arith.constant 0 : index
    %get3A_17 = arith.constant 0 : index
    %get3A_18 = vector.load %arg2[%get3A_15, %get3A_16, %get3A_17] : memref<2x400x128xf32, #tpu.memory_space<vmem>>, vector<1x400x128xf32>
    %get3A_19 = vector.shape_cast %get3A_18 : vector<1x400x128xf32> to vector<400x128xf32>
    %add3A_20 = arith.addf %get3A_14, %get3A_19 : vector<400x128xf32>
    %get3A_21 = arith.constant 0 : index
    %get3A_22 = arith.constant 0 : index
    %get3A_23 = vector.load %arg3[%get3A_21, %get3A_22] : memref<400x64xf32, #tpu.memory_space<vmem>>, vector<400x64xf32>
    %reduce_sum3A = arith.constant dense<0.000000e+00> : vector<400xf32>
    %reduce_sum3A_24 = vector.multi_reduction <add>, %get3A_23, %reduce_sum3A [1] : vector<400x64xf32> to vector<400xf32>
    %broadcast_in_dim3A = vector.shape_cast %reduce_sum3A_24 : vector<400xf32> to vector<400x1xf32>
    %dot_general3A_25 = arith.constant dense<0.000000e+00> : vector<400x128xf32>
    %dot_general3A_26 = tpu.matmul %add3A_20, %get3A_4, %dot_general3A_25 {dimension_numbers = #tpu.dot_dimension_numbers<[1], [0], [0], [1], [0, 0, 1, 1], [], []>, transpose_lhs_hint = false} : vector<400x128xf32>, vector<128x128xf32>, vector<400x128xf32> -> vector<400x128xf32>
    %get3A_27 = arith.constant 0 : index
    %get3A_28 = arith.constant 0 : index
    %get3A_29 = vector.load %arg5[%get3A_27, %get3A_28] : memref<1x128xf32, #tpu.memory_space<vmem>>, vector<1x128xf32>
    %mul3A = vector.broadcast %broadcast_in_dim3A : vector<400x1xf32> to vector<400x128xf32>
    %mul3A_30 = vector.broadcast %get3A_29 : vector<1x128xf32> to vector<400x128xf32>
    %mul3A_31 = arith.mulf %mul3A, %mul3A_30 : vector<400x128xf32>
    %add3A_32 = arith.addf %dot_general3A_26, %mul3A_31 : vector<400x128xf32>
    %get3A_33 = arith.constant 0 : index
    %get3A_34 = arith.constant 0 : index
    %get3A_35 = vector.load %arg6[%get3A_33, %get3A_34] : memref<128x128xf32, #tpu.memory_space<vmem>>, vector<128x128xf32>
    %dot_general3A_36 = arith.constant dense<0.000000e+00> : vector<400x128xf32>
    %dot_general3A_37 = tpu.matmul %add3A_9, %get3A_35, %dot_general3A_36 {dimension_numbers = #tpu.dot_dimension_numbers<[1], [0], [0], [1], [0, 0, 1, 1], [], []>, transpose_lhs_hint = false} : vector<400x128xf32>, vector<128x128xf32>, vector<400x128xf32> -> vector<400x128xf32>
    %get3A_38 = arith.constant 0 : index
    %get3A_39 = arith.constant 0 : index
    %get3A_40 = vector.load %arg8[%get3A_38, %get3A_39] : memref<1x128xf32, #tpu.memory_space<vmem>>, vector<1x128xf32>
    %add3A_41 = vector.broadcast %get3A_40 : vector<1x128xf32> to vector<400x128xf32>
    %add3A_42 = arith.addf %dot_general3A_37, %add3A_41 : vector<400x128xf32>
    %mul3A_43 = vector.broadcast %broadcast_in_dim3A : vector<400x1xf32> to vector<400x128xf32>
    %mul3A_44 = arith.mulf %mul3A_43, %add3A_42 : vector<400x128xf32>
    %get3A_45 = arith.constant 0 : index
    %get3A_46 = arith.constant 0 : index
    %get3A_47 = vector.load %arg7[%get3A_45, %get3A_46] : memref<128x128xf32, #tpu.memory_space<vmem>>, vector<128x128xf32>
    %dot_general3A_48 = arith.constant dense<0.000000e+00> : vector<400x128xf32>
    %dot_general3A_49 = tpu.matmul %add3A_32, %get3A_47, %dot_general3A_48 {dimension_numbers = #tpu.dot_dimension_numbers<[1], [0], [0], [1], [0, 0, 1, 1], [], []>, transpose_lhs_hint = false} : vector<400x128xf32>, vector<128x128xf32>, vector<400x128xf32> -> vector<400x128xf32>
    %add3A_50 = arith.addf %mul3A_44, %dot_general3A_49 : vector<400x128xf32>
    %mul3A_51 = arith.constant 5.000000e-01 : f32
    %mul3A_52 = vector.broadcast %mul3A_51 : f32 to vector<400x128xf32>
    %mul3A_53 = arith.mulf %mul3A_52, %add3A_9 : vector<400x128xf32>
    %mul3A_54 = arith.constant 0.707106769 : f32
    %mul3A_55 = vector.broadcast %mul3A_54 : f32 to vector<400x128xf32>
    %mul3A_56 = arith.mulf %add3A_9, %mul3A_55 : vector<400x128xf32>
    %erf3A = math.erf %mul3A_56 : vector<400x128xf32>
    %add3A_57 = arith.constant 1.000000e+00 : f32
    %add3A_58 = vector.broadcast %add3A_57 : f32 to vector<400x128xf32>
    %add3A_59 = arith.addf %add3A_58, %erf3A : vector<400x128xf32>
    %mul3A_60 = arith.mulf %mul3A_53, %add3A_59 : vector<400x128xf32>
    %get3A_61 = arith.constant 0 : index
    %get3A_62 = arith.constant 0 : index
    %get3A_63 = vector.load %arg9[%get3A_61, %get3A_62] : memref<128x128xf32, #tpu.memory_space<vmem>>, vector<128x128xf32>
    %dot_general3A_64 = arith.constant dense<0.000000e+00> : vector<400x128xf32>
    %dot_general3A_65 = tpu.matmul %mul3A_60, %get3A_63, %dot_general3A_64 {dimension_numbers = #tpu.dot_dimension_numbers<[1], [0], [0], [1], [0, 0, 1, 1], [], []>, transpose_lhs_hint = false} : vector<400x128xf32>, vector<128x128xf32>, vector<400x128xf32> -> vector<400x128xf32>
    %mul3A_66 = arith.constant 5.000000e-01 : f32
    %mul3A_67 = vector.broadcast %mul3A_66 : f32 to vector<400x128xf32>
    %mul3A_68 = arith.mulf %mul3A_67, %add3A_32 : vector<400x128xf32>
    %mul3A_69 = arith.constant 0.707106769 : f32
    %mul3A_70 = vector.broadcast %mul3A_69 : f32 to vector<400x128xf32>
    %mul3A_71 = arith.mulf %add3A_32, %mul3A_70 : vector<400x128xf32>
    %erf3A_72 = math.erf %mul3A_71 : vector<400x128xf32>
    %add3A_73 = arith.constant 1.000000e+00 : f32
    %add3A_74 = vector.broadcast %add3A_73 : f32 to vector<400x128xf32>
    %add3A_75 = arith.addf %add3A_74, %erf3A_72 : vector<400x128xf32>
    %mul3A_76 = arith.mulf %mul3A_68, %add3A_75 : vector<400x128xf32>
    %get3A_77 = arith.constant 0 : index
    %get3A_78 = arith.constant 0 : index
    %get3A_79 = vector.load %arg10[%get3A_77, %get3A_78] : memref<128x128xf32, #tpu.memory_space<vmem>>, vector<128x128xf32>
    %dot_general3A_80 = arith.constant dense<0.000000e+00> : vector<400x128xf32>
    %dot_general3A_81 = tpu.matmul %mul3A_76, %get3A_79, %dot_general3A_80 {dimension_numbers = #tpu.dot_dimension_numbers<[1], [0], [0], [1], [0, 0, 1, 1], [], []>, transpose_lhs_hint = false} : vector<400x128xf32>, vector<128x128xf32>, vector<400x128xf32> -> vector<400x128xf32>
    %add3A_82 = arith.addf %dot_general3A_65, %dot_general3A_81 : vector<400x128xf32>
    %mul3A_83 = arith.constant 5.000000e-01 : f32
    %mul3A_84 = vector.broadcast %mul3A_83 : f32 to vector<400x128xf32>
    %mul3A_85 = arith.mulf %mul3A_84, %add3A_50 : vector<400x128xf32>
    %mul3A_86 = arith.constant 0.707106769 : f32
    %mul3A_87 = vector.broadcast %mul3A_86 : f32 to vector<400x128xf32>
    %mul3A_88 = arith.mulf %add3A_50, %mul3A_87 : vector<400x128xf32>
    %erf3A_89 = math.erf %mul3A_88 : vector<400x128xf32>
    %add3A_90 = arith.constant 1.000000e+00 : f32
    %add3A_91 = vector.broadcast %add3A_90 : f32 to vector<400x128xf32>
    %add3A_92 = arith.addf %add3A_91, %erf3A_89 : vector<400x128xf32>
    %mul3A_93 = arith.mulf %mul3A_85, %add3A_92 : vector<400x128xf32>
    %get3A_94 = arith.constant 0 : index
    %get3A_95 = arith.constant 0 : index
    %get3A_96 = vector.load %arg11[%get3A_94, %get3A_95] : memref<128x128xf32, #tpu.memory_space<vmem>>, vector<128x128xf32>
    %dot_general3A_97 = arith.constant dense<0.000000e+00> : vector<400x128xf32>
    %dot_general3A_98 = tpu.matmul %mul3A_93, %get3A_96, %dot_general3A_97 {dimension_numbers = #tpu.dot_dimension_numbers<[1], [0], [0], [1], [0, 0, 1, 1], [], []>, transpose_lhs_hint = false} : vector<400x128xf32>, vector<128x128xf32>, vector<400x128xf32> -> vector<400x128xf32>
    %add3A_99 = arith.addf %add3A_82, %dot_general3A_98 : vector<400x128xf32>
    %get3A_100 = arith.constant 0 : index
    %get3A_101 = arith.constant 0 : index
    %get3A_102 = vector.load %arg12[%get3A_100, %get3A_101] : memref<1x128xf32, #tpu.memory_space<vmem>>, vector<1x128xf32>
    %add3A_103 = vector.broadcast %get3A_102 : vector<1x128xf32> to vector<400x128xf32>
    %add3A_104 = arith.addf %add3A_99, %add3A_103 : vector<400x128xf32>
    %swap3A = arith.constant 0 : index
    %swap3A_105 = arith.constant 0 : index
    %swap3A_106 = vector.load %arg13[%swap3A, %swap3A_105] : memref<400x128xf32, #tpu.memory_space<vmem>>, vector<400x128xf32>
    tpu.vector_store %arg13[%swap3A, %swap3A_105], %add3A_104 {strides = array<i32>} : memref<400x128xf32, #tpu.memory_space<vmem>>, vector<400x128xf32>,
    return
  }
  func.func @transform_0(%arg0: i32) -> (i32, i32) {
    %c0_i32 = arith.constant 0 : i32
    %c0_i32_0 = arith.constant 0 : i32
    return %arg0, %c0_i32 : i32, i32
  }
  func.func @transform_1(%arg0: i32) -> (i32, i32, i32) {
    %c0_i32 = arith.constant 0 : i32
    %c0_i32_0 = arith.constant 0 : i32
    %c0_i32_1 = arith.constant 0 : i32
    return %c0_i32, %arg0, %c0_i32_0 : i32, i32, i32
  }
  func.func @transform_2(%arg0: i32) -> (i32, i32) {
    %c0_i32 = arith.constant 0 : i32
    %c0_i32_0 = arith.constant 0 : i32
    return %arg0, %c0_i32 : i32, i32
  }
  func.func @transform_3(%arg0: i32) -> (i32, i32) {
    %c0_i32 = arith.constant 0 : i32
    %c0_i32_0 = arith.constant 0 : i32
    %c0_i32_1 = arith.constant 0 : i32
    return %c0_i32, %c0_i32_0 : i32, i32
  }
  func.func @transform_4(%arg0: i32) -> (i32, i32) {
    %c0_i32 = arith.constant 0 : i32
    %c0_i32_0 = arith.constant 0 : i32
    %c0_i32_1 = arith.constant 0 : i32
    return %c0_i32, %c0_i32_0 : i32, i32
  }
  func.func @transform_5(%arg0: i32) -> (i32, i32) {
    %c0_i32 = arith.constant 0 : i32
    %c0_i32_0 = arith.constant 0 : i32
    %c0_i32_1 = arith.constant 0 : i32
    return %c0_i32, %c0_i32_0 : i32, i32
  }
  func.func @transform_6(%arg0: i32) -> (i32, i32) {
    %c0_i32 = arith.constant 0 : i32
    %c0_i32_0 = arith.constant 0 : i32
    %c0_i32_1 = arith.constant 0 : i32
    return %c0_i32, %c0_i32_0 : i32, i32
  }
  func.func @transform_7(%arg0: i32) -> (i32, i32) {
    %c0_i32 = arith.constant 0 : i32
    %c0_i32_0 = arith.constant 0 : i32
    %c0_i32_1 = arith.constant 0 : i32
    return %c0_i32, %c0_i32_0 : i32, i32
  }
  func.func @transform_8(%arg0: i32) -> (i32, i32) {
    %c0_i32 = arith.constant 0 : i32
    %c0_i32_0 = arith.constant 0 : i32
    %c0_i32_1 = arith.constant 0 : i32
    return %c0_i32, %c0_i32_0 : i32, i32
  }
  func.func @transform_9(%arg0: i32) -> (i32, i32) {
    %c0_i32 = arith.constant 0 : i32
    %c0_i32_0 = arith.constant 0 : i32
    %c0_i32_1 = arith.constant 0 : i32
    return %c0_i32, %c0_i32_0 : i32, i32
  }
  func.func @transform_10(%arg0: i32) -> (i32, i32) {
    %c0_i32 = arith.constant 0 : i32
    %c0_i32_0 = arith.constant 0 : i32
    %c0_i32_1 = arith.constant 0 : i32
    return %c0_i32, %c0_i32_0 : i32, i32
  }
  func.func @transform_11(%arg0: i32) -> (i32, i32) {
    %c0_i32 = arith.constant 0 : i32
    %c0_i32_0 = arith.constant 0 : i32
    %c0_i32_1 = arith.constant 0 : i32
    return %c0_i32, %c0_i32_0 : i32, i32
  }
  func.func @transform_12(%arg0: i32) -> (i32, i32) {
    %c0_i32 = arith.constant 0 : i32
    %c0_i32_0 = arith.constant 0 : i32
    return %arg0, %c0_i32 : i32, i32
  }
}

</mosaic_0001>

<sc_bundles>
// kernel: kernel.5.cloned.1.call-start
scs
__scs_entry_jumppad:
0x0: {  	(pc) =	sbr.rel $0x88, $3  }
0x1: {  	(tag) =	ssettag $0x0;
	lr =	simm.s32 $0x1  }
0x2: {  	[smem:$0x3F99] =	sst lr;
	_ =	strace $0xD0000000  }
0x3: {  	_ = 	snop  }
0x4: {  	_ = 	snop  }
0x5: {  	_ = 	snop  }
0x6: {  	_ = 	snop  }
0x7: {  	_ = 	snop  }
__scs_overlays_trampoline_lowered:
0x8: {  	[smem:$0x3FA8] =	sst s0  }
0x9: {  	[smem:$0x3FA9] =	sst s1  }
0xa: {  	[smem:$0x3FAA] =	sst s2  }
0xb: {  	[smem:$0x3FAB] =	sst s3  }
0xc: {  	[smem:$0x3FAC] =	sst s4  }
0xd: {  	[smem:$0x3FAD] =	sst s5  }
0xe: {  	[smem:$0x3FAE] =	sst s6  }
0xf: {  	[smem:$0x3FAF] =	sst s7  }
0x10: {  	[smem:$0x3FB0] =	sst s8  }
0x11: {  	[smem:$0x3FB1] =	sst s9;
	s0 =	simm.s32 @!p0 $0x0  }
0x12: {  	s1 =	sld [smem:$0x3F97];
	s0 =	simm.s32 @p0 $0x1  }
0x13: {  	[smem:$0x3FB2] =	sst s0;
	s0 =	simm.s32 @!p1 $0x0  }
0x14: {  	s2 =	sld [smem:$0x3F96];
	s0 =	simm.s32 @p1 $0x1  }
0x15: {  	[smem:$0x3FB3] =	sst s0;
	s0 =	simm.s32 @!p2 $0x0  }
0x16: {  	s3 =	sld [smem:$0x3FDB];
	s0 =	simm.s32 @p2 $0x1  }
0x17: {  	s4 =	simm.s32 $0x1BF5;
	[smem:$0x3FB5] =	sst s0  }
0x18: {  	s0 =	sld [smem:$0x3F98];
	_ =	swait.ge [sflag:s4], $0x0  }
0x19: {  	s7 =	sld [smem:$0x3F99]  }
0x1a: {  	s8 =	sadd.s32 $0xFFFFE003, lr  }
0x1b: {  	s9 =	sadd.s32 $0xFFFFFEF7, lr;
	s5 =	simm.s32 $0xFFFFFFFF;
	p2 =	slt.u32 s8, $0xFFFFF086  }
0x1c: {  	p1 =	slt.u32 s9, $0xF7A;
	s5 =	simm.s32 @!p2 $0x0  }
0x1d: {  	s5 =	simm.s32 @p1 $0x1;
	p0 =	seq.s32 s7, s2  }
0x1e: {  	s7 =	smul.u32 @!p0 $0xF7A, s2;
	p2 =	seq.s32 @!p0 s5, $0x0  }
0x1f: {  	s9 =	smul.u32 $0xF7A, s1;
	s8 =	simm.s32 @!p0 $0x1BF5;
	p2 =	por !p2, p0  }
0x20: {  	[sflag:s8] =	ssyncset.s32 @!p0 $0xFFFFF086;
	s6 =	sadd.s32 @!p0 s3, s7;
	s7 =	simm.s32 @!p0 $0x108  }
0x21: {  	s3 =	sadd.s32 s3, s9;
	s6 =	sadd.s32 @!p0 $0x88, s6;
	s7 =	simm.s32 @p2 $0x1082  }
0x22: {  	[simem:s7], [sflag:s8] =	dma.local @!p0 [hbm:s6], $0xF7A  }
0x23: {  	s9 =	sor.u32 $0xD0000000, s2;
	s6 =	simm.s32 $0x108;
	_ =	swait.ge @!p0 [sflag:s8], $0x0  }
0x24: {  	s3 =	sadd.s32 $0x88, s3;
	s6 =	simm.s32 @!p1 $0x1082;
	[sflag:s4] =	ssyncset.s32 $0xFFFFF086  }
0x25: {  	[simem:s6], [sflag:s4] =	dma.local [hbm:s3], $0xF7A  }
0x26: {  	[smem:$0x3F99] =	sst s1;
	(tag) =	ssettag s2;
	_ =	strace s9  }
0x27: {  	s1 =	sld [smem:$0x3FA9]  }
0x28: {  	s2 =	sld [smem:$0x3FAA]  }
0x29: {  	s4 =	sld [smem:$0x3FAC]  }
0x2a: {  	p0 =	seq.s32 s5, $0x0;
	s5 =	sld [smem:$0x3FAD]  }
0x2b: {  	s6 =	sld [smem:$0x3FAE]  }
0x2c: {  	s7 =	sld [smem:$0x3FAF]  }
0x2d: {  	s3 =	simm.s32 $0x108;
	s8 =	sld [smem:$0x3FB0]  }
0x2e: {  	s3 =	simm.s32 @!p0 $0x1082;
	s9 =	sld [smem:$0x3FB1]  }
0x2f: {  	lr =	sadd.s32 s0, s3;
	s0 =	sld [smem:$0x3FA8]  }
0x30: {  	s3 =	sld [smem:$0x3FAB]  }
0x31: {  	[smem:$0x3FB4] =	sst s10  }
0x32: {  	s10 =	sld [smem:$0x3FB2];
	_ =	sdelay $0x3  }
0x33: {  	p0 =	seq.s32 s10, $0x1;
	s10 =	sld [smem:$0x3FB4];
	_ =	sdelay $0x3  }
0x34: {  	[smem:$0x3FB4] =	sst s10  }
0x35: {  	s10 =	sld [smem:$0x3FB3];
	_ =	sdelay $0x3  }
0x36: {  	p1 =	seq.s32 s10, $0x1;
	s10 =	sld [smem:$0x3FB4];
	_ =	sdelay $0x3  }
0x37: {  	[smem:$0x3FB4] =	sst s10  }
0x38: {  	s10 =	sld [smem:$0x3FB5]  }
0x39: {  	_ = 	snop;
	(pc) =	sbr.ind lr, $3  }
0x3a: {  	_ = 	snop  }
0x3b: {  	_ = 	snop  }
0x3c: {  	p2 =	seq.s32 s10, $0x1;
	s10 =	sld [smem:$0x3FB4]  }
0x3d: {  	_ =	shalt  }
0x3e: {  	_ =	shalt  }
0x3f: {  	_ =	shalt  }
0x40: {  	_ =	shalt  }
0x41: {  	_ =	shalt  }
0x42: {  	_ =	shalt  }
0x43: {  	_ =	shalt  }
0x44: {  	_ =	shalt  }
0x45: {  	_ =	shalt  }
0x46: {  	_ =	shalt  }
0x47: {  	_ =	shalt  }
0x48: {  	_ =	shalt  }
0x49: {  	_ =	shalt  }
0x4a: {  	_ =	shalt  }
0x4b: {  	_ =	shalt  }
0x4c: {  	_ =	shalt  }
0x4d: {  	_ =	shalt  }
0x4e: {  	_ =	shalt  }
0x4f: {  	_ =	shalt  }
0x50: {  	_ =	shalt  }
0x51: {  	_ =	shalt  }
0x52: {  	_ =	shalt  }
0x53: {  	_ =	shalt  }
0x54: {  	_ =	shalt  }
0x55: {  	_ =	shalt  }
0x56: {  	_ =	shalt  }
0x57: {  	_ =	shalt  }
0x58: {  	_ =	shalt  }
0x59: {  	_ =	shalt  }
0x5a: {  	_ =	shalt  }
0x5b: {  	_ =	shalt  }
0x5c: {  	_ =	shalt  }
0x5d: {  	_ =	shalt  }
0x5e: {  	_ =	shalt  }
0x5f: {  	_ =	shalt  }
0x60: {  	_ =	shalt  }
0x61: {  	_ =	shalt  }
0x62: {  	_ =	shalt  }
0x63: {  	_ =	shalt  }
0x64: {  	_ =	shalt  }
0x65: {  	_ =	shalt  }
0x66: {  	_ =	shalt  }
0x67: {  	_ =	shalt  }
0x68: {  	_ =	shalt  }
0x69: {  	_ =	shalt  }
0x6a: {  	_ =	shalt  }
0x6b: {  	_ =	shalt  }
0x6c: {  	_ =	shalt  }
0x6d: {  	_ =	shalt  }
0x6e: {  	_ =	shalt  }
0x6f: {  	_ =	shalt  }
0x70: {  	_ =	shalt  }
0x71: {  	_ =	shalt  }
0x72: {  	_ =	shalt  }
0x73: {  	_ =	shalt  }
0x74: {  	_ =	shalt  }
0x75: {  	_ =	shalt  }
0x76: {  	_ =	shalt  }
0x77: {  	_ =	shalt  }
0x78: {  	_ =	shalt  }
0x79: {  	_ =	shalt  }
0x7a: {  	_ =	shalt  }
0x7b: {  	_ =	shalt  }
0x7c: {  	_ =	shalt  }
0x7d: {  	_ =	shalt  }
0x7e: {  	_ =	shalt  }
0x7f: {  	_ =	shalt  }
0x80: {  	_ =	shalt  }
0x81: {  	_ =	shalt  }
0x82: {  	_ =	shalt  }
0x83: {  	_ =	shalt  }
0x84: {  	_ =	shalt  }
0x85: {  	_ =	shalt  }
0x86: {  	_ =	shalt  }
0x87: {  	_ =	shalt  }
.Lfunc_end0:
.L_simem_size_0:
called_computation_lowered:
.L_overlay_start_0:
0x88: {  	s2 =	sld [smem:$0x3FD9]  }
0x89: {  	s3 =	sld [smem:$0x3FFE];
	_ =	sdelay $0x1  }
0x8a: {  	s1 =	srdreg.scid  }
0x8b: {  	s0 =	sand.u32 $0x1, s1  }
0x8c: {  	s17 =	sshll.u32 s0, $0xA;
	s2 =	sadd.s32 s3, s2  }
0x8d: {  	s2 =	sadd.s32 s2, s17  }
0x8e: {  	[smem:$0x3FC0] =	sst s2  }
0x8f: {  	_ = 	snop  }
0x90: {  	s18 =	sld [smem:$0x3FC9]  }
0x91: {  	s4 =	sld [smem:$0x3FD0];
	(tm) =	ssettm $0x1  }
0x92: {  	s19 =	sld [smem:$0x3FFB];
	_ =	sdelay $0x3  }
0x93: {  	_ =	strace s19  }
0x94: {  	s2 =	sld [smem:$0x3FFC];
	_ =	sdelay $0x3  }
0x95: {  	_ =	strace s2  }
0x96: {  	s2 =	sld [smem:$0x3FFD];
	_ =	sdelay $0x3  }
0x97: {  	_ =	strace s2  }
0x98: {  	_ =	strace $0x8FFFFFFF  }
0x99: {  	s20 =	sld [smem:$0x3FDB];
	_ =	sdelay $0x1  }
0x9a: {  	s5 =	simm.s32 $_scs_section_size  }
0x9b: {  	s6 =	simm.s32 $_size__tile_overlayer_lowered;
	s7 =	simm.s32 $_tile_overlayer_lowered  }
0x9c: {  	s8 =	simm.s32 $0x1BFF;
	s21 =	sshll.u32 s7, $0x1;
	s5 =	sadd.s32 s5, s20  }
0x9d: {  	s22 =	simm.s32 $0x0;
	s6 =	sshll.u32 s6, $0x1;
	s7 =	sadd.s32 s21, s5  }
0x9e: {  	[timem:s22], [sflag:s8] =	dma.local [hbm:s7], s6  }
0x9f: {  	_ =	swait.ge [sflag:s8], s6  }
0xa0: {  	s6 =	ssub.s32 $0x0, s6;
	[sflag:s8] =	ssyncset.done $0x0  }
0xa1: {  	[sflag:s8] =	ssyncadd.s32 s6;
	_ =	sdelay $0x1  }
0xa2: {  	s23 =	simm.s32 $0x1B8B  }
0xa3: {  	_ =	swait.ge [sflag:s23], $0x1  }
0xa4: {  	[sflag:s23] =	ssyncset.done $0x0  }
0xa5: {  	[sflag:s23] =	ssyncadd.s32 $0xFFFFFFFF  }
0xa6: {  	s6 =	sld [smem:$0x0]  }
0xa7: {  	s7 =	sand.u32 $0xFFFFFFFE, s1  }
0xa8: {  	p0 =	sne.s32 s1, s7  }
0xa9: {  	s7 =	sshll.u32 @p0 s7, $0xE  }
0xaa: {  	s7 =	sadd.s32 @p0 $0x11B8D, s7;
	s8 =	sshll.u32 @p0 s6, $0x11  }
0xab: {  	s7 =	sor.u32 @p0 s8, s7  }
0xac: {  	[sflag:s7] =	ssyncadd.remote.s32 @p0 $0x1;
	_ =	sdelay $0x1  }
0xad: {  	s7 =	simm.s32 @p0 $0x1B8D  }
0xae: {  	_ =	swait.eq @p0 [sflag:s7], $0x1  }
0xaf: {  	[sflag:s7] =	ssyncadd.s32 @p0 $0xFFFFFFFF  }
0xb0: {  	s8 =	sshll.u32 @!p0 s1, $0xE  }
0xb1: {  	s8 =	sor.u32 @!p0 $0x4000, s8;
	s7 =	simm.s32 @!p0 $0x1B8D  }
0xb2: {  	s6 =	sshll.u32 @!p0 s6, $0x11;
	s8 =	sadd.s32 @!p0 $0x11B8D, s8;
	_ =	swait.eq @!p0 [sflag:s7], $0x1  }
0xb3: {  	s6 =	sor.u32 @!p0 s6, s8;
	[sflag:s7] =	ssyncadd.s32 @!p0 $0xFFFFFFFF  }
0xb4: {  	s25 =	simm.s32 $0x1B8E;
	s24 =	sld [smem:$0x3FFE];
	[sflag:s6] =	ssyncadd.remote.s32 @!p0 $0x1  }
0xb5: {  	s26 =	simm.s32 $execute0_lowered;
	[smem:$0x3FD2] =	sst s25  }
0xb6: {  	s7 =	sshll.u32 s26, $0x1;
	_ =	strace $0x80000049;
	[dreg:$0x1] =	wrdreg $0xFFFFFFFF  }
0xb7: {  	s28 =	simm.s32 $_size_execute0_lowered;
	s5 =	sadd.s32 s5, s7;
	[dreg:$0x0] =	wrdreg $0x0  }
0xb8: {  	s7 =	sshll.u32 s28, $0x1;
	[dreg:$0x2] =	wrdreg s5  }
0xb9: {  	[dreg:$0x3] =	wrdreg s7  }
0xba: {  	[dreg:$0x4] =	wrdreg $0xC0  }
0xbb: {  	_ =	task [dreg:s22], $0x5FFFF  }
0xbc: {  	[dreg:$0x1] =	wrdreg $0xFFFFFFFF  }
0xbd: {  	[dreg:$0x0] =	wrdreg $0x60  }
0xbe: {  	[dreg:$0x2] =	wrdreg s18  }
0xbf: {  	[dreg:$0x3] =	wrdreg s4  }
0xc0: {  	[dreg:$0x4] =	wrdreg s24  }
0xc1: {  	[dreg:$0x5] =	wrdreg $0x90000  }
0xc2: {  	[dreg:$0x6] =	wrdreg $0x9  }
0xc3: {  	_ =	task.clear_ibuf [dreg:s22], $0x7FFFF;
	_ =	strace $0x90000049  }
0xc4: {  	s29 =	simm.s32 $0x9;
	_ =	strace $0x8000004B  }
0xc5: {  	_ =	swait.ge [sflag:s29], $0x1  }
0xc6: {  	[sflag:s29] =	ssyncadd.s32 $0xFFFFFFFF  }
0xc7: {  	_ =	strace $0x9000004B  }
0xc8: {  	_ =	sfence  }
0xc9: {  	s30 =	sld [smem:$0x0];
	_ =	sdelay $0x2  }
0xca: {  	s31 =	sshll.u32 s1, $0xD;
	s1 =	sshrl.u32 s1, $0x2  }
0xcb: {  	s4 =	sand.u32 $0x4000, s31;
	s1 =	sadd.s32 s1, s30  }
0xcc: {  	s0 =	sor.u32 s4, s0;
	s1 =	sshll.u32 s1, $0x11  }
0xcd: {  	s0 =	sor.u32 s1, s0  }
0xce: {  	s0 =	sadd.s32 $0x8F2B, s0  }
0xcf: {  	[sflag:s0] =	ssyncadd.remote.s32 $0x1  }
0xd0: {  	_ =	sfence.sel $0xFFFF  }
0xd1: {  	[dreg:$0x0] =	wrdreg $0xFFFFFFFF;
	(pc) =	sbr.abs _section_cstart, $3  }
0xd2: {  	[dreg:$0x1] =	wrdreg $0xFFFFFFFF  }
0xd3: {  	_ =	task.clear_ibuf [dreg:s22], $0x2FFFF;
	_ =	strace $0x9FFFFFFF  }
0xd4: {  	(tm) =	ssettm $0x7FFFFFFF  }
0xd5: {  	_ =	shalt  }
tec
execute0_lowered:
.L_overlay_start_1:
0x0: {  	(tag) =	ssettag $0x1  }
0x1: {  	s0 =	rddreg [dreg:$0x0]  }
0x2: {  	s1 =	rddreg [dreg:$0x1]  }
0x3: {  	s2 =	srdreg.scid;
	s5 =	rddreg [dreg:$0x2]  }
0x4: {  	s10 =	stileid.u32;
	s3 =	rddreg [dreg:$0x3];
	s4 =	simm.s32 $0x0  }
0x5: {  	s13 =	simm.s32 $0x1000;
	s14 =	simm.s32 $0x5000;
	s15 =	simm.s32 $0x80  }
0x6: {  	s16 =	simm.s32 $0x800;
	s17 =	simm.s32 $0x3;
	s18 =	simm.s32 $0x4  }
0x7: {  	s20 =	simm.s32 $0x1;
	s11 =	simm.s32 $0x980;
	s12 =	simm.s32 $0x900  }
0x8: {  	s19 =	simm.s32 $0xB80;
	s28 =	simm.s32 $0xE80;
	s29 =	simm.s32 $0xD00  }
0x9: {  	s30 =	simm.s32 $0xF80;
	s31 =	simm.s32 $0xE00;
	s7 =	smul.u32 $0x14000, s10  }
0xa: {  	s2 =	sand.u32 $0x1, s2;
	[smem:$0x7FF] =	sst s4;
	s9 =	smul.u32 $0x50000, s10  }
0xb: {  	s8 =	sshll.u32 s10, $0x1;
	s25 =	sshll.u32 s10, $0x6;
	s10 =	smul.u32 $0x1400, s10  }
0xc: {  	s21 =	sadd.s32 $0x1A00, s5;
	s6 =	smul.u32 $0x140000, s2;
	_ =	strace $0x8000004A  }
0xd: {  	[dreg:$0x5] =	wrdreg s21;
	s22 =	ssub.s32 $0x2, s2;
	s8 =	sor.u32 s2, s8  }
0xe: {  	s2 =	smul.u32 $0xA00, s2;
	s21 =	simm.s32 $0xA00;
	s23 =	sshrl.u32 s22, $0x1  }
0xf: {  	s24 =	sshrl.u32 s9, $0x2;
	s8 =	smul.u32 $0xA00, s8;
	s9 =	sor.u32 $0x1C07, s25  }
0x10: {  	s25 =	simm.s32 $0xD80;
	s6 =	sadd.s32 s7, s6;
	s7 =	sadd.s32 s24, s3  }
0x11: {  	s24 =	simm.s32 $0xB00;
	s6 =	sshrl.u32 s6, $0x3;
	s8 =	sadd.s32 s1, s8  }
0x12: {  	s1 =	sadd.s32 s10, s1;
	s5 =	sadd.s32 s6, s5;
	s6 =	ssub.s32 s22, s23  }
0x13: {  	[dreg:$0x7] =	wrdreg s8;
	s10 =	sadd.s32 s2, s1;
	s8 =	sshrl.u32 s7, $0x3  }
.Ltmp0:
0x14: {  	s7 =	smov.u32 s9;
	s22 =	simm.s32 $0x2;
	(pc) =	sbr.rel .LBB2_1-.Ltmp0, $4  }
0x15: {  	s9 =	simm.s32 $0x6;
	s23 =	simm.s32 $0xC80;
	[dreg:$0x6] =	wrdreg s7  }
0x16: {  	s2 =	simm.s32 $0xF00;
	s5 =	sadd.s32 $0x18200, s5;
	[dreg:$0xa] =	wrdreg s8  }
0x17: {  	s26 =	smax.u32 s6, $0x1;
	s6 =	simm.s32 $0x0;
	[dreg:$0x8] =	wrdreg s5  }
0x18: {  	[dreg:$0x9] =	wrdreg s26;
	s5 =	simm.s32 $0xA80;
	s26 =	simm.s32 $0xC00  }
.LBB2_4:
0x19: {  	_ =	swait.ge [sflag:s17], $0x4000  }
0x1a: {  	[sflag:s17] =	ssyncset.done $0x0  }
0x1b: {  	[sflag:s17] =	ssyncadd.s32 $0xFFFFC000  }
0x1c: {  	_ =	swait.ge [sflag:s18], $0x4000  }
0x1d: {  	[sflag:s18] =	ssyncset.done $0x0  }
0x1e: {  	[sflag:s18] =	ssyncadd.s32 $0xFFFFC000  }
0x1f: {  	[bflag:$0x0] =	sbarrier.arrive $0xFFFF  }
0x20: {  	s7 =	rddreg [dreg:$0x6]  }
0x21: {  	s1 =	rddreg [dreg:$0x8]  }
0x22: {  	s8 =	rddreg [dreg:$0xa]  }
0x23: {  	[hbm:s1], [sflag:s7] =	dma.local [spmem:s8], $0x2800  }
0x24: {  	s1 =	simm.s32 $0x7  }
0x25: {  	_ =	swait.ge [sflag:s1], $0x2800  }
0x26: {  	s6 =	rddreg [dreg:$0xb]  }
0x27: {  	[sflag:s1] =	ssyncset.done $0x0;
	s1 =	rddreg [dreg:$0x9];
	s6 =	sadd.s32 $0x1, s6  }
0x28: {  	p0 =	sne.s32 s6, s1  }
.Ltmp1:
0x29: {  	_ = 	snop;
	(pc) =	sbr.rel @!p0 .LBB2_5-.Ltmp1, $3  }
0x2a: {  	_ =	sdelay $0x1  }
0x2b: {  	s1 =	simm.s32 $0x7  }
0x2c: {  	[sflag:s1] =	ssyncadd.s32 $0xFFFFD800  }
.LBB2_1:
0x2d: {  	[dreg:$0xb] =	wrdreg s6  }
0x2e: {  	s6 =	simm.s32 $0x7;
	s1 =	rddreg [dreg:$0x5]  }
0x2f: {  	[spmem:s8], [sflag:s7] =	dma.local [hbm:s1], $0x2800  }
0x30: {  	_ =	swait.ge [sflag:s6], $0x2800  }
0x31: {  	[sflag:s6] =	ssyncset.done $0x0  }
0x32: {  	[sflag:s6] =	ssyncadd.s32 $0xFFFFD800  }
0x33: {  	[bflag:$0x0] =	sbarrier.arrive $0xFFFF  }
0x34: {  	s8 =	rddreg [dreg:$0x7]  }
0x35: {  	[tilespmem:s4], [sflag:$0x7] =	stream.linear.gather [hbm4b:s8+s4], $0x800, $0x38;
	[tilespmem:$0x1D000] =	vst v63  }
0x36: {  	_ =	swait.ge [sflag:s6], $0x800  }
0x37: {  	[sflag:s6] =	ssyncset.done $0x0  }
0x38: {  	[sflag:s6] =	ssyncadd.s32 $0xFFFFF800  }
0x39: {  	[tilespmem:s13], [sflag:$0x7] =	stream.linear.gather [hbm4b:s1+s4], $0x4000, $0x38;
	[tilespmem:$0x1D000] =	vst v63  }
0x3a: {  	_ =	swait.ge [sflag:s6], $0x4000  }
0x3b: {  	[sflag:s6] =	ssyncset.done $0x0  }
0x3c: {  	[sflag:s6] =	ssyncadd.s32 $0xFFFFC000  }
0x3d: {  	[tilespmem:s14], [sflag:$0x7] =	stream.linear.gather [hbm4b:s1+s4], $0x4000, $0x38;
	[tilespmem:$0x1D000] =	vst v63  }
0x3e: {  	_ =	swait.ge [sflag:s6], $0x4000  }
0x3f: {  	[sflag:s6] =	ssyncset.done $0x0  }
0x40: {  	[sflag:s6] =	ssyncadd.s32 $0xFFFFC000  }
0x41: {  	[spmem:s3] =	stream.indirect.scatter.add.f32 [tilespmem:s13], [sflag:$0x3], $0x80, s4, s15, $0xb8;
	[tilespmem:$0x1D000] =	vst v63  }
0x42: {  	s1 =	simm.s32 $0x0;
	s6 =	simm.s32 $0x180  }
0x43: {  	[spmem:s3] =	stream.indirect.scatter.add.f32 [tilespmem:s14], [sflag:$0x4], $0x80, s4, s15, $0xb8;
	[tilespmem:$0x1D000] =	vst v63  }
.LBB2_2:
0x44: {  	p0 =	seq.s32 s1, $0x0  }
0x45: {  	s8 =	simm.s32 @!p0 $0x5  }
0x46: {  	_ =	swait.ge @!p0 [sflag:s8], $0x800  }
0x47: {  	s7 =	sadd.s32 s1, s10;
	[sflag:s8] =	ssyncset.done @!p0 $0x0  }
0x48: {  	[sflag:s8] =	ssyncadd.s32 @!p0 $0xFFFFF800;
	s8 =	sadd.s32 $0x100, s7  }
0x49: {  	[tilespmem:s16], [sflag:$0x6] =	stream.linear.gather [hbm4b:s8+s4], $0x800, $0x38;
	[tilespmem:$0x1D000] =	vst v63  }
0x4a: {  	_ =	swait.ge [sflag:s17], $0x4000  }
0x4b: {  	[sflag:s17] =	ssyncset.done $0x0  }
0x4c: {  	[sflag:s17] =	ssyncadd.s32 $0xFFFFC000  }
0x4d: {  	[tilespmem:s13], [sflag:$0x1] =	stream.indirect.gather [hbm4b:s0+s15], $0x80, s15, s15, $0xb8;
	[tilespmem:$0x1D000] =	vst v63  }
0x4e: {  	_ =	swait.ge [sflag:s18], $0x4000  }
0x4f: {  	[sflag:s18] =	ssyncset.done $0x0  }
0x50: {  	[sflag:s18] =	ssyncadd.s32 $0xFFFFC000  }
0x51: {  	[tilespmem:s14], [sflag:$0x2] =	stream.indirect.gather [hbm4b:s0+s15], $0x80, s6, s15, $0xb8;
	[tilespmem:$0x1D000] =	vst v63  }
0x52: {  	_ =	swait.ge [sflag:s20], $0x4000  }
0x53: {  	[sflag:s20] =	ssyncset.done $0x0  }
0x54: {  	[sflag:s20] =	ssyncadd.s32 $0xFFFFC000  }
0x55: {  	[spmem:s3] =	stream.indirect.scatter.add.f32 [tilespmem:s13], [sflag:$0x3], $0x80, s4, s15, $0xb8;
	[tilespmem:$0x1D000] =	vst v63  }
0x56: {  	_ =	swait.ge [sflag:s17], $0x4000  }
0x57: {  	[sflag:s17] =	ssyncset.done $0x0  }
0x58: {  	s8 =	simm.s32 $0x280;
	[sflag:s17] =	ssyncadd.s32 $0xFFFFC000  }
0x59: {  	[tilespmem:s13], [sflag:$0x1] =	stream.indirect.gather [hbm4b:s0+s15], $0x80, s8, s15, $0xb8;
	[tilespmem:$0x1D000] =	vst v63  }
0x5a: {  	_ =	swait.ge [sflag:s22], $0x4000  }
0x5b: {  	[sflag:s22] =	ssyncset.done $0x0  }
0x5c: {  	s8 =	simm.s32 $0x100;
	[sflag:s22] =	ssyncadd.s32 $0xFFFFC000  }
0x5d: {  	[spmem:s3] =	stream.indirect.scatter.add.f32 [tilespmem:s14], [sflag:$0x4], $0x80, s8, s15, $0xb8;
	[tilespmem:$0x1D000] =	vst v63  }
0x5e: {  	_ =	swait.ge [sflag:s18], $0x4000  }
0x5f: {  	[sflag:s18] =	ssyncset.done $0x0  }
0x60: {  	s8 =	simm.s32 $0x380;
	[sflag:s18] =	ssyncadd.s32 $0xFFFFC000  }
0x61: {  	[tilespmem:s14], [sflag:$0x2] =	stream.indirect.gather [hbm4b:s0+s15], $0x80, s8, s15, $0xb8;
	[tilespmem:$0x1D000] =	vst v63  }
0x62: {  	_ =	swait.ge [sflag:s20], $0x4000  }
0x63: {  	[sflag:s20] =	ssyncset.done $0x0  }
0x64: {  	s8 =	simm.s32 $0x200;
	[sflag:s20] =	ssyncadd.s32 $0xFFFFC000  }
0x65: {  	[spmem:s3] =	stream.indirect.scatter.add.f32 [tilespmem:s13], [sflag:$0x3], $0x80, s8, s15, $0xb8;
	[tilespmem:$0x1D000] =	vst v63  }
0x66: {  	_ =	swait.ge [sflag:s17], $0x4000  }
0x67: {  	[sflag:s17] =	ssyncset.done $0x0  }
0x68: {  	s8 =	simm.s32 $0x480;
	[sflag:s17] =	ssyncadd.s32 $0xFFFFC000  }
0x69: {  	[tilespmem:s13], [sflag:$0x1] =	stream.indirect.gather [hbm4b:s0+s15], $0x80, s8, s15, $0xb8;
	[tilespmem:$0x1D000] =	vst v63  }
0x6a: {  	_ =	swait.ge [sflag:s22], $0x4000  }
0x6b: {  	[sflag:s22] =	ssyncset.done $0x0  }
0x6c: {  	s8 =	simm.s32 $0x300;
	[sflag:s22] =	ssyncadd.s32 $0xFFFFC000  }
0x6d: {  	[spmem:s3] =	stream.indirect.scatter.add.f32 [tilespmem:s14], [sflag:$0x4], $0x80, s8, s15, $0xb8;
	[tilespmem:$0x1D000] =	vst v63  }
0x6e: {  	_ =	swait.ge [sflag:s18], $0x4000  }
0x6f: {  	[sflag:s18] =	ssyncset.done $0x0  }
0x70: {  	s8 =	simm.s32 $0x580;
	[sflag:s18] =	ssyncadd.s32 $0xFFFFC000  }
0x71: {  	[tilespmem:s14], [sflag:$0x2] =	stream.indirect.gather [hbm4b:s0+s15], $0x80, s8, s15, $0xb8;
	[tilespmem:$0x1D000] =	vst v63  }
0x72: {  	_ =	swait.ge [sflag:s20], $0x4000  }
0x73: {  	[sflag:s20] =	ssyncset.done $0x0  }
0x74: {  	s8 =	simm.s32 $0x400;
	[sflag:s20] =	ssyncadd.s32 $0xFFFFC000  }
0x75: {  	[spmem:s3] =	stream.indirect.scatter.add.f32 [tilespmem:s13], [sflag:$0x3], $0x80, s8, s15, $0xb8;
	[tilespmem:$0x1D000] =	vst v63  }
0x76: {  	_ =	swait.ge [sflag:s17], $0x4000  }
0x77: {  	[sflag:s17] =	ssyncset.done $0x0  }
0x78: {  	s8 =	simm.s32 $0x680;
	[sflag:s17] =	ssyncadd.s32 $0xFFFFC000  }
0x79: {  	[tilespmem:s13], [sflag:$0x1] =	stream.indirect.gather [hbm4b:s0+s15], $0x80, s8, s15, $0xb8;
	[tilespmem:$0x1D000] =	vst v63  }
0x7a: {  	_ =	swait.ge [sflag:s22], $0x4000  }
0x7b: {  	[sflag:s22] =	ssyncset.done $0x0  }
0x7c: {  	s8 =	simm.s32 $0x500;
	[sflag:s22] =	ssyncadd.s32 $0xFFFFC000  }
0x7d: {  	[spmem:s3] =	stream.indirect.scatter.add.f32 [tilespmem:s14], [sflag:$0x4], $0x80, s8, s15, $0xb8;
	[tilespmem:$0x1D000] =	vst v63  }
0x7e: {  	_ =	swait.ge [sflag:s18], $0x4000  }
0x7f: {  	[sflag:s18] =	ssyncset.done $0x0  }
0x80: {  	s8 =	simm.s32 $0x780;
	[sflag:s18] =	ssyncadd.s32 $0xFFFFC000  }
0x81: {  	[tilespmem:s14], [sflag:$0x2] =	stream.indirect.gather [hbm4b:s0+s15], $0x80, s8, s15, $0xb8;
	[tilespmem:$0x1D000] =	vst v63  }
0x82: {  	_ =	swait.ge [sflag:s20], $0x4000  }
0x83: {  	[sflag:s20] =	ssyncset.done $0x0  }
0x84: {  	s8 =	simm.s32 $0x600;
	[sflag:s20] =	ssyncadd.s32 $0xFFFFC000  }
0x85: {  	[spmem:s3] =	stream.indirect.scatter.add.f32 [tilespmem:s13], [sflag:$0x3], $0x80, s8, s15, $0xb8;
	[tilespmem:$0x1D000] =	vst v63  }
0x86: {  	_ =	swait.ge [sflag:s22], $0x4000  }
0x87: {  	[sflag:s22] =	ssyncset.done $0x0  }
0x88: {  	s8 =	simm.s32 $0x700;
	[sflag:s22] =	ssyncadd.s32 $0xFFFFC000  }
0x89: {  	[spmem:s3] =	stream.indirect.scatter.add.f32 [tilespmem:s14], [sflag:$0x4], $0x80, s8, s15, $0xb8;
	[tilespmem:$0x1D000] =	vst v63  }
0x8a: {  	_ =	swait.ge [sflag:s9], $0x800  }
0x8b: {  	[sflag:s9] =	ssyncset.done $0x0  }
0x8c: {  	[sflag:s9] =	ssyncadd.s32 $0xFFFFF800  }
0x8d: {  	_ =	swait.ge [sflag:s17], $0x4000  }
0x8e: {  	[sflag:s17] =	ssyncset.done $0x0  }
0x8f: {  	s8 =	simm.s32 $0x880;
	[sflag:s17] =	ssyncadd.s32 $0xFFFFC000  }
0x90: {  	[tilespmem:s13], [sflag:$0x1] =	stream.indirect.gather [hbm4b:s0+s15], $0x80, s8, s15, $0xb8;
	[tilespmem:$0x1D000] =	vst v63  }
0x91: {  	_ =	swait.ge [sflag:s18], $0x4000  }
0x92: {  	[sflag:s18] =	ssyncset.done $0x0  }
0x93: {  	[sflag:s18] =	ssyncadd.s32 $0xFFFFC000  }
0x94: {  	[tilespmem:s14], [sflag:$0x2] =	stream.indirect.gather [hbm4b:s0+s15], $0x80, s11, s15, $0xb8;
	[tilespmem:$0x1D000] =	vst v63  }
0x95: {  	_ =	swait.ge [sflag:s20], $0x4000  }
0x96: {  	[sflag:s20] =	ssyncset.done $0x0  }
0x97: {  	[sflag:s20] =	ssyncadd.s32 $0xFFFFC000  }
0x98: {  	[spmem:s3] =	stream.indirect.scatter.add.f32 [tilespmem:s13], [sflag:$0x3], $0x80, s16, s15, $0xb8;
	[tilespmem:$0x1D000] =	vst v63  }
0x99: {  	_ =	swait.ge [sflag:s17], $0x4000  }
0x9a: {  	[sflag:s17] =	ssyncset.done $0x0  }
0x9b: {  	[sflag:s17] =	ssyncadd.s32 $0xFFFFC000  }
0x9c: {  	[tilespmem:s13], [sflag:$0x1] =	stream.indirect.gather [hbm4b:s0+s15], $0x80, s5, s15, $0xb8;
	[tilespmem:$0x1D000] =	vst v63  }
0x9d: {  	_ =	swait.ge [sflag:s22], $0x4000  }
0x9e: {  	[sflag:s22] =	ssyncset.done $0x0  }
0x9f: {  	[sflag:s22] =	ssyncadd.s32 $0xFFFFC000  }
0xa0: {  	[spmem:s3] =	stream.indirect.scatter.add.f32 [tilespmem:s14], [sflag:$0x4], $0x80, s12, s15, $0xb8;
	[tilespmem:$0x1D000] =	vst v63  }
0xa1: {  	_ =	swait.ge [sflag:s18], $0x4000  }
0xa2: {  	[sflag:s18] =	ssyncset.done $0x0  }
0xa3: {  	[sflag:s18] =	ssyncadd.s32 $0xFFFFC000  }
0xa4: {  	[tilespmem:s14], [sflag:$0x2] =	stream.indirect.gather [hbm4b:s0+s15], $0x80, s19, s15, $0xb8;
	[tilespmem:$0x1D000] =	vst v63  }
0xa5: {  	_ =	swait.ge [sflag:s20], $0x4000  }
0xa6: {  	[sflag:s20] =	ssyncset.done $0x0  }
0xa7: {  	[sflag:s20] =	ssyncadd.s32 $0xFFFFC000  }
0xa8: {  	[spmem:s3] =	stream.indirect.scatter.add.f32 [tilespmem:s13], [sflag:$0x3], $0x80, s21, s15, $0xb8;
	[tilespmem:$0x1D000] =	vst v63  }
0xa9: {  	_ =	swait.ge [sflag:s17], $0x4000  }
0xaa: {  	[sflag:s17] =	ssyncset.done $0x0  }
0xab: {  	[sflag:s17] =	ssyncadd.s32 $0xFFFFC000  }
0xac: {  	[tilespmem:s13], [sflag:$0x1] =	stream.indirect.gather [hbm4b:s0+s15], $0x80, s23, s15, $0xb8;
	[tilespmem:$0x1D000] =	vst v63  }
0xad: {  	_ =	swait.ge [sflag:s22], $0x4000  }
0xae: {  	[sflag:s22] =	ssyncset.done $0x0  }
0xaf: {  	[sflag:s22] =	ssyncadd.s32 $0xFFFFC000  }
0xb0: {  	[spmem:s3] =	stream.indirect.scatter.add.f32 [tilespmem:s14], [sflag:$0x4], $0x80, s24, s15, $0xb8;
	[tilespmem:$0x1D000] =	vst v63  }
0xb1: {  	_ =	swait.ge [sflag:s18], $0x4000  }
0xb2: {  	[sflag:s18] =	ssyncset.done $0x0  }
0xb3: {  	[sflag:s18] =	ssyncadd.s32 $0xFFFFC000  }
0xb4: {  	[tilespmem:s14], [sflag:$0x2] =	stream.indirect.gather [hbm4b:s0+s15], $0x80, s25, s15, $0xb8;
	[tilespmem:$0x1D000] =	vst v63  }
0xb5: {  	_ =	swait.ge [sflag:s20], $0x4000  }
0xb6: {  	[sflag:s20] =	ssyncset.done $0x0  }
0xb7: {  	[sflag:s20] =	ssyncadd.s32 $0xFFFFC000  }
0xb8: {  	[spmem:s3] =	stream.indirect.scatter.add.f32 [tilespmem:s13], [sflag:$0x3], $0x80, s26, s15, $0xb8;
	[tilespmem:$0x1D000] =	vst v63  }
0xb9: {  	_ =	swait.ge [sflag:s17], $0x4000  }
0xba: {  	[sflag:s17] =	ssyncset.done $0x0  }
0xbb: {  	[sflag:s17] =	ssyncadd.s32 $0xFFFFC000  }
0xbc: {  	[tilespmem:s13], [sflag:$0x1] =	stream.indirect.gather [hbm4b:s0+s15], $0x80, s28, s15, $0xb8;
	[tilespmem:$0x1D000] =	vst v63  }
0xbd: {  	_ =	swait.ge [sflag:s22], $0x4000  }
0xbe: {  	[sflag:s22] =	ssyncset.done $0x0  }
0xbf: {  	[sflag:s22] =	ssyncadd.s32 $0xFFFFC000  }
0xc0: {  	[spmem:s3] =	stream.indirect.scatter.add.f32 [tilespmem:s14], [sflag:$0x4], $0x80, s29, s15, $0xb8;
	[tilespmem:$0x1D000] =	vst v63  }
0xc1: {  	_ =	swait.ge [sflag:s18], $0x4000  }
0xc2: {  	[sflag:s18] =	ssyncset.done $0x0  }
0xc3: {  	[sflag:s18] =	ssyncadd.s32 $0xFFFFC000  }
0xc4: {  	[tilespmem:s14], [sflag:$0x2] =	stream.indirect.gather [hbm4b:s0+s15], $0x80, s30, s15, $0xb8;
	[tilespmem:$0x1D000] =	vst v63  }
0xc5: {  	_ =	swait.ge [sflag:s20], $0x4000  }
0xc6: {  	[sflag:s20] =	ssyncset.done $0x0  }
0xc7: {  	p0 =	seq.s32 s1, $0x800;
	[sflag:s20] =	ssyncadd.s32 $0xFFFFC000  }
0xc8: {  	[spmem:s3] =	stream.indirect.scatter.add.f32 [tilespmem:s13], [sflag:$0x3], $0x80, s31, s15, $0xb8;
	[tilespmem:$0x1D000] =	vst v63  }
.Ltmp2:
0xc9: {  	_ = 	snop;
	(pc) =	sbr.rel @p0 .LBB2_4-.Ltmp2, $4  }
0xca: {  	_ =	swait.ge [sflag:s22], $0x4000  }
0xcb: {  	[sflag:s22] =	ssyncset.done $0x0  }
0xcc: {  	[sflag:s22] =	ssyncadd.s32 $0xFFFFC000  }
0xcd: {  	[spmem:s3] =	stream.indirect.scatter.add.f32 [tilespmem:s14], [sflag:$0x4], $0x80, s2, s15, $0xb8;
	[tilespmem:$0x1D000] =	vst v63  }
.Ltmp3:
0xce: {  	(pc) =	sbr.rel .LBB2_2-.Ltmp3, $3  }
0xcf: {  	_ =	sdelay $0x1  }
0xd0: {  	s7 =	sadd.s32 $0x200, s7;
	s1 =	sadd.s32 $0x200, s1  }
0xd1: {  	[tilespmem:s4], [sflag:$0x5] =	stream.linear.gather [hbm4b:s7+s4], $0x800, $0x38;
	[tilespmem:$0x1D000] =	vst v63  }
.LBB2_5:
0xd2: {  	_ =	sfence.sel $0x180000  }
0xd3: {  	[bflag:$0x0] =	sbarrier.arrive $0xFFFF  }
0xd4: {  	_ =	strace $0x9000004A  }
0xd5: {  	s0 =	stileid.u32;
	[bflag:$0x2] =	sbarrier.arrive $0xFFFF  }
0xd6: {  	p0 =	sne.s32 s0, $0x0;
	s0 =	rddreg [dreg:$0x4]  }
0xd7: {  	s0 =	sadd.s32 @!p0 $0x100000, s0  }
0xd8: {  	[sflag:s0] =	ssyncadd.tile.s32 @!p0 $0x1;
	_ =	shalt  }
.Lfunc_end2:
_tile_overlayer_lowered:
.L_overlay_start_2:
0xd9: {  	(tag) =	ssettag $0x2  }
0xda: {  	s0 =	rddreg [dreg:$0x0];
	s2 =	stileid.u32  }
0xdb: {  	s1 =	rddreg [dreg:$0x1];
	p0 =	sne.s32 s2, $0x0  }
0xdc: {  	s3 =	rddreg [dreg:$0x2];
	[bflag:$0x3] =	sbarrier.arrive $0xFFFF;
	s2 =	simm.s32 @!p0 $0x1C07  }
0xdd: {  	[timem:s3], [sflag:s2] =	dma.local @!p0 [hbm:s0], s1  }
0xde: {  	s0 =	simm.s32 @!p0 $0x7  }
0xdf: {  	_ =	swait.ge @!p0 [sflag:s0], s1  }
0xe0: {  	s1 =	ssub.s32 @!p0 $0x0, s1;
	[sflag:s0] =	ssyncset.done @!p0 $0x0  }
0xe1: {  	[sflag:s0] =	ssyncadd.s32 @!p0 s1  }
0xe2: {  	[bflag:$0x3] =	sbarrier.arrive $0xFFFF  }
0xe3: {  	_ =	shalt  }

// kernel: kernel.8.cloned.1.call-start
scs
__scs_entry_jumppad:
0x0: {  	(pc) =	sbr.rel $0x88, $3  }
0x1: {  	(tag) =	ssettag $0x0;
	lr =	simm.s32 $0x1  }
0x2: {  	[smem:$0x3F99] =	sst lr;
	_ =	strace $0xD0000000  }
0x3: {  	_ = 	snop  }
0x4: {  	_ = 	snop  }
0x5: {  	_ = 	snop  }
0x6: {  	_ = 	snop  }
0x7: {  	_ = 	snop  }
__scs_overlays_trampoline_lowered:
0x8: {  	[smem:$0x3FA8] =	sst s0  }
0x9: {  	[smem:$0x3FA9] =	sst s1  }
0xa: {  	[smem:$0x3FAA] =	sst s2  }
0xb: {  	[smem:$0x3FAB] =	sst s3  }
0xc: {  	[smem:$0x3FAC] =	sst s4  }
0xd: {  	[smem:$0x3FAD] =	sst s5  }
0xe: {  	[smem:$0x3FAE] =	sst s6  }
0xf: {  	[smem:$0x3FAF] =	sst s7  }
0x10: {  	[smem:$0x3FB0] =	sst s8  }
0x11: {  	[smem:$0x3FB1] =	sst s9;
	s0 =	simm.s32 @!p0 $0x0  }
0x12: {  	s1 =	sld [smem:$0x3F97];
	s0 =	simm.s32 @p0 $0x1  }
0x13: {  	[smem:$0x3FB2] =	sst s0;
	s0 =	simm.s32 @!p1 $0x0  }
0x14: {  	s2 =	sld [smem:$0x3F96];
	s0 =	simm.s32 @p1 $0x1  }
0x15: {  	[smem:$0x3FB3] =	sst s0;
	s0 =	simm.s32 @!p2 $0x0  }
0x16: {  	s3 =	sld [smem:$0x3FDB];
	s0 =	simm.s32 @p2 $0x1  }
0x17: {  	s4 =	simm.s32 $0x1BF5;
	[smem:$0x3FB5] =	sst s0  }
0x18: {  	s0 =	sld [smem:$0x3F98];
	_ =	swait.ge [sflag:s4], $0x0  }
0x19: {  	s7 =	sld [smem:$0x3F99]  }
0x1a: {  	s8 =	sadd.s32 $0xFFFFE003, lr  }
0x1b: {  	s9 =	sadd.s32 $0xFFFFFEF7, lr;
	s5 =	simm.s32 $0xFFFFFFFF;
	p2 =	slt.u32 s8, $0xFFFFF086  }
0x1c: {  	p1 =	slt.u32 s9, $0xF7A;
	s5 =	simm.s32 @!p2 $0x0  }
0x1d: {  	s5 =	simm.s32 @p1 $0x1;
	p0 =	seq.s32 s7, s2  }
0x1e: {  	s7 =	smul.u32 @!p0 $0xF7A, s2;
	p2 =	seq.s32 @!p0 s5, $0x0  }
0x1f: {  	s9 =	smul.u32 $0xF7A, s1;
	s8 =	simm.s32 @!p0 $0x1BF5;
	p2 =	por !p2, p0  }
0x20: {  	[sflag:s8] =	ssyncset.s32 @!p0 $0xFFFFF086;
	s6 =	sadd.s32 @!p0 s3, s7;
	s7 =	simm.s32 @!p0 $0x108  }
0x21: {  	s3 =	sadd.s32 s3, s9;
	s6 =	sadd.s32 @!p0 $0x88, s6;
	s7 =	simm.s32 @p2 $0x1082  }
0x22: {  	[simem:s7], [sflag:s8] =	dma.local @!p0 [hbm:s6], $0xF7A  }
0x23: {  	s9 =	sor.u32 $0xD0000000, s2;
	s6 =	simm.s32 $0x108;
	_ =	swait.ge @!p0 [sflag:s8], $0x0  }
0x24: {  	s3 =	sadd.s32 $0x88, s3;
	s6 =	simm.s32 @!p1 $0x1082;
	[sflag:s4] =	ssyncset.s32 $0xFFFFF086  }
0x25: {  	[simem:s6], [sflag:s4] =	dma.local [hbm:s3], $0xF7A  }
0x26: {  	[smem:$0x3F99] =	sst s1;
	(tag) =	ssettag s2;
	_ =	strace s9  }
0x27: {  	s1 =	sld [smem:$0x3FA9]  }
0x28: {  	s2 =	sld [smem:$0x3FAA]  }
0x29: {  	s4 =	sld [smem:$0x3FAC]  }
0x2a: {  	p0 =	seq.s32 s5, $0x0;
	s5 =	sld [smem:$0x3FAD]  }
0x2b: {  	s6 =	sld [smem:$0x3FAE]  }
0x2c: {  	s7 =	sld [smem:$0x3FAF]  }
0x2d: {  	s3 =	simm.s32 $0x108;
	s8 =	sld [smem:$0x3FB0]  }
0x2e: {  	s3 =	simm.s32 @!p0 $0x1082;
	s9 =	sld [smem:$0x3FB1]  }
0x2f: {  	lr =	sadd.s32 s0, s3;
	s0 =	sld [smem:$0x3FA8]  }
0x30: {  	s3 =	sld [smem:$0x3FAB]  }
0x31: {  	[smem:$0x3FB4] =	sst s10  }
0x32: {  	s10 =	sld [smem:$0x3FB2];
	_ =	sdelay $0x3  }
0x33: {  	p0 =	seq.s32 s10, $0x1;
	s10 =	sld [smem:$0x3FB4];
	_ =	sdelay $0x3  }
0x34: {  	[smem:$0x3FB4] =	sst s10  }
0x35: {  	s10 =	sld [smem:$0x3FB3];
	_ =	sdelay $0x3  }
0x36: {  	p1 =	seq.s32 s10, $0x1;
	s10 =	sld [smem:$0x3FB4];
	_ =	sdelay $0x3  }
0x37: {  	[smem:$0x3FB4] =	sst s10  }
0x38: {  	s10 =	sld [smem:$0x3FB5]  }
0x39: {  	_ = 	snop;
	(pc) =	sbr.ind lr, $3  }
0x3a: {  	_ = 	snop  }
0x3b: {  	_ = 	snop  }
0x3c: {  	p2 =	seq.s32 s10, $0x1;
	s10 =	sld [smem:$0x3FB4]  }
0x3d: {  	_ =	shalt  }
0x3e: {  	_ =	shalt  }
0x3f: {  	_ =	shalt  }
0x40: {  	_ =	shalt  }
0x41: {  	_ =	shalt  }
0x42: {  	_ =	shalt  }
0x43: {  	_ =	shalt  }
0x44: {  	_ =	shalt  }
0x45: {  	_ =	shalt  }
0x46: {  	_ =	shalt  }
0x47: {  	_ =	shalt  }
0x48: {  	_ =	shalt  }
0x49: {  	_ =	shalt  }
0x4a: {  	_ =	shalt  }
0x4b: {  	_ =	shalt  }
0x4c: {  	_ =	shalt  }
0x4d: {  	_ =	shalt  }
0x4e: {  	_ =	shalt  }
0x4f: {  	_ =	shalt  }
0x50: {  	_ =	shalt  }
0x51: {  	_ =	shalt  }
0x52: {  	_ =	shalt  }
0x53: {  	_ =	shalt  }
0x54: {  	_ =	shalt  }
0x55: {  	_ =	shalt  }
0x56: {  	_ =	shalt  }
0x57: {  	_ =	shalt  }
0x58: {  	_ =	shalt  }
0x59: {  	_ =	shalt  }
0x5a: {  	_ =	shalt  }
0x5b: {  	_ =	shalt  }
0x5c: {  	_ =	shalt  }
0x5d: {  	_ =	shalt  }
0x5e: {  	_ =	shalt  }
0x5f: {  	_ =	shalt  }
0x60: {  	_ =	shalt  }
0x61: {  	_ =	shalt  }
0x62: {  	_ =	shalt  }
0x63: {  	_ =	shalt  }
0x64: {  	_ =	shalt  }
0x65: {  	_ =	shalt  }
0x66: {  	_ =	shalt  }
0x67: {  	_ =	shalt  }
0x68: {  	_ =	shalt  }
0x69: {  	_ =	shalt  }
0x6a: {  	_ =	shalt  }
0x6b: {  	_ =	shalt  }
0x6c: {  	_ =	shalt  }
0x6d: {  	_ =	shalt  }
0x6e: {  	_ =	shalt  }
0x6f: {  	_ =	shalt  }
0x70: {  	_ =	shalt  }
0x71: {  	_ =	shalt  }
0x72: {  	_ =	shalt  }
0x73: {  	_ =	shalt  }
0x74: {  	_ =	shalt  }
0x75: {  	_ =	shalt  }
0x76: {  	_ =	shalt  }
0x77: {  	_ =	shalt  }
0x78: {  	_ =	shalt  }
0x79: {  	_ =	shalt  }
0x7a: {  	_ =	shalt  }
0x7b: {  	_ =	shalt  }
0x7c: {  	_ =	shalt  }
0x7d: {  	_ =	shalt  }
0x7e: {  	_ =	shalt  }
0x7f: {  	_ =	shalt  }
0x80: {  	_ =	shalt  }
0x81: {  	_ =	shalt  }
0x82: {  	_ =	shalt  }
0x83: {  	_ =	shalt  }
0x84: {  	_ =	shalt  }
0x85: {  	_ =	shalt  }
0x86: {  	_ =	shalt  }
0x87: {  	_ =	shalt  }
.Lfunc_end0:
.L_simem_size_0:
called_computation.1_lowered:
.L_overlay_start_0:
0x88: {  	s2 =	sld [smem:$0x3FD9]  }
0x89: {  	s3 =	sld [smem:$0x3FFE];
	_ =	sdelay $0x1  }
0x8a: {  	s1 =	srdreg.scid  }
0x8b: {  	s0 =	sand.u32 $0x1, s1  }
0x8c: {  	s17 =	sshll.u32 s0, $0xA;
	s2 =	sadd.s32 s3, s2  }
0x8d: {  	s2 =	sadd.s32 s2, s17  }
0x8e: {  	[smem:$0x3FC0] =	sst s2  }
0x8f: {  	_ = 	snop  }
0x90: {  	s2 =	sld [smem:$0x3FD0];
	(tm) =	ssettm $0x1  }
0x91: {  	s18 =	sld [smem:$0x3FFB];
	_ =	sdelay $0x3  }
0x92: {  	_ =	strace s18  }
0x93: {  	s3 =	sld [smem:$0x3FFC];
	_ =	sdelay $0x3  }
0x94: {  	_ =	strace s3  }
0x95: {  	s3 =	sld [smem:$0x3FFD];
	_ =	sdelay $0x3  }
0x96: {  	_ =	strace s3  }
0x97: {  	_ =	strace $0x8FFFFFFF  }
0x98: {  	s19 =	sld [smem:$0x3FDB];
	_ =	sdelay $0x1  }
0x99: {  	s4 =	simm.s32 $_scs_section_size  }
0x9a: {  	s5 =	simm.s32 $_size__tile_overlayer_lowered;
	s6 =	simm.s32 $_tile_overlayer_lowered  }
0x9b: {  	s22 =	simm.s32 $0x1BFF;
	s21 =	sshll.u32 s6, $0x1;
	s3 =	sadd.s32 s4, s19  }
0x9c: {  	s7 =	simm.s32 $0x0;
	s20 =	sshll.u32 s5, $0x1;
	s5 =	sadd.s32 s21, s3  }
0x9d: {  	[timem:s7], [sflag:s22] =	dma.local [hbm:s5], s20  }
0x9e: {  	_ =	swait.ge [sflag:s22], s20  }
0x9f: {  	s4 =	ssub.s32 $0x0, s20;
	[sflag:s22] =	ssyncset.done $0x0  }
0xa0: {  	[sflag:s22] =	ssyncadd.s32 s4;
	_ =	sdelay $0x1  }
0xa1: {  	s23 =	simm.s32 $0x1B8B  }
0xa2: {  	_ =	swait.ge [sflag:s23], $0x1  }
0xa3: {  	[sflag:s23] =	ssyncset.done $0x0  }
0xa4: {  	s25 =	simm.s32 $0x1B8E;
	s24 =	sld [smem:$0x3FFE];
	[sflag:s23] =	ssyncadd.s32 $0xFFFFFFFF  }
0xa5: {  	s26 =	simm.s32 $execute0_lowered;
	[smem:$0x3FD2] =	sst s25  }
0xa6: {  	s5 =	sshll.u32 s26, $0x1;
	_ =	strace $0x80000046;
	[dreg:$0x1] =	wrdreg $0xFFFFFFFF  }
0xa7: {  	s28 =	simm.s32 $_size_execute0_lowered;
	s3 =	sadd.s32 s3, s5;
	[dreg:$0x0] =	wrdreg $0x0  }
0xa8: {  	s5 =	sshll.u32 s28, $0x1;
	[dreg:$0x2] =	wrdreg s3  }
0xa9: {  	[dreg:$0x3] =	wrdreg s5  }
0xaa: {  	[dreg:$0x4] =	wrdreg $0xC0  }
0xab: {  	_ =	task [dreg:s7], $0x5FFFF  }
0xac: {  	[dreg:$0x1] =	wrdreg $0xFFFFFFFF  }
0xad: {  	[dreg:$0x0] =	wrdreg $0x60  }
0xae: {  	[dreg:$0x2] =	wrdreg s2  }
0xaf: {  	[dreg:$0x3] =	wrdreg s24  }
0xb0: {  	[dreg:$0x4] =	wrdreg $0xA  }
0xb1: {  	_ =	task.clear_ibuf [dreg:s7], $0x5FFFF;
	_ =	strace $0x90000046  }
0xb2: {  	s29 =	simm.s32 $0xA;
	_ =	strace $0x80000048  }
0xb3: {  	_ =	swait.ge [sflag:s29], $0x1  }
0xb4: {  	[sflag:s29] =	ssyncadd.s32 $0xFFFFFFFF  }
0xb5: {  	_ =	strace $0x90000048  }
0xb6: {  	_ =	sfence  }
0xb7: {  	s30 =	sld [smem:$0x0];
	_ =	sdelay $0x2  }
0xb8: {  	s31 =	sshll.u32 s1, $0xD;
	s1 =	sshrl.u32 s1, $0x2  }
0xb9: {  	s3 =	sand.u32 $0x4000, s31;
	s1 =	sadd.s32 s1, s30  }
0xba: {  	s0 =	sor.u32 s3, s0;
	s1 =	sshll.u32 s1, $0x11  }
0xbb: {  	s0 =	sor.u32 s1, s0  }
0xbc: {  	s0 =	sadd.s32 $0x8F2B, s0  }
0xbd: {  	[sflag:s0] =	ssyncadd.remote.s32 $0x1  }
0xbe: {  	_ =	sfence.sel $0xFFFF  }
0xbf: {  	[dreg:$0x0] =	wrdreg $0xFFFFFFFF;
	(pc) =	sbr.abs _section_cstart, $3  }
0xc0: {  	[dreg:$0x1] =	wrdreg $0xFFFFFFFF  }
0xc1: {  	_ =	task.clear_ibuf [dreg:s7], $0x2FFFF;
	_ =	strace $0x9FFFFFFF  }
0xc2: {  	(tm) =	ssettm $0x7FFFFFFF  }
0xc3: {  	_ =	shalt  }
tec
execute0_lowered:
.L_overlay_start_1:
0x0: {  	(tag) =	ssettag $0x1  }
0x1: {  	s4 =	rddreg [dreg:$0x0]  }
0x2: {  	s0 =	srdreg.scid;
	s1 =	stileid.u32  }
0x3: {  	s3 =	rddreg [dreg:$0x1];
	s2 =	simm.s32 $0x0;
	s7 =	smul.u32 $0x5000, s1  }
0x4: {  	s5 =	sand.u32 $0x1, s0;
	s0 =	rddreg [dreg:$0x2];
	s8 =	smul.u32 $0x1400, s1  }
0x5: {  	[smem:$0x7FF] =	sst s2;
	s6 =	smul.u32 $0x50000, s5;
	s29 =	ssub.s32 $0x2, s5  }
0x6: {  	_ =	strace $0x80000047;
	s10 =	smul.u32 $0xA00, s5;
	s9 =	sshrl.u32 s29, $0x1  }
0x7: {  	v0 =	vlaneseq.u32;
	s31 =	sadd.s32 s8, s4;
	s8 =	simm.s32 $0x1;
	s6 =	sadd.s32 s7, s6  }
0x8: {  	v1 =	vimm.f32 $1.000000000e+00;
	vm0 =	vcmask $0xF08;
	vm1 =	vcmask $0x1710;
	s30 =	ssub.s32 s29, s9;
	s7 =	simm.s32 $0x800;
	s6 =	sshrl.u32 s6, $0x3  }
0x9: {  	vm2 =	vcmask $0x1F18;
	vm3 =	vcmask $0x2720;
	vm4 =	vcmask $0x2F28;
	s9 =	simm.s32 $0x0;
	s5 =	smax.u32 s30, $0x1;
	s6 =	sadd.s32 s6, s3  }
0xa: {  	vm5 =	vcmask $0x3730;
	vm6 =	vcmask $0x3F38;
	v0 =	vand.u32 $0x1, v0;
	s3 =	sadd.s32 $0x1A00, s3;
	s4 =	sadd.s32 $0x4200, s6;
	s6 =	sadd.s32 s10, s31  }
.LBB2_1:
0xb: {  	[tilespmem:s7], [sflag:$0x1] =	stream.linear.gather [hbm4b:s3+s2], $0x5000, $0x38;
	[tilespmem:$0x5800] =	vst v63  }
0xc: {  	_ =	swait.ge [sflag:s8], $0x5000  }
0xd: {  	[sflag:s8] =	ssyncset.done $0x0  }
0xe: {  	s10 =	simm.s32 $0x0;
	[sflag:s8] =	ssyncadd.s32 $0xFFFFB000  }
.LBB2_2:
0xf: {  	s11 =	sadd.s32 s10, s6  }
0x10: {  	[tilespmem:s2], [sflag:$0x1] =	stream.linear.gather [hbm4b:s11+s2], $0x800, $0x38;
	[tilespmem:$0x5800] =	vst v63  }
0x11: {  	_ =	swait.ge [sflag:s8], $0x800  }
0x12: {  	[sflag:s8] =	ssyncset.done $0x0  }
0x13: {  	[sflag:s8] =	ssyncadd.s32 $0xFFFFF800  }
0x14: {  	v2 =	vld [tilespmem:$0x0];
	_ =	sdelay $0x4  }
0x15: {  	v2 =	vshll.u32 v2, $0x1  }
0x16: {  	v2 =	vor.u32 v0, v2;
	_ =	sdelay $0x4  }
0x17: {  	[tilespmem:v2+s7+$0x0] =	vst.idx.add.f32.msk $0x3, v1  }
0x18: {  	[tilespmem:v2+s7+$0x0] =	vst.idx.add.f32.msk vm0, v1  }
0x19: {  	[tilespmem:v2+s7+$0x0] =	vst.idx.add.f32.msk vm1, v1  }
0x1a: {  	[tilespmem:v2+s7+$0x0] =	vst.idx.add.f32.msk vm2, v1  }
0x1b: {  	[tilespmem:v2+s7+$0x0] =	vst.idx.add.f32.msk vm3, v1  }
0x1c: {  	[tilespmem:v2+s7+$0x0] =	vst.idx.add.f32.msk vm4, v1  }
0x1d: {  	[tilespmem:v2+s7+$0x0] =	vst.idx.add.f32.msk vm5, v1  }
0x1e: {  	[tilespmem:v2+s7+$0x0] =	vst.idx.add.f32.msk vm6, v1  }
0x1f: {  	v2 =	vld [tilespmem:$0x10];
	_ =	sdelay $0x4  }
0x20: {  	v2 =	vshll.u32 v2, $0x1  }
0x21: {  	v2 =	vor.u32 v0, v2;
	_ =	sdelay $0x4  }
0x22: {  	[tilespmem:v2+s7+$0x0] =	vst.idx.add.f32.msk $0x3, v1  }
0x23: {  	[tilespmem:v2+s7+$0x0] =	vst.idx.add.f32.msk vm0, v1  }
0x24: {  	[tilespmem:v2+s7+$0x0] =	vst.idx.add.f32.msk vm1, v1  }
0x25: {  	[tilespmem:v2+s7+$0x0] =	vst.idx.add.f32.msk vm2, v1  }
0x26: {  	[tilespmem:v2+s7+$0x0] =	vst.idx.add.f32.msk vm3, v1  }
0x27: {  	[tilespmem:v2+s7+$0x0] =	vst.idx.add.f32.msk vm4, v1  }
0x28: {  	[tilespmem:v2+s7+$0x0] =	vst.idx.add.f32.msk vm5, v1  }
0x29: {  	[tilespmem:v2+s7+$0x0] =	vst.idx.add.f32.msk vm6, v1  }
0x2a: {  	v2 =	vld [tilespmem:$0x20];
	_ =	sdelay $0x4  }
0x2b: {  	v2 =	vshll.u32 v2, $0x1  }
0x2c: {  	v2 =	vor.u32 v0, v2;
	_ =	sdelay $0x4  }
0x2d: {  	[tilespmem:v2+s7+$0x0] =	vst.idx.add.f32.msk $0x3, v1  }
0x2e: {  	[tilespmem:v2+s7+$0x0] =	vst.idx.add.f32.msk vm0, v1  }
0x2f: {  	[tilespmem:v2+s7+$0x0] =	vst.idx.add.f32.msk vm1, v1  }
0x30: {  	[tilespmem:v2+s7+$0x0] =	vst.idx.add.f32.msk vm2, v1  }
0x31: {  	[tilespmem:v2+s7+$0x0] =	vst.idx.add.f32.msk vm3, v1  }
0x32: {  	[tilespmem:v2+s7+$0x0] =	vst.idx.add.f32.msk vm4, v1  }
0x33: {  	[tilespmem:v2+s7+$0x0] =	vst.idx.add.f32.msk vm5, v1  }
0x34: {  	[tilespmem:v2+s7+$0x0] =	vst.idx.add.f32.msk vm6, v1  }
0x35: {  	v2 =	vld [tilespmem:$0x30];
	_ =	sdelay $0x4  }
0x36: {  	v2 =	vshll.u32 v2, $0x1  }
0x37: {  	v2 =	vor.u32 v0, v2;
	_ =	sdelay $0x4  }
0x38: {  	[tilespmem:v2+s7+$0x0] =	vst.idx.add.f32.msk $0x3, v1  }
0x39: {  	[tilespmem:v2+s7+$0x0] =	vst.idx.add.f32.msk vm0, v1  }
0x3a: {  	[tilespmem:v2+s7+$0x0] =	vst.idx.add.f32.msk vm1, v1  }
0x3b: {  	[tilespmem:v2+s7+$0x0] =	vst.idx.add.f32.msk vm2, v1  }
0x3c: {  	[tilespmem:v2+s7+$0x0] =	vst.idx.add.f32.msk vm3, v1  }
0x3d: {  	[tilespmem:v2+s7+$0x0] =	vst.idx.add.f32.msk vm4, v1  }
0x3e: {  	[tilespmem:v2+s7+$0x0] =	vst.idx.add.f32.msk vm5, v1  }
0x3f: {  	[tilespmem:v2+s7+$0x0] =	vst.idx.add.f32.msk vm6, v1  }
0x40: {  	v2 =	vld [tilespmem:$0x40];
	_ =	sdelay $0x4  }
0x41: {  	v2 =	vshll.u32 v2, $0x1  }
0x42: {  	v2 =	vor.u32 v0, v2;
	_ =	sdelay $0x4  }
0x43: {  	[tilespmem:v2+s7+$0x0] =	vst.idx.add.f32.msk $0x3, v1  }
0x44: {  	[tilespmem:v2+s7+$0x0] =	vst.idx.add.f32.msk vm0, v1  }
0x45: {  	[tilespmem:v2+s7+$0x0] =	vst.idx.add.f32.msk vm1, v1  }
0x46: {  	[tilespmem:v2+s7+$0x0] =	vst.idx.add.f32.msk vm2, v1  }
0x47: {  	[tilespmem:v2+s7+$0x0] =	vst.idx.add.f32.msk vm3, v1  }
0x48: {  	[tilespmem:v2+s7+$0x0] =	vst.idx.add.f32.msk vm4, v1  }
0x49: {  	[tilespmem:v2+s7+$0x0] =	vst.idx.add.f32.msk vm5, v1  }
0x4a: {  	[tilespmem:v2+s7+$0x0] =	vst.idx.add.f32.msk vm6, v1  }
0x4b: {  	v2 =	vld [tilespmem:$0x50];
	_ =	sdelay $0x4  }
0x4c: {  	v2 =	vshll.u32 v2, $0x1  }
0x4d: {  	v2 =	vor.u32 v0, v2;
	_ =	sdelay $0x4  }
0x4e: {  	[tilespmem:v2+s7+$0x0] =	vst.idx.add.f32.msk $0x3, v1  }
0x4f: {  	[tilespmem:v2+s7+$0x0] =	vst.idx.add.f32.msk vm0, v1  }
0x50: {  	[tilespmem:v2+s7+$0x0] =	vst.idx.add.f32.msk vm1, v1  }
0x51: {  	[tilespmem:v2+s7+$0x0] =	vst.idx.add.f32.msk vm2, v1  }
0x52: {  	[tilespmem:v2+s7+$0x0] =	vst.idx.add.f32.msk vm3, v1  }
0x53: {  	[tilespmem:v2+s7+$0x0] =	vst.idx.add.f32.msk vm4, v1  }
0x54: {  	[tilespmem:v2+s7+$0x0] =	vst.idx.add.f32.msk vm5, v1  }
0x55: {  	[tilespmem:v2+s7+$0x0] =	vst.idx.add.f32.msk vm6, v1  }
0x56: {  	v2 =	vld [tilespmem:$0x60];
	_ =	sdelay $0x4  }
0x57: {  	v2 =	vshll.u32 v2, $0x1  }
0x58: {  	v2 =	vor.u32 v0, v2;
	_ =	sdelay $0x4  }
0x59: {  	[tilespmem:v2+s7+$0x0] =	vst.idx.add.f32.msk $0x3, v1  }
0x5a: {  	[tilespmem:v2+s7+$0x0] =	vst.idx.add.f32.msk vm0, v1  }
0x5b: {  	[tilespmem:v2+s7+$0x0] =	vst.idx.add.f32.msk vm1, v1  }
0x5c: {  	[tilespmem:v2+s7+$0x0] =	vst.idx.add.f32.msk vm2, v1  }
0x5d: {  	[tilespmem:v2+s7+$0x0] =	vst.idx.add.f32.msk vm3, v1  }
0x5e: {  	[tilespmem:v2+s7+$0x0] =	vst.idx.add.f32.msk vm4, v1  }
0x5f: {  	[tilespmem:v2+s7+$0x0] =	vst.idx.add.f32.msk vm5, v1  }
0x60: {  	[tilespmem:v2+s7+$0x0] =	vst.idx.add.f32.msk vm6, v1  }
0x61: {  	v2 =	vld [tilespmem:$0x70];
	_ =	sdelay $0x4  }
0x62: {  	v2 =	vshll.u32 v2, $0x1  }
0x63: {  	v2 =	vor.u32 v0, v2;
	_ =	sdelay $0x4  }
0x64: {  	[tilespmem:v2+s7+$0x0] =	vst.idx.add.f32.msk $0x3, v1  }
0x65: {  	[tilespmem:v2+s7+$0x0] =	vst.idx.add.f32.msk vm0, v1  }
0x66: {  	[tilespmem:v2+s7+$0x0] =	vst.idx.add.f32.msk vm1, v1  }
0x67: {  	[tilespmem:v2+s7+$0x0] =	vst.idx.add.f32.msk vm2, v1  }
0x68: {  	[tilespmem:v2+s7+$0x0] =	vst.idx.add.f32.msk vm3, v1  }
0x69: {  	[tilespmem:v2+s7+$0x0] =	vst.idx.add.f32.msk vm4, v1  }
0x6a: {  	[tilespmem:v2+s7+$0x0] =	vst.idx.add.f32.msk vm5, v1  }
0x6b: {  	[tilespmem:v2+s7+$0x0] =	vst.idx.add.f32.msk vm6, v1  }
0x6c: {  	v2 =	vld [tilespmem:$0x100];
	_ =	sdelay $0x4  }
0x6d: {  	v2 =	vshll.u32 v2, $0x1  }
0x6e: {  	v2 =	vor.u32 v0, v2;
	_ =	sdelay $0x4  }
0x6f: {  	[tilespmem:v2+s7+$0x0] =	vst.idx.add.f32.msk $0x3, v1  }
0x70: {  	[tilespmem:v2+s7+$0x0] =	vst.idx.add.f32.msk vm0, v1  }
0x71: {  	[tilespmem:v2+s7+$0x0] =	vst.idx.add.f32.msk vm1, v1  }
0x72: {  	[tilespmem:v2+s7+$0x0] =	vst.idx.add.f32.msk vm2, v1  }
0x73: {  	[tilespmem:v2+s7+$0x0] =	vst.idx.add.f32.msk vm3, v1  }
0x74: {  	[tilespmem:v2+s7+$0x0] =	vst.idx.add.f32.msk vm4, v1  }
0x75: {  	[tilespmem:v2+s7+$0x0] =	vst.idx.add.f32.msk vm5, v1  }
0x76: {  	[tilespmem:v2+s7+$0x0] =	vst.idx.add.f32.msk vm6, v1  }
0x77: {  	v2 =	vld [tilespmem:$0x110];
	_ =	sdelay $0x4  }
0x78: {  	v2 =	vshll.u32 v2, $0x1  }
0x79: {  	v2 =	vor.u32 v0, v2;
	_ =	sdelay $0x4  }
0x7a: {  	[tilespmem:v2+s7+$0x0] =	vst.idx.add.f32.msk $0x3, v1  }
0x7b: {  	[tilespmem:v2+s7+$0x0] =	vst.idx.add.f32.msk vm0, v1  }
0x7c: {  	[tilespmem:v2+s7+$0x0] =	vst.idx.add.f32.msk vm1, v1  }
0x7d: {  	[tilespmem:v2+s7+$0x0] =	vst.idx.add.f32.msk vm2, v1  }
0x7e: {  	[tilespmem:v2+s7+$0x0] =	vst.idx.add.f32.msk vm3, v1  }
0x7f: {  	[tilespmem:v2+s7+$0x0] =	vst.idx.add.f32.msk vm4, v1  }
0x80: {  	[tilespmem:v2+s7+$0x0] =	vst.idx.add.f32.msk vm5, v1  }
0x81: {  	[tilespmem:v2+s7+$0x0] =	vst.idx.add.f32.msk vm6, v1  }
0x82: {  	v2 =	vld [tilespmem:$0x120];
	_ =	sdelay $0x4  }
0x83: {  	v2 =	vshll.u32 v2, $0x1  }
0x84: {  	v2 =	vor.u32 v0, v2;
	_ =	sdelay $0x4  }
0x85: {  	[tilespmem:v2+s7+$0x0] =	vst.idx.add.f32.msk $0x3, v1  }
0x86: {  	[tilespmem:v2+s7+$0x0] =	vst.idx.add.f32.msk vm0, v1  }
0x87: {  	[tilespmem:v2+s7+$0x0] =	vst.idx.add.f32.msk vm1, v1  }
0x88: {  	[tilespmem:v2+s7+$0x0] =	vst.idx.add.f32.msk vm2, v1  }
0x89: {  	[tilespmem:v2+s7+$0x0] =	vst.idx.add.f32.msk vm3, v1  }
0x8a: {  	[tilespmem:v2+s7+$0x0] =	vst.idx.add.f32.msk vm4, v1  }
0x8b: {  	[tilespmem:v2+s7+$0x0] =	vst.idx.add.f32.msk vm5, v1  }
0x8c: {  	[tilespmem:v2+s7+$0x0] =	vst.idx.add.f32.msk vm6, v1  }
0x8d: {  	v2 =	vld [tilespmem:$0x130];
	_ =	sdelay $0x4  }
0x8e: {  	v2 =	vshll.u32 v2, $0x1  }
0x8f: {  	v2 =	vor.u32 v0, v2;
	_ =	sdelay $0x4  }
0x90: {  	[tilespmem:v2+s7+$0x0] =	vst.idx.add.f32.msk $0x3, v1  }
0x91: {  	[tilespmem:v2+s7+$0x0] =	vst.idx.add.f32.msk vm0, v1  }
0x92: {  	[tilespmem:v2+s7+$0x0] =	vst.idx.add.f32.msk vm1, v1  }
0x93: {  	[tilespmem:v2+s7+$0x0] =	vst.idx.add.f32.msk vm2, v1  }
0x94: {  	[tilespmem:v2+s7+$0x0] =	vst.idx.add.f32.msk vm3, v1  }
0x95: {  	[tilespmem:v2+s7+$0x0] =	vst.idx.add.f32.msk vm4, v1  }
0x96: {  	[tilespmem:v2+s7+$0x0] =	vst.idx.add.f32.msk vm5, v1  }
0x97: {  	[tilespmem:v2+s7+$0x0] =	vst.idx.add.f32.msk vm6, v1  }
0x98: {  	v2 =	vld [tilespmem:$0x140];
	_ =	sdelay $0x4  }
0x99: {  	v2 =	vshll.u32 v2, $0x1  }
0x9a: {  	v2 =	vor.u32 v0, v2;
	_ =	sdelay $0x4  }
0x9b: {  	[tilespmem:v2+s7+$0x0] =	vst.idx.add.f32.msk $0x3, v1  }
0x9c: {  	[tilespmem:v2+s7+$0x0] =	vst.idx.add.f32.msk vm0, v1  }
0x9d: {  	[tilespmem:v2+s7+$0x0] =	vst.idx.add.f32.msk vm1, v1  }
0x9e: {  	[tilespmem:v2+s7+$0x0] =	vst.idx.add.f32.msk vm2, v1  }
0x9f: {  	[tilespmem:v2+s7+$0x0] =	vst.idx.add.f32.msk vm3, v1  }
0xa0: {  	[tilespmem:v2+s7+$0x0] =	vst.idx.add.f32.msk vm4, v1  }
0xa1: {  	[tilespmem:v2+s7+$0x0] =	vst.idx.add.f32.msk vm5, v1  }
0xa2: {  	[tilespmem:v2+s7+$0x0] =	vst.idx.add.f32.msk vm6, v1  }
0xa3: {  	v2 =	vld [tilespmem:$0x150];
	_ =	sdelay $0x4  }
0xa4: {  	v2 =	vshll.u32 v2, $0x1  }
0xa5: {  	v2 =	vor.u32 v0, v2;
	_ =	sdelay $0x4  }
0xa6: {  	[tilespmem:v2+s7+$0x0] =	vst.idx.add.f32.msk $0x3, v1  }
0xa7: {  	[tilespmem:v2+s7+$0x0] =	vst.idx.add.f32.msk vm0, v1  }
0xa8: {  	[tilespmem:v2+s7+$0x0] =	vst.idx.add.f32.msk vm1, v1  }
0xa9: {  	[tilespmem:v2+s7+$0x0] =	vst.idx.add.f32.msk vm2, v1  }
0xaa: {  	[tilespmem:v2+s7+$0x0] =	vst.idx.add.f32.msk vm3, v1  }
0xab: {  	[tilespmem:v2+s7+$0x0] =	vst.idx.add.f32.msk vm4, v1  }
0xac: {  	[tilespmem:v2+s7+$0x0] =	vst.idx.add.f32.msk vm5, v1  }
0xad: {  	[tilespmem:v2+s7+$0x0] =	vst.idx.add.f32.msk vm6, v1  }
0xae: {  	v2 =	vld [tilespmem:$0x160];
	_ =	sdelay $0x4  }
0xaf: {  	v2 =	vshll.u32 v2, $0x1  }
0xb0: {  	v2 =	vor.u32 v0, v2;
	_ =	sdelay $0x4  }
0xb1: {  	[tilespmem:v2+s7+$0x0] =	vst.idx.add.f32.msk $0x3, v1  }
0xb2: {  	[tilespmem:v2+s7+$0x0] =	vst.idx.add.f32.msk vm0, v1  }
0xb3: {  	[tilespmem:v2+s7+$0x0] =	vst.idx.add.f32.msk vm1, v1  }
0xb4: {  	[tilespmem:v2+s7+$0x0] =	vst.idx.add.f32.msk vm2, v1  }
0xb5: {  	[tilespmem:v2+s7+$0x0] =	vst.idx.add.f32.msk vm3, v1  }
0xb6: {  	[tilespmem:v2+s7+$0x0] =	vst.idx.add.f32.msk vm4, v1  }
0xb7: {  	[tilespmem:v2+s7+$0x0] =	vst.idx.add.f32.msk vm5, v1  }
0xb8: {  	[tilespmem:v2+s7+$0x0] =	vst.idx.add.f32.msk vm6, v1  }
0xb9: {  	v2 =	vld [tilespmem:$0x170];
	_ =	sdelay $0x4  }
0xba: {  	v2 =	vshll.u32 v2, $0x1  }
0xbb: {  	v2 =	vor.u32 v0, v2;
	_ =	sdelay $0x4  }
0xbc: {  	[tilespmem:v2+s7+$0x0] =	vst.idx.add.f32.msk $0x3, v1  }
0xbd: {  	[tilespmem:v2+s7+$0x0] =	vst.idx.add.f32.msk vm0, v1  }
0xbe: {  	[tilespmem:v2+s7+$0x0] =	vst.idx.add.f32.msk vm1, v1  }
0xbf: {  	[tilespmem:v2+s7+$0x0] =	vst.idx.add.f32.msk vm2, v1  }
0xc0: {  	[tilespmem:v2+s7+$0x0] =	vst.idx.add.f32.msk vm3, v1  }
0xc1: {  	[tilespmem:v2+s7+$0x0] =	vst.idx.add.f32.msk vm4, v1  }
0xc2: {  	[tilespmem:v2+s7+$0x0] =	vst.idx.add.f32.msk vm5, v1  }
0xc3: {  	[tilespmem:v2+s7+$0x0] =	vst.idx.add.f32.msk vm6, v1  }
0xc4: {  	v2 =	vld [tilespmem:$0x200];
	_ =	sdelay $0x4  }
0xc5: {  	v2 =	vshll.u32 v2, $0x1  }
0xc6: {  	v2 =	vor.u32 v0, v2;
	_ =	sdelay $0x4  }
0xc7: {  	[tilespmem:v2+s7+$0x0] =	vst.idx.add.f32.msk $0x3, v1  }
0xc8: {  	[tilespmem:v2+s7+$0x0] =	vst.idx.add.f32.msk vm0, v1  }
0xc9: {  	[tilespmem:v2+s7+$0x0] =	vst.idx.add.f32.msk vm1, v1  }
0xca: {  	[tilespmem:v2+s7+$0x0] =	vst.idx.add.f32.msk vm2, v1  }
0xcb: {  	[tilespmem:v2+s7+$0x0] =	vst.idx.add.f32.msk vm3, v1  }
0xcc: {  	[tilespmem:v2+s7+$0x0] =	vst.idx.add.f32.msk vm4, v1  }
0xcd: {  	[tilespmem:v2+s7+$0x0] =	vst.idx.add.f32.msk vm5, v1  }
0xce: {  	[tilespmem:v2+s7+$0x0] =	vst.idx.add.f32.msk vm6, v1  }
0xcf: {  	v2 =	vld [tilespmem:$0x210];
	_ =	sdelay $0x4  }
0xd0: {  	v2 =	vshll.u32 v2, $0x1  }
0xd1: {  	v2 =	vor.u32 v0, v2;
	_ =	sdelay $0x4  }
0xd2: {  	[tilespmem:v2+s7+$0x0] =	vst.idx.add.f32.msk $0x3, v1  }
0xd3: {  	[tilespmem:v2+s7+$0x0] =	vst.idx.add.f32.msk vm0, v1  }
0xd4: {  	[tilespmem:v2+s7+$0x0] =	vst.idx.add.f32.msk vm1, v1  }
0xd5: {  	[tilespmem:v2+s7+$0x0] =	vst.idx.add.f32.msk vm2, v1  }
0xd6: {  	[tilespmem:v2+s7+$0x0] =	vst.idx.add.f32.msk vm3, v1  }
0xd7: {  	[tilespmem:v2+s7+$0x0] =	vst.idx.add.f32.msk vm4, v1  }
0xd8: {  	[tilespmem:v2+s7+$0x0] =	vst.idx.add.f32.msk vm5, v1  }
0xd9: {  	[tilespmem:v2+s7+$0x0] =	vst.idx.add.f32.msk vm6, v1  }
0xda: {  	v2 =	vld [tilespmem:$0x220];
	_ =	sdelay $0x4  }
0xdb: {  	v2 =	vshll.u32 v2, $0x1  }
0xdc: {  	v2 =	vor.u32 v0, v2;
	_ =	sdelay $0x4  }
0xdd: {  	[tilespmem:v2+s7+$0x0] =	vst.idx.add.f32.msk $0x3, v1  }
0xde: {  	[tilespmem:v2+s7+$0x0] =	vst.idx.add.f32.msk vm0, v1  }
0xdf: {  	[tilespmem:v2+s7+$0x0] =	vst.idx.add.f32.msk vm1, v1  }
0xe0: {  	[tilespmem:v2+s7+$0x0] =	vst.idx.add.f32.msk vm2, v1  }
0xe1: {  	[tilespmem:v2+s7+$0x0] =	vst.idx.add.f32.msk vm3, v1  }
0xe2: {  	[tilespmem:v2+s7+$0x0] =	vst.idx.add.f32.msk vm4, v1  }
0xe3: {  	[tilespmem:v2+s7+$0x0] =	vst.idx.add.f32.msk vm5, v1  }
0xe4: {  	[tilespmem:v2+s7+$0x0] =	vst.idx.add.f32.msk vm6, v1  }
0xe5: {  	v2 =	vld [tilespmem:$0x230];
	_ =	sdelay $0x4  }
0xe6: {  	v2 =	vshll.u32 v2, $0x1  }
0xe7: {  	v2 =	vor.u32 v0, v2;
	_ =	sdelay $0x4  }
0xe8: {  	[tilespmem:v2+s7+$0x0] =	vst.idx.add.f32.msk $0x3, v1  }
0xe9: {  	[tilespmem:v2+s7+$0x0] =	vst.idx.add.f32.msk vm0, v1  }
0xea: {  	[tilespmem:v2+s7+$0x0] =	vst.idx.add.f32.msk vm1, v1  }
0xeb: {  	[tilespmem:v2+s7+$0x0] =	vst.idx.add.f32.msk vm2, v1  }
0xec: {  	[tilespmem:v2+s7+$0x0] =	vst.idx.add.f32.msk vm3, v1  }
0xed: {  	[tilespmem:v2+s7+$0x0] =	vst.idx.add.f32.msk vm4, v1  }
0xee: {  	[tilespmem:v2+s7+$0x0] =	vst.idx.add.f32.msk vm5, v1  }
0xef: {  	[tilespmem:v2+s7+$0x0] =	vst.idx.add.f32.msk vm6, v1  }
0xf0: {  	v2 =	vld [tilespmem:$0x240];
	_ =	sdelay $0x4  }
0xf1: {  	v2 =	vshll.u32 v2, $0x1  }
0xf2: {  	v2 =	vor.u32 v0, v2;
	_ =	sdelay $0x4  }
0xf3: {  	[tilespmem:v2+s7+$0x0] =	vst.idx.add.f32.msk $0x3, v1  }
0xf4: {  	[tilespmem:v2+s7+$0x0] =	vst.idx.add.f32.msk vm0, v1  }
0xf5: {  	[tilespmem:v2+s7+$0x0] =	vst.idx.add.f32.msk vm1, v1  }
0xf6: {  	[tilespmem:v2+s7+$0x0] =	vst.idx.add.f32.msk vm2, v1  }
0xf7: {  	[tilespmem:v2+s7+$0x0] =	vst.idx.add.f32.msk vm3, v1  }
0xf8: {  	[tilespmem:v2+s7+$0x0] =	vst.idx.add.f32.msk vm4, v1  }
0xf9: {  	[tilespmem:v2+s7+$0x0] =	vst.idx.add.f32.msk vm5, v1  }
0xfa: {  	[tilespmem:v2+s7+$0x0] =	vst.idx.add.f32.msk vm6, v1  }
0xfb: {  	v2 =	vld [tilespmem:$0x250];
	_ =	sdelay $0x4  }
0xfc: {  	v2 =	vshll.u32 v2, $0x1  }
0xfd: {  	v2 =	vor.u32 v0, v2;
	_ =	sdelay $0x4  }
0xfe: {  	[tilespmem:v2+s7+$0x0] =	vst.idx.add.f32.msk $0x3, v1  }
0xff: {  	[tilespmem:v2+s7+$0x0] =	vst.idx.add.f32.msk vm0, v1  }
0x100: {  	[tilespmem:v2+s7+$0x0] =	vst.idx.add.f32.msk vm1, v1  }
0x101: {  	[tilespmem:v2+s7+$0x0] =	vst.idx.add.f32.msk vm2, v1  }
0x102: {  	[tilespmem:v2+s7+$0x0] =	vst.idx.add.f32.msk vm3, v1  }
0x103: {  	[tilespmem:v2+s7+$0x0] =	vst.idx.add.f32.msk vm4, v1  }
0x104: {  	[tilespmem:v2+s7+$0x0] =	vst.idx.add.f32.msk vm5, v1  }
0x105: {  	[tilespmem:v2+s7+$0x0] =	vst.idx.add.f32.msk vm6, v1  }
0x106: {  	v2 =	vld [tilespmem:$0x260];
	_ =	sdelay $0x4  }
0x107: {  	v2 =	vshll.u32 v2, $0x1  }
0x108: {  	v2 =	vor.u32 v0, v2;
	_ =	sdelay $0x4  }
0x109: {  	[tilespmem:v2+s7+$0x0] =	vst.idx.add.f32.msk $0x3, v1  }
0x10a: {  	[tilespmem:v2+s7+$0x0] =	vst.idx.add.f32.msk vm0, v1  }
0x10b: {  	[tilespmem:v2+s7+$0x0] =	vst.idx.add.f32.msk vm1, v1  }
0x10c: {  	[tilespmem:v2+s7+$0x0] =	vst.idx.add.f32.msk vm2, v1  }
0x10d: {  	[tilespmem:v2+s7+$0x0] =	vst.idx.add.f32.msk vm3, v1  }
0x10e: {  	[tilespmem:v2+s7+$0x0] =	vst.idx.add.f32.msk vm4, v1  }
0x10f: {  	[tilespmem:v2+s7+$0x0] =	vst.idx.add.f32.msk vm5, v1  }
0x110: {  	[tilespmem:v2+s7+$0x0] =	vst.idx.add.f32.msk vm6, v1  }
0x111: {  	v2 =	vld [tilespmem:$0x270];
	_ =	sdelay $0x4  }
0x112: {  	v2 =	vshll.u32 v2, $0x1  }
0x113: {  	v2 =	vor.u32 v0, v2;
	_ =	sdelay $0x4  }
0x114: {  	[tilespmem:v2+s7+$0x0] =	vst.idx.add.f32.msk $0x3, v1  }
0x115: {  	[tilespmem:v2+s7+$0x0] =	vst.idx.add.f32.msk vm0, v1  }
0x116: {  	[tilespmem:v2+s7+$0x0] =	vst.idx.add.f32.msk vm1, v1  }
0x117: {  	[tilespmem:v2+s7+$0x0] =	vst.idx.add.f32.msk vm2, v1  }
0x118: {  	[tilespmem:v2+s7+$0x0] =	vst.idx.add.f32.msk vm3, v1  }
0x119: {  	[tilespmem:v2+s7+$0x0] =	vst.idx.add.f32.msk vm4, v1  }
0x11a: {  	[tilespmem:v2+s7+$0x0] =	vst.idx.add.f32.msk vm5, v1  }
0x11b: {  	[tilespmem:v2+s7+$0x0] =	vst.idx.add.f32.msk vm6, v1  }
0x11c: {  	v2 =	vld [tilespmem:$0x300];
	_ =	sdelay $0x4  }
0x11d: {  	v2 =	vshll.u32 v2, $0x1  }
0x11e: {  	v2 =	vor.u32 v0, v2;
	_ =	sdelay $0x4  }
0x11f: {  	[tilespmem:v2+s7+$0x0] =	vst.idx.add.f32.msk $0x3, v1  }
0x120: {  	[tilespmem:v2+s7+$0x0] =	vst.idx.add.f32.msk vm0, v1  }
0x121: {  	[tilespmem:v2+s7+$0x0] =	vst.idx.add.f32.msk vm1, v1  }
0x122: {  	[tilespmem:v2+s7+$0x0] =	vst.idx.add.f32.msk vm2, v1  }
0x123: {  	[tilespmem:v2+s7+$0x0] =	vst.idx.add.f32.msk vm3, v1  }
0x124: {  	[tilespmem:v2+s7+$0x0] =	vst.idx.add.f32.msk vm4, v1  }
0x125: {  	[tilespmem:v2+s7+$0x0] =	vst.idx.add.f32.msk vm5, v1  }
0x126: {  	[tilespmem:v2+s7+$0x0] =	vst.idx.add.f32.msk vm6, v1  }
0x127: {  	v2 =	vld [tilespmem:$0x310];
	_ =	sdelay $0x4  }
0x128: {  	v2 =	vshll.u32 v2, $0x1  }
0x129: {  	v2 =	vor.u32 v0, v2;
	_ =	sdelay $0x4  }
0x12a: {  	[tilespmem:v2+s7+$0x0] =	vst.idx.add.f32.msk $0x3, v1  }
0x12b: {  	[tilespmem:v2+s7+$0x0] =	vst.idx.add.f32.msk vm0, v1  }
0x12c: {  	[tilespmem:v2+s7+$0x0] =	vst.idx.add.f32.msk vm1, v1  }
0x12d: {  	[tilespmem:v2+s7+$0x0] =	vst.idx.add.f32.msk vm2, v1  }
0x12e: {  	[tilespmem:v2+s7+$0x0] =	vst.idx.add.f32.msk vm3, v1  }
0x12f: {  	[tilespmem:v2+s7+$0x0] =	vst.idx.add.f32.msk vm4, v1  }
0x130: {  	[tilespmem:v2+s7+$0x0] =	vst.idx.add.f32.msk vm5, v1  }
0x131: {  	[tilespmem:v2+s7+$0x0] =	vst.idx.add.f32.msk vm6, v1  }
0x132: {  	v2 =	vld [tilespmem:$0x320];
	_ =	sdelay $0x4  }
0x133: {  	v2 =	vshll.u32 v2, $0x1  }
0x134: {  	v2 =	vor.u32 v0, v2;
	_ =	sdelay $0x4  }
0x135: {  	[tilespmem:v2+s7+$0x0] =	vst.idx.add.f32.msk $0x3, v1  }
0x136: {  	[tilespmem:v2+s7+$0x0] =	vst.idx.add.f32.msk vm0, v1  }
0x137: {  	[tilespmem:v2+s7+$0x0] =	vst.idx.add.f32.msk vm1, v1  }
0x138: {  	[tilespmem:v2+s7+$0x0] =	vst.idx.add.f32.msk vm2, v1  }
0x139: {  	[tilespmem:v2+s7+$0x0] =	vst.idx.add.f32.msk vm3, v1  }
0x13a: {  	[tilespmem:v2+s7+$0x0] =	vst.idx.add.f32.msk vm4, v1  }
0x13b: {  	[tilespmem:v2+s7+$0x0] =	vst.idx.add.f32.msk vm5, v1  }
0x13c: {  	[tilespmem:v2+s7+$0x0] =	vst.idx.add.f32.msk vm6, v1  }
0x13d: {  	v2 =	vld [tilespmem:$0x330];
	_ =	sdelay $0x4  }
0x13e: {  	v2 =	vshll.u32 v2, $0x1  }
0x13f: {  	v2 =	vor.u32 v0, v2;
	_ =	sdelay $0x4  }
0x140: {  	[tilespmem:v2+s7+$0x0] =	vst.idx.add.f32.msk $0x3, v1  }
0x141: {  	[tilespmem:v2+s7+$0x0] =	vst.idx.add.f32.msk vm0, v1  }
0x142: {  	[tilespmem:v2+s7+$0x0] =	vst.idx.add.f32.msk vm1, v1  }
0x143: {  	[tilespmem:v2+s7+$0x0] =	vst.idx.add.f32.msk vm2, v1  }
0x144: {  	[tilespmem:v2+s7+$0x0] =	vst.idx.add.f32.msk vm3, v1  }
0x145: {  	[tilespmem:v2+s7+$0x0] =	vst.idx.add.f32.msk vm4, v1  }
0x146: {  	[tilespmem:v2+s7+$0x0] =	vst.idx.add.f32.msk vm5, v1  }
0x147: {  	[tilespmem:v2+s7+$0x0] =	vst.idx.add.f32.msk vm6, v1  }
0x148: {  	v2 =	vld [tilespmem:$0x340];
	_ =	sdelay $0x4  }
0x149: {  	v2 =	vshll.u32 v2, $0x1  }
0x14a: {  	v2 =	vor.u32 v0, v2;
	_ =	sdelay $0x4  }
0x14b: {  	[tilespmem:v2+s7+$0x0] =	vst.idx.add.f32.msk $0x3, v1  }
0x14c: {  	[tilespmem:v2+s7+$0x0] =	vst.idx.add.f32.msk vm0, v1  }
0x14d: {  	[tilespmem:v2+s7+$0x0] =	vst.idx.add.f32.msk vm1, v1  }
0x14e: {  	[tilespmem:v2+s7+$0x0] =	vst.idx.add.f32.msk vm2, v1  }
0x14f: {  	[tilespmem:v2+s7+$0x0] =	vst.idx.add.f32.msk vm3, v1  }
0x150: {  	[tilespmem:v2+s7+$0x0] =	vst.idx.add.f32.msk vm4, v1  }
0x151: {  	[tilespmem:v2+s7+$0x0] =	vst.idx.add.f32.msk vm5, v1  }
0x152: {  	[tilespmem:v2+s7+$0x0] =	vst.idx.add.f32.msk vm6, v1  }
0x153: {  	v2 =	vld [tilespmem:$0x350];
	_ =	sdelay $0x4  }
0x154: {  	v2 =	vshll.u32 v2, $0x1  }
0x155: {  	v2 =	vor.u32 v0, v2;
	_ =	sdelay $0x4  }
0x156: {  	[tilespmem:v2+s7+$0x0] =	vst.idx.add.f32.msk $0x3, v1  }
0x157: {  	[tilespmem:v2+s7+$0x0] =	vst.idx.add.f32.msk vm0, v1  }
0x158: {  	[tilespmem:v2+s7+$0x0] =	vst.idx.add.f32.msk vm1, v1  }
0x159: {  	[tilespmem:v2+s7+$0x0] =	vst.idx.add.f32.msk vm2, v1  }
0x15a: {  	[tilespmem:v2+s7+$0x0] =	vst.idx.add.f32.msk vm3, v1  }
0x15b: {  	[tilespmem:v2+s7+$0x0] =	vst.idx.add.f32.msk vm4, v1  }
0x15c: {  	[tilespmem:v2+s7+$0x0] =	vst.idx.add.f32.msk vm5, v1  }
0x15d: {  	[tilespmem:v2+s7+$0x0] =	vst.idx.add.f32.msk vm6, v1  }
0x15e: {  	v2 =	vld [tilespmem:$0x360];
	_ =	sdelay $0x4  }
0x15f: {  	v2 =	vshll.u32 v2, $0x1  }
0x160: {  	v2 =	vor.u32 v0, v2;
	_ =	sdelay $0x4  }
0x161: {  	[tilespmem:v2+s7+$0x0] =	vst.idx.add.f32.msk $0x3, v1  }
0x162: {  	[tilespmem:v2+s7+$0x0] =	vst.idx.add.f32.msk vm0, v1  }
0x163: {  	[tilespmem:v2+s7+$0x0] =	vst.idx.add.f32.msk vm1, v1  }
0x164: {  	[tilespmem:v2+s7+$0x0] =	vst.idx.add.f32.msk vm2, v1  }
0x165: {  	[tilespmem:v2+s7+$0x0] =	vst.idx.add.f32.msk vm3, v1  }
0x166: {  	[tilespmem:v2+s7+$0x0] =	vst.idx.add.f32.msk vm4, v1  }
0x167: {  	[tilespmem:v2+s7+$0x0] =	vst.idx.add.f32.msk vm5, v1  }
0x168: {  	[tilespmem:v2+s7+$0x0] =	vst.idx.add.f32.msk vm6, v1  }
0x169: {  	v2 =	vld [tilespmem:$0x370];
	_ =	sdelay $0x4  }
0x16a: {  	v2 =	vshll.u32 v2, $0x1  }
0x16b: {  	v2 =	vor.u32 v0, v2;
	_ =	sdelay $0x4  }
0x16c: {  	[tilespmem:v2+s7+$0x0] =	vst.idx.add.f32.msk $0x3, v1  }
0x16d: {  	[tilespmem:v2+s7+$0x0] =	vst.idx.add.f32.msk vm0, v1  }
0x16e: {  	[tilespmem:v2+s7+$0x0] =	vst.idx.add.f32.msk vm1, v1  }
0x16f: {  	[tilespmem:v2+s7+$0x0] =	vst.idx.add.f32.msk vm2, v1  }
0x170: {  	[tilespmem:v2+s7+$0x0] =	vst.idx.add.f32.msk vm3, v1  }
0x171: {  	[tilespmem:v2+s7+$0x0] =	vst.idx.add.f32.msk vm4, v1  }
0x172: {  	[tilespmem:v2+s7+$0x0] =	vst.idx.add.f32.msk vm5, v1  }
0x173: {  	[tilespmem:v2+s7+$0x0] =	vst.idx.add.f32.msk vm6, v1  }
0x174: {  	v2 =	vld [tilespmem:$0x400];
	_ =	sdelay $0x4  }
0x175: {  	v2 =	vshll.u32 v2, $0x1  }
0x176: {  	v2 =	vor.u32 v0, v2;
	_ =	sdelay $0x4  }
0x177: {  	[tilespmem:v2+s7+$0x0] =	vst.idx.add.f32.msk $0x3, v1  }
0x178: {  	[tilespmem:v2+s7+$0x0] =	vst.idx.add.f32.msk vm0, v1  }
0x179: {  	[tilespmem:v2+s7+$0x0] =	vst.idx.add.f32.msk vm1, v1  }
0x17a: {  	[tilespmem:v2+s7+$0x0] =	vst.idx.add.f32.msk vm2, v1  }
0x17b: {  	[tilespmem:v2+s7+$0x0] =	vst.idx.add.f32.msk vm3, v1  }
0x17c: {  	[tilespmem:v2+s7+$0x0] =	vst.idx.add.f32.msk vm4, v1  }
0x17d: {  	[tilespmem:v2+s7+$0x0] =	vst.idx.add.f32.msk vm5, v1  }
0x17e: {  	[tilespmem:v2+s7+$0x0] =	vst.idx.add.f32.msk vm6, v1  }
0x17f: {  	v2 =	vld [tilespmem:$0x410];
	_ =	sdelay $0x4  }
0x180: {  	v2 =	vshll.u32 v2, $0x1  }
0x181: {  	v2 =	vor.u32 v0, v2;
	_ =	sdelay $0x4  }
0x182: {  	[tilespmem:v2+s7+$0x0] =	vst.idx.add.f32.msk $0x3, v1  }
0x183: {  	[tilespmem:v2+s7+$0x0] =	vst.idx.add.f32.msk vm0, v1  }
0x184: {  	[tilespmem:v2+s7+$0x0] =	vst.idx.add.f32.msk vm1, v1  }
0x185: {  	[tilespmem:v2+s7+$0x0] =	vst.idx.add.f32.msk vm2, v1  }
0x186: {  	[tilespmem:v2+s7+$0x0] =	vst.idx.add.f32.msk vm3, v1  }
0x187: {  	[tilespmem:v2+s7+$0x0] =	vst.idx.add.f32.msk vm4, v1  }
0x188: {  	[tilespmem:v2+s7+$0x0] =	vst.idx.add.f32.msk vm5, v1  }
0x189: {  	[tilespmem:v2+s7+$0x0] =	vst.idx.add.f32.msk vm6, v1  }
0x18a: {  	v2 =	vld [tilespmem:$0x420];
	_ =	sdelay $0x4  }
0x18b: {  	v2 =	vshll.u32 v2, $0x1  }
0x18c: {  	v2 =	vor.u32 v0, v2;
	_ =	sdelay $0x4  }
0x18d: {  	[tilespmem:v2+s7+$0x0] =	vst.idx.add.f32.msk $0x3, v1  }
0x18e: {  	[tilespmem:v2+s7+$0x0] =	vst.idx.add.f32.msk vm0, v1  }
0x18f: {  	[tilespmem:v2+s7+$0x0] =	vst.idx.add.f32.msk vm1, v1  }
0x190: {  	[tilespmem:v2+s7+$0x0] =	vst.idx.add.f32.msk vm2, v1  }
0x191: {  	[tilespmem:v2+s7+$0x0] =	vst.idx.add.f32.msk vm3, v1  }
0x192: {  	[tilespmem:v2+s7+$0x0] =	vst.idx.add.f32.msk vm4, v1  }
0x193: {  	[tilespmem:v2+s7+$0x0] =	vst.idx.add.f32.msk vm5, v1  }
0x194: {  	[tilespmem:v2+s7+$0x0] =	vst.idx.add.f32.msk vm6, v1  }
0x195: {  	v2 =	vld [tilespmem:$0x430];
	_ =	sdelay $0x4  }
0x196: {  	v2 =	vshll.u32 v2, $0x1  }
0x197: {  	v2 =	vor.u32 v0, v2;
	_ =	sdelay $0x4  }
0x198: {  	[tilespmem:v2+s7+$0x0] =	vst.idx.add.f32.msk $0x3, v1  }
0x199: {  	[tilespmem:v2+s7+$0x0] =	vst.idx.add.f32.msk vm0, v1  }
0x19a: {  	[tilespmem:v2+s7+$0x0] =	vst.idx.add.f32.msk vm1, v1  }
0x19b: {  	[tilespmem:v2+s7+$0x0] =	vst.idx.add.f32.msk vm2, v1  }
0x19c: {  	[tilespmem:v2+s7+$0x0] =	vst.idx.add.f32.msk vm3, v1  }
0x19d: {  	[tilespmem:v2+s7+$0x0] =	vst.idx.add.f32.msk vm4, v1  }
0x19e: {  	[tilespmem:v2+s7+$0x0] =	vst.idx.add.f32.msk vm5, v1  }
0x19f: {  	[tilespmem:v2+s7+$0x0] =	vst.idx.add.f32.msk vm6, v1  }
0x1a0: {  	v2 =	vld [tilespmem:$0x440];
	_ =	sdelay $0x4  }
0x1a1: {  	v2 =	vshll.u32 v2, $0x1  }
0x1a2: {  	v2 =	vor.u32 v0, v2;
	_ =	sdelay $0x4  }
0x1a3: {  	[tilespmem:v2+s7+$0x0] =	vst.idx.add.f32.msk $0x3, v1  }
0x1a4: {  	[tilespmem:v2+s7+$0x0] =	vst.idx.add.f32.msk vm0, v1  }
0x1a5: {  	[tilespmem:v2+s7+$0x0] =	vst.idx.add.f32.msk vm1, v1  }
0x1a6: {  	[tilespmem:v2+s7+$0x0] =	vst.idx.add.f32.msk vm2, v1  }
0x1a7: {  	[tilespmem:v2+s7+$0x0] =	vst.idx.add.f32.msk vm3, v1  }
0x1a8: {  	[tilespmem:v2+s7+$0x0] =	vst.idx.add.f32.msk vm4, v1  }
0x1a9: {  	[tilespmem:v2+s7+$0x0] =	vst.idx.add.f32.msk vm5, v1  }
0x1aa: {  	[tilespmem:v2+s7+$0x0] =	vst.idx.add.f32.msk vm6, v1  }
0x1ab: {  	v2 =	vld [tilespmem:$0x450];
	_ =	sdelay $0x4  }
0x1ac: {  	v2 =	vshll.u32 v2, $0x1  }
0x1ad: {  	v2 =	vor.u32 v0, v2;
	_ =	sdelay $0x4  }
0x1ae: {  	[tilespmem:v2+s7+$0x0] =	vst.idx.add.f32.msk $0x3, v1  }
0x1af: {  	[tilespmem:v2+s7+$0x0] =	vst.idx.add.f32.msk vm0, v1  }
0x1b0: {  	[tilespmem:v2+s7+$0x0] =	vst.idx.add.f32.msk vm1, v1  }
0x1b1: {  	[tilespmem:v2+s7+$0x0] =	vst.idx.add.f32.msk vm2, v1  }
0x1b2: {  	[tilespmem:v2+s7+$0x0] =	vst.idx.add.f32.msk vm3, v1  }
0x1b3: {  	[tilespmem:v2+s7+$0x0] =	vst.idx.add.f32.msk vm4, v1  }
0x1b4: {  	[tilespmem:v2+s7+$0x0] =	vst.idx.add.f32.msk vm5, v1  }
0x1b5: {  	[tilespmem:v2+s7+$0x0] =	vst.idx.add.f32.msk vm6, v1  }
0x1b6: {  	v2 =	vld [tilespmem:$0x460];
	_ =	sdelay $0x4  }
0x1b7: {  	v2 =	vshll.u32 v2, $0x1  }
0x1b8: {  	v2 =	vor.u32 v0, v2;
	_ =	sdelay $0x4  }
0x1b9: {  	[tilespmem:v2+s7+$0x0] =	vst.idx.add.f32.msk $0x3, v1  }
0x1ba: {  	[tilespmem:v2+s7+$0x0] =	vst.idx.add.f32.msk vm0, v1  }
0x1bb: {  	[tilespmem:v2+s7+$0x0] =	vst.idx.add.f32.msk vm1, v1  }
0x1bc: {  	[tilespmem:v2+s7+$0x0] =	vst.idx.add.f32.msk vm2, v1  }
0x1bd: {  	[tilespmem:v2+s7+$0x0] =	vst.idx.add.f32.msk vm3, v1  }
0x1be: {  	[tilespmem:v2+s7+$0x0] =	vst.idx.add.f32.msk vm4, v1  }
0x1bf: {  	[tilespmem:v2+s7+$0x0] =	vst.idx.add.f32.msk vm5, v1  }
0x1c0: {  	[tilespmem:v2+s7+$0x0] =	vst.idx.add.f32.msk vm6, v1  }
0x1c1: {  	v2 =	vld [tilespmem:$0x470];
	_ =	sdelay $0x4  }
0x1c2: {  	v2 =	vshll.u32 v2, $0x1  }
0x1c3: {  	v2 =	vor.u32 v0, v2;
	_ =	sdelay $0x4  }
0x1c4: {  	[tilespmem:v2+s7+$0x0] =	vst.idx.add.f32.msk $0x3, v1  }
0x1c5: {  	[tilespmem:v2+s7+$0x0] =	vst.idx.add.f32.msk vm0, v1  }
0x1c6: {  	[tilespmem:v2+s7+$0x0] =	vst.idx.add.f32.msk vm1, v1  }
0x1c7: {  	[tilespmem:v2+s7+$0x0] =	vst.idx.add.f32.msk vm2, v1  }
0x1c8: {  	[tilespmem:v2+s7+$0x0] =	vst.idx.add.f32.msk vm3, v1  }
0x1c9: {  	[tilespmem:v2+s7+$0x0] =	vst.idx.add.f32.msk vm4, v1  }
0x1ca: {  	[tilespmem:v2+s7+$0x0] =	vst.idx.add.f32.msk vm5, v1  }
0x1cb: {  	[tilespmem:v2+s7+$0x0] =	vst.idx.add.f32.msk vm6, v1  }
0x1cc: {  	v2 =	vld [tilespmem:$0x500];
	_ =	sdelay $0x4  }
0x1cd: {  	v2 =	vshll.u32 v2, $0x1  }
0x1ce: {  	v2 =	vor.u32 v0, v2;
	_ =	sdelay $0x4  }
0x1cf: {  	[tilespmem:v2+s7+$0x0] =	vst.idx.add.f32.msk $0x3, v1  }
0x1d0: {  	[tilespmem:v2+s7+$0x0] =	vst.idx.add.f32.msk vm0, v1  }
0x1d1: {  	[tilespmem:v2+s7+$0x0] =	vst.idx.add.f32.msk vm1, v1  }
0x1d2: {  	[tilespmem:v2+s7+$0x0] =	vst.idx.add.f32.msk vm2, v1  }
0x1d3: {  	[tilespmem:v2+s7+$0x0] =	vst.idx.add.f32.msk vm3, v1  }
0x1d4: {  	[tilespmem:v2+s7+$0x0] =	vst.idx.add.f32.msk vm4, v1  }
0x1d5: {  	[tilespmem:v2+s7+$0x0] =	vst.idx.add.f32.msk vm5, v1  }
0x1d6: {  	[tilespmem:v2+s7+$0x0] =	vst.idx.add.f32.msk vm6, v1  }
0x1d7: {  	v2 =	vld [tilespmem:$0x510];
	_ =	sdelay $0x4  }
0x1d8: {  	v2 =	vshll.u32 v2, $0x1  }
0x1d9: {  	v2 =	vor.u32 v0, v2;
	_ =	sdelay $0x4  }
0x1da: {  	[tilespmem:v2+s7+$0x0] =	vst.idx.add.f32.msk $0x3, v1  }
0x1db: {  	[tilespmem:v2+s7+$0x0] =	vst.idx.add.f32.msk vm0, v1  }
0x1dc: {  	[tilespmem:v2+s7+$0x0] =	vst.idx.add.f32.msk vm1, v1  }
0x1dd: {  	[tilespmem:v2+s7+$0x0] =	vst.idx.add.f32.msk vm2, v1  }
0x1de: {  	[tilespmem:v2+s7+$0x0] =	vst.idx.add.f32.msk vm3, v1  }
0x1df: {  	[tilespmem:v2+s7+$0x0] =	vst.idx.add.f32.msk vm4, v1  }
0x1e0: {  	[tilespmem:v2+s7+$0x0] =	vst.idx.add.f32.msk vm5, v1  }
0x1e1: {  	[tilespmem:v2+s7+$0x0] =	vst.idx.add.f32.msk vm6, v1  }
0x1e2: {  	v2 =	vld [tilespmem:$0x520];
	_ =	sdelay $0x4  }
0x1e3: {  	v2 =	vshll.u32 v2, $0x1  }
0x1e4: {  	v2 =	vor.u32 v0, v2;
	_ =	sdelay $0x4  }
0x1e5: {  	[tilespmem:v2+s7+$0x0] =	vst.idx.add.f32.msk $0x3, v1  }
0x1e6: {  	[tilespmem:v2+s7+$0x0] =	vst.idx.add.f32.msk vm0, v1  }
0x1e7: {  	[tilespmem:v2+s7+$0x0] =	vst.idx.add.f32.msk vm1, v1  }
0x1e8: {  	[tilespmem:v2+s7+$0x0] =	vst.idx.add.f32.msk vm2, v1  }
0x1e9: {  	[tilespmem:v2+s7+$0x0] =	vst.idx.add.f32.msk vm3, v1  }
0x1ea: {  	[tilespmem:v2+s7+$0x0] =	vst.idx.add.f32.msk vm4, v1  }
0x1eb: {  	[tilespmem:v2+s7+$0x0] =	vst.idx.add.f32.msk vm5, v1  }
0x1ec: {  	[tilespmem:v2+s7+$0x0] =	vst.idx.add.f32.msk vm6, v1  }
0x1ed: {  	v2 =	vld [tilespmem:$0x530];
	_ =	sdelay $0x4  }
0x1ee: {  	v2 =	vshll.u32 v2, $0x1  }
0x1ef: {  	v2 =	vor.u32 v0, v2;
	_ =	sdelay $0x4  }
0x1f0: {  	[tilespmem:v2+s7+$0x0] =	vst.idx.add.f32.msk $0x3, v1  }
0x1f1: {  	[tilespmem:v2+s7+$0x0] =	vst.idx.add.f32.msk vm0, v1  }
0x1f2: {  	[tilespmem:v2+s7+$0x0] =	vst.idx.add.f32.msk vm1, v1  }
0x1f3: {  	[tilespmem:v2+s7+$0x0] =	vst.idx.add.f32.msk vm2, v1  }
0x1f4: {  	[tilespmem:v2+s7+$0x0] =	vst.idx.add.f32.msk vm3, v1  }
0x1f5: {  	[tilespmem:v2+s7+$0x0] =	vst.idx.add.f32.msk vm4, v1  }
0x1f6: {  	[tilespmem:v2+s7+$0x0] =	vst.idx.add.f32.msk vm5, v1  }
0x1f7: {  	[tilespmem:v2+s7+$0x0] =	vst.idx.add.f32.msk vm6, v1  }
0x1f8: {  	v2 =	vld [tilespmem:$0x540];
	_ =	sdelay $0x4  }
0x1f9: {  	v2 =	vshll.u32 v2, $0x1  }
0x1fa: {  	v2 =	vor.u32 v0, v2;
	_ =	sdelay $0x4  }
0x1fb: {  	[tilespmem:v2+s7+$0x0] =	vst.idx.add.f32.msk $0x3, v1  }
0x1fc: {  	[tilespmem:v2+s7+$0x0] =	vst.idx.add.f32.msk vm0, v1  }
0x1fd: {  	[tilespmem:v2+s7+$0x0] =	vst.idx.add.f32.msk vm1, v1  }
0x1fe: {  	[tilespmem:v2+s7+$0x0] =	vst.idx.add.f32.msk vm2, v1  }
0x1ff: {  	[tilespmem:v2+s7+$0x0] =	vst.idx.add.f32.msk vm3, v1  }
0x200: {  	[tilespmem:v2+s7+$0x0] =	vst.idx.add.f32.msk vm4, v1  }
0x201: {  	[tilespmem:v2+s7+$0x0] =	vst.idx.add.f32.msk vm5, v1  }
0x202: {  	[tilespmem:v2+s7+$0x0] =	vst.idx.add.f32.msk vm6, v1  }
0x203: {  	v2 =	vld [tilespmem:$0x550];
	_ =	sdelay $0x4  }
0x204: {  	v2 =	vshll.u32 v2, $0x1  }
0x205: {  	v2 =	vor.u32 v0, v2;
	_ =	sdelay $0x4  }
0x206: {  	[tilespmem:v2+s7+$0x0] =	vst.idx.add.f32.msk $0x3, v1  }
0x207: {  	[tilespmem:v2+s7+$0x0] =	vst.idx.add.f32.msk vm0, v1  }
0x208: {  	[tilespmem:v2+s7+$0x0] =	vst.idx.add.f32.msk vm1, v1  }
0x209: {  	[tilespmem:v2+s7+$0x0] =	vst.idx.add.f32.msk vm2, v1  }
0x20a: {  	[tilespmem:v2+s7+$0x0] =	vst.idx.add.f32.msk vm3, v1  }
0x20b: {  	[tilespmem:v2+s7+$0x0] =	vst.idx.add.f32.msk vm4, v1  }
0x20c: {  	[tilespmem:v2+s7+$0x0] =	vst.idx.add.f32.msk vm5, v1  }
0x20d: {  	[tilespmem:v2+s7+$0x0] =	vst.idx.add.f32.msk vm6, v1  }
0x20e: {  	v2 =	vld [tilespmem:$0x560];
	_ =	sdelay $0x4  }
0x20f: {  	v2 =	vshll.u32 v2, $0x1  }
0x210: {  	v2 =	vor.u32 v0, v2;
	_ =	sdelay $0x4  }
0x211: {  	[tilespmem:v2+s7+$0x0] =	vst.idx.add.f32.msk $0x3, v1  }
0x212: {  	[tilespmem:v2+s7+$0x0] =	vst.idx.add.f32.msk vm0, v1  }
0x213: {  	[tilespmem:v2+s7+$0x0] =	vst.idx.add.f32.msk vm1, v1  }
0x214: {  	[tilespmem:v2+s7+$0x0] =	vst.idx.add.f32.msk vm2, v1  }
0x215: {  	[tilespmem:v2+s7+$0x0] =	vst.idx.add.f32.msk vm3, v1  }
0x216: {  	[tilespmem:v2+s7+$0x0] =	vst.idx.add.f32.msk vm4, v1  }
0x217: {  	[tilespmem:v2+s7+$0x0] =	vst.idx.add.f32.msk vm5, v1  }
0x218: {  	[tilespmem:v2+s7+$0x0] =	vst.idx.add.f32.msk vm6, v1  }
0x219: {  	v2 =	vld [tilespmem:$0x570];
	_ =	sdelay $0x4  }
0x21a: {  	v2 =	vshll.u32 v2, $0x1  }
0x21b: {  	v2 =	vor.u32 v0, v2;
	_ =	sdelay $0x4  }
0x21c: {  	[tilespmem:v2+s7+$0x0] =	vst.idx.add.f32.msk $0x3, v1  }
0x21d: {  	[tilespmem:v2+s7+$0x0] =	vst.idx.add.f32.msk vm0, v1  }
0x21e: {  	[tilespmem:v2+s7+$0x0] =	vst.idx.add.f32.msk vm1, v1  }
0x21f: {  	[tilespmem:v2+s7+$0x0] =	vst.idx.add.f32.msk vm2, v1  }
0x220: {  	[tilespmem:v2+s7+$0x0] =	vst.idx.add.f32.msk vm3, v1  }
0x221: {  	[tilespmem:v2+s7+$0x0] =	vst.idx.add.f32.msk vm4, v1  }
0x222: {  	[tilespmem:v2+s7+$0x0] =	vst.idx.add.f32.msk vm5, v1  }
0x223: {  	[tilespmem:v2+s7+$0x0] =	vst.idx.add.f32.msk vm6, v1  }
0x224: {  	v2 =	vld [tilespmem:$0x600];
	_ =	sdelay $0x4  }
0x225: {  	v2 =	vshll.u32 v2, $0x1  }
0x226: {  	v2 =	vor.u32 v0, v2;
	_ =	sdelay $0x4  }
0x227: {  	[tilespmem:v2+s7+$0x0] =	vst.idx.add.f32.msk $0x3, v1  }
0x228: {  	[tilespmem:v2+s7+$0x0] =	vst.idx.add.f32.msk vm0, v1  }
0x229: {  	[tilespmem:v2+s7+$0x0] =	vst.idx.add.f32.msk vm1, v1  }
0x22a: {  	[tilespmem:v2+s7+$0x0] =	vst.idx.add.f32.msk vm2, v1  }
0x22b: {  	[tilespmem:v2+s7+$0x0] =	vst.idx.add.f32.msk vm3, v1  }
0x22c: {  	[tilespmem:v2+s7+$0x0] =	vst.idx.add.f32.msk vm4, v1  }
0x22d: {  	[tilespmem:v2+s7+$0x0] =	vst.idx.add.f32.msk vm5, v1  }
0x22e: {  	[tilespmem:v2+s7+$0x0] =	vst.idx.add.f32.msk vm6, v1  }
0x22f: {  	v2 =	vld [tilespmem:$0x610];
	_ =	sdelay $0x4  }
0x230: {  	v2 =	vshll.u32 v2, $0x1  }
0x231: {  	v2 =	vor.u32 v0, v2;
	_ =	sdelay $0x4  }
0x232: {  	[tilespmem:v2+s7+$0x0] =	vst.idx.add.f32.msk $0x3, v1  }
0x233: {  	[tilespmem:v2+s7+$0x0] =	vst.idx.add.f32.msk vm0, v1  }
0x234: {  	[tilespmem:v2+s7+$0x0] =	vst.idx.add.f32.msk vm1, v1  }
0x235: {  	[tilespmem:v2+s7+$0x0] =	vst.idx.add.f32.msk vm2, v1  }
0x236: {  	[tilespmem:v2+s7+$0x0] =	vst.idx.add.f32.msk vm3, v1  }
0x237: {  	[tilespmem:v2+s7+$0x0] =	vst.idx.add.f32.msk vm4, v1  }
0x238: {  	[tilespmem:v2+s7+$0x0] =	vst.idx.add.f32.msk vm5, v1  }
0x239: {  	[tilespmem:v2+s7+$0x0] =	vst.idx.add.f32.msk vm6, v1  }
0x23a: {  	v2 =	vld [tilespmem:$0x620];
	_ =	sdelay $0x4  }
0x23b: {  	v2 =	vshll.u32 v2, $0x1  }
0x23c: {  	v2 =	vor.u32 v0, v2;
	_ =	sdelay $0x4  }
0x23d: {  	[tilespmem:v2+s7+$0x0] =	vst.idx.add.f32.msk $0x3, v1  }
0x23e: {  	[tilespmem:v2+s7+$0x0] =	vst.idx.add.f32.msk vm0, v1  }
0x23f: {  	[tilespmem:v2+s7+$0x0] =	vst.idx.add.f32.msk vm1, v1  }
0x240: {  	[tilespmem:v2+s7+$0x0] =	vst.idx.add.f32.msk vm2, v1  }
0x241: {  	[tilespmem:v2+s7+$0x0] =	vst.idx.add.f32.msk vm3, v1  }
0x242: {  	[tilespmem:v2+s7+$0x0] =	vst.idx.add.f32.msk vm4, v1  }
0x243: {  	[tilespmem:v2+s7+$0x0] =	vst.idx.add.f32.msk vm5, v1  }
0x244: {  	[tilespmem:v2+s7+$0x0] =	vst.idx.add.f32.msk vm6, v1  }
0x245: {  	v2 =	vld [tilespmem:$0x630];
	_ =	sdelay $0x4  }
0x246: {  	v2 =	vshll.u32 v2, $0x1  }
0x247: {  	v2 =	vor.u32 v0, v2;
	_ =	sdelay $0x4  }
0x248: {  	[tilespmem:v2+s7+$0x0] =	vst.idx.add.f32.msk $0x3, v1  }
0x249: {  	[tilespmem:v2+s7+$0x0] =	vst.idx.add.f32.msk vm0, v1  }
0x24a: {  	[tilespmem:v2+s7+$0x0] =	vst.idx.add.f32.msk vm1, v1  }
0x24b: {  	[tilespmem:v2+s7+$0x0] =	vst.idx.add.f32.msk vm2, v1  }
0x24c: {  	[tilespmem:v2+s7+$0x0] =	vst.idx.add.f32.msk vm3, v1  }
0x24d: {  	[tilespmem:v2+s7+$0x0] =	vst.idx.add.f32.msk vm4, v1  }
0x24e: {  	[tilespmem:v2+s7+$0x0] =	vst.idx.add.f32.msk vm5, v1  }
0x24f: {  	[tilespmem:v2+s7+$0x0] =	vst.idx.add.f32.msk vm6, v1  }
0x250: {  	v2 =	vld [tilespmem:$0x640];
	_ =	sdelay $0x4  }
0x251: {  	v2 =	vshll.u32 v2, $0x1  }
0x252: {  	v2 =	vor.u32 v0, v2;
	_ =	sdelay $0x4  }
0x253: {  	[tilespmem:v2+s7+$0x0] =	vst.idx.add.f32.msk $0x3, v1  }
0x254: {  	[tilespmem:v2+s7+$0x0] =	vst.idx.add.f32.msk vm0, v1  }
0x255: {  	[tilespmem:v2+s7+$0x0] =	vst.idx.add.f32.msk vm1, v1  }
0x256: {  	[tilespmem:v2+s7+$0x0] =	vst.idx.add.f32.msk vm2, v1  }
0x257: {  	[tilespmem:v2+s7+$0x0] =	vst.idx.add.f32.msk vm3, v1  }
0x258: {  	[tilespmem:v2+s7+$0x0] =	vst.idx.add.f32.msk vm4, v1  }
0x259: {  	[tilespmem:v2+s7+$0x0] =	vst.idx.add.f32.msk vm5, v1  }
0x25a: {  	[tilespmem:v2+s7+$0x0] =	vst.idx.add.f32.msk vm6, v1  }
0x25b: {  	v2 =	vld [tilespmem:$0x650];
	_ =	sdelay $0x4  }
0x25c: {  	v2 =	vshll.u32 v2, $0x1  }
0x25d: {  	v2 =	vor.u32 v0, v2;
	_ =	sdelay $0x4  }
0x25e: {  	[tilespmem:v2+s7+$0x0] =	vst.idx.add.f32.msk $0x3, v1  }
0x25f: {  	[tilespmem:v2+s7+$0x0] =	vst.idx.add.f32.msk vm0, v1  }
0x260: {  	[tilespmem:v2+s7+$0x0] =	vst.idx.add.f32.msk vm1, v1  }
0x261: {  	[tilespmem:v2+s7+$0x0] =	vst.idx.add.f32.msk vm2, v1  }
0x262: {  	[tilespmem:v2+s7+$0x0] =	vst.idx.add.f32.msk vm3, v1  }
0x263: {  	[tilespmem:v2+s7+$0x0] =	vst.idx.add.f32.msk vm4, v1  }
0x264: {  	[tilespmem:v2+s7+$0x0] =	vst.idx.add.f32.msk vm5, v1  }
0x265: {  	[tilespmem:v2+s7+$0x0] =	vst.idx.add.f32.msk vm6, v1  }
0x266: {  	v2 =	vld [tilespmem:$0x660];
	_ =	sdelay $0x4  }
0x267: {  	v2 =	vshll.u32 v2, $0x1  }
0x268: {  	v2 =	vor.u32 v0, v2;
	_ =	sdelay $0x4  }
0x269: {  	[tilespmem:v2+s7+$0x0] =	vst.idx.add.f32.msk $0x3, v1  }
0x26a: {  	[tilespmem:v2+s7+$0x0] =	vst.idx.add.f32.msk vm0, v1  }
0x26b: {  	[tilespmem:v2+s7+$0x0] =	vst.idx.add.f32.msk vm1, v1  }
0x26c: {  	[tilespmem:v2+s7+$0x0] =	vst.idx.add.f32.msk vm2, v1  }
0x26d: {  	[tilespmem:v2+s7+$0x0] =	vst.idx.add.f32.msk vm3, v1  }
0x26e: {  	[tilespmem:v2+s7+$0x0] =	vst.idx.add.f32.msk vm4, v1  }
0x26f: {  	[tilespmem:v2+s7+$0x0] =	vst.idx.add.f32.msk vm5, v1  }
0x270: {  	[tilespmem:v2+s7+$0x0] =	vst.idx.add.f32.msk vm6, v1  }
0x271: {  	v2 =	vld [tilespmem:$0x670];
	_ =	sdelay $0x4  }
0x272: {  	v2 =	vshll.u32 v2, $0x1  }
0x273: {  	v2 =	vor.u32 v0, v2;
	_ =	sdelay $0x4  }
0x274: {  	[tilespmem:v2+s7+$0x0] =	vst.idx.add.f32.msk $0x3, v1  }
0x275: {  	[tilespmem:v2+s7+$0x0] =	vst.idx.add.f32.msk vm0, v1  }
0x276: {  	[tilespmem:v2+s7+$0x0] =	vst.idx.add.f32.msk vm1, v1  }
0x277: {  	[tilespmem:v2+s7+$0x0] =	vst.idx.add.f32.msk vm2, v1  }
0x278: {  	[tilespmem:v2+s7+$0x0] =	vst.idx.add.f32.msk vm3, v1  }
0x279: {  	[tilespmem:v2+s7+$0x0] =	vst.idx.add.f32.msk vm4, v1  }
0x27a: {  	[tilespmem:v2+s7+$0x0] =	vst.idx.add.f32.msk vm5, v1  }
0x27b: {  	[tilespmem:v2+s7+$0x0] =	vst.idx.add.f32.msk vm6, v1  }
0x27c: {  	v2 =	vld [tilespmem:$0x700];
	_ =	sdelay $0x4  }
0x27d: {  	v2 =	vshll.u32 v2, $0x1  }
0x27e: {  	v2 =	vor.u32 v0, v2;
	_ =	sdelay $0x4  }
0x27f: {  	[tilespmem:v2+s7+$0x0] =	vst.idx.add.f32.msk $0x3, v1  }
0x280: {  	[tilespmem:v2+s7+$0x0] =	vst.idx.add.f32.msk vm0, v1  }
0x281: {  	[tilespmem:v2+s7+$0x0] =	vst.idx.add.f32.msk vm1, v1  }
0x282: {  	[tilespmem:v2+s7+$0x0] =	vst.idx.add.f32.msk vm2, v1  }
0x283: {  	[tilespmem:v2+s7+$0x0] =	vst.idx.add.f32.msk vm3, v1  }
0x284: {  	[tilespmem:v2+s7+$0x0] =	vst.idx.add.f32.msk vm4, v1  }
0x285: {  	[tilespmem:v2+s7+$0x0] =	vst.idx.add.f32.msk vm5, v1  }
0x286: {  	[tilespmem:v2+s7+$0x0] =	vst.idx.add.f32.msk vm6, v1  }
0x287: {  	v2 =	vld [tilespmem:$0x710];
	_ =	sdelay $0x4  }
0x288: {  	v2 =	vshll.u32 v2, $0x1  }
0x289: {  	v2 =	vor.u32 v0, v2;
	_ =	sdelay $0x4  }
0x28a: {  	[tilespmem:v2+s7+$0x0] =	vst.idx.add.f32.msk $0x3, v1  }
0x28b: {  	[tilespmem:v2+s7+$0x0] =	vst.idx.add.f32.msk vm0, v1  }
0x28c: {  	[tilespmem:v2+s7+$0x0] =	vst.idx.add.f32.msk vm1, v1  }
0x28d: {  	[tilespmem:v2+s7+$0x0] =	vst.idx.add.f32.msk vm2, v1  }
0x28e: {  	[tilespmem:v2+s7+$0x0] =	vst.idx.add.f32.msk vm3, v1  }
0x28f: {  	[tilespmem:v2+s7+$0x0] =	vst.idx.add.f32.msk vm4, v1  }
0x290: {  	[tilespmem:v2+s7+$0x0] =	vst.idx.add.f32.msk vm5, v1  }
0x291: {  	[tilespmem:v2+s7+$0x0] =	vst.idx.add.f32.msk vm6, v1  }
0x292: {  	v2 =	vld [tilespmem:$0x720];
	_ =	sdelay $0x4  }
0x293: {  	v2 =	vshll.u32 v2, $0x1  }
0x294: {  	v2 =	vor.u32 v0, v2;
	_ =	sdelay $0x4  }
0x295: {  	[tilespmem:v2+s7+$0x0] =	vst.idx.add.f32.msk $0x3, v1  }
0x296: {  	[tilespmem:v2+s7+$0x0] =	vst.idx.add.f32.msk vm0, v1  }
0x297: {  	[tilespmem:v2+s7+$0x0] =	vst.idx.add.f32.msk vm1, v1  }
0x298: {  	[tilespmem:v2+s7+$0x0] =	vst.idx.add.f32.msk vm2, v1  }
0x299: {  	[tilespmem:v2+s7+$0x0] =	vst.idx.add.f32.msk vm3, v1  }
0x29a: {  	[tilespmem:v2+s7+$0x0] =	vst.idx.add.f32.msk vm4, v1  }
0x29b: {  	[tilespmem:v2+s7+$0x0] =	vst.idx.add.f32.msk vm5, v1  }
0x29c: {  	[tilespmem:v2+s7+$0x0] =	vst.idx.add.f32.msk vm6, v1  }
0x29d: {  	v2 =	vld [tilespmem:$0x730];
	_ =	sdelay $0x4  }
0x29e: {  	v2 =	vshll.u32 v2, $0x1  }
0x29f: {  	v2 =	vor.u32 v0, v2;
	_ =	sdelay $0x4  }
0x2a0: {  	[tilespmem:v2+s7+$0x0] =	vst.idx.add.f32.msk $0x3, v1  }
0x2a1: {  	[tilespmem:v2+s7+$0x0] =	vst.idx.add.f32.msk vm0, v1  }
0x2a2: {  	[tilespmem:v2+s7+$0x0] =	vst.idx.add.f32.msk vm1, v1  }
0x2a3: {  	[tilespmem:v2+s7+$0x0] =	vst.idx.add.f32.msk vm2, v1  }
0x2a4: {  	[tilespmem:v2+s7+$0x0] =	vst.idx.add.f32.msk vm3, v1  }
0x2a5: {  	[tilespmem:v2+s7+$0x0] =	vst.idx.add.f32.msk vm4, v1  }
0x2a6: {  	[tilespmem:v2+s7+$0x0] =	vst.idx.add.f32.msk vm5, v1  }
0x2a7: {  	[tilespmem:v2+s7+$0x0] =	vst.idx.add.f32.msk vm6, v1  }
0x2a8: {  	v2 =	vld [tilespmem:$0x740];
	_ =	sdelay $0x4  }
0x2a9: {  	v2 =	vshll.u32 v2, $0x1  }
0x2aa: {  	v2 =	vor.u32 v0, v2;
	_ =	sdelay $0x4  }
0x2ab: {  	[tilespmem:v2+s7+$0x0] =	vst.idx.add.f32.msk $0x3, v1  }
0x2ac: {  	[tilespmem:v2+s7+$0x0] =	vst.idx.add.f32.msk vm0, v1  }
0x2ad: {  	[tilespmem:v2+s7+$0x0] =	vst.idx.add.f32.msk vm1, v1  }
0x2ae: {  	[tilespmem:v2+s7+$0x0] =	vst.idx.add.f32.msk vm2, v1  }
0x2af: {  	[tilespmem:v2+s7+$0x0] =	vst.idx.add.f32.msk vm3, v1  }
0x2b0: {  	[tilespmem:v2+s7+$0x0] =	vst.idx.add.f32.msk vm4, v1  }
0x2b1: {  	[tilespmem:v2+s7+$0x0] =	vst.idx.add.f32.msk vm5, v1  }
0x2b2: {  	[tilespmem:v2+s7+$0x0] =	vst.idx.add.f32.msk vm6, v1  }
0x2b3: {  	v2 =	vld [tilespmem:$0x750];
	_ =	sdelay $0x4  }
0x2b4: {  	v2 =	vshll.u32 v2, $0x1  }
0x2b5: {  	v2 =	vor.u32 v0, v2;
	_ =	sdelay $0x4  }
0x2b6: {  	[tilespmem:v2+s7+$0x0] =	vst.idx.add.f32.msk $0x3, v1  }
0x2b7: {  	[tilespmem:v2+s7+$0x0] =	vst.idx.add.f32.msk vm0, v1  }
0x2b8: {  	[tilespmem:v2+s7+$0x0] =	vst.idx.add.f32.msk vm1, v1  }
0x2b9: {  	[tilespmem:v2+s7+$0x0] =	vst.idx.add.f32.msk vm2, v1  }
0x2ba: {  	[tilespmem:v2+s7+$0x0] =	vst.idx.add.f32.msk vm3, v1  }
0x2bb: {  	[tilespmem:v2+s7+$0x0] =	vst.idx.add.f32.msk vm4, v1  }
0x2bc: {  	[tilespmem:v2+s7+$0x0] =	vst.idx.add.f32.msk vm5, v1  }
0x2bd: {  	[tilespmem:v2+s7+$0x0] =	vst.idx.add.f32.msk vm6, v1  }
0x2be: {  	v2 =	vld [tilespmem:$0x760];
	_ =	sdelay $0x4  }
0x2bf: {  	v2 =	vshll.u32 v2, $0x1  }
0x2c0: {  	v2 =	vor.u32 v0, v2;
	_ =	sdelay $0x4  }
0x2c1: {  	[tilespmem:v2+s7+$0x0] =	vst.idx.add.f32.msk $0x3, v1  }
0x2c2: {  	[tilespmem:v2+s7+$0x0] =	vst.idx.add.f32.msk vm0, v1  }
0x2c3: {  	[tilespmem:v2+s7+$0x0] =	vst.idx.add.f32.msk vm1, v1  }
0x2c4: {  	[tilespmem:v2+s7+$0x0] =	vst.idx.add.f32.msk vm2, v1  }
0x2c5: {  	[tilespmem:v2+s7+$0x0] =	vst.idx.add.f32.msk vm3, v1  }
0x2c6: {  	[tilespmem:v2+s7+$0x0] =	vst.idx.add.f32.msk vm4, v1  }
0x2c7: {  	[tilespmem:v2+s7+$0x0] =	vst.idx.add.f32.msk vm5, v1  }
0x2c8: {  	[tilespmem:v2+s7+$0x0] =	vst.idx.add.f32.msk vm6, v1  }
0x2c9: {  	v2 =	vld [tilespmem:$0x770];
	_ =	sdelay $0x4  }
0x2ca: {  	v2 =	vshll.u32 v2, $0x1  }
0x2cb: {  	v2 =	vor.u32 v0, v2;
	_ =	sdelay $0x4  }
0x2cc: {  	[tilespmem:v2+s7+$0x0] =	vst.idx.add.f32.msk $0x3, v1  }
0x2cd: {  	[tilespmem:v2+s7+$0x0] =	vst.idx.add.f32.msk vm0, v1  }
0x2ce: {  	p0 =	sne.s32 s10, $0x900;
	[tilespmem:v2+s7+$0x0] =	vst.idx.add.f32.msk vm1, v1  }
.Ltmp0:
0x2cf: {  	[tilespmem:v2+s7+$0x0] =	vst.idx.add.f32.msk vm2, v1;
	(pc) =	sbr.rel @p0 .LBB2_2-.Ltmp0, $4  }
0x2d0: {  	[tilespmem:v2+s7+$0x0] =	vst.idx.add.f32.msk vm3, v1  }
0x2d1: {  	[tilespmem:v2+s7+$0x0] =	vst.idx.add.f32.msk vm4, v1  }
0x2d2: {  	[tilespmem:v2+s7+$0x0] =	vst.idx.add.f32.msk vm5, v1  }
0x2d3: {  	s10 =	sadd.s32 $0x100, s10;
	[tilespmem:v2+s7+$0x0] =	vst.idx.add.f32.msk vm6, v1  }
0x2d4: {  	s9 =	sadd.s32 $0x1, s9  }
0x2d5: {  	p0 =	sne.s32 s9, s5  }
.Ltmp1:
0x2d6: {  	_ = 	snop;
	(pc) =	sbr.rel @p0 .LBB2_1-.Ltmp1, $4  }
0x2d7: {  	[hbm4b:s4+s2] =	stream.linear.scatter [tilespmem:s7], [sflag:$0x1], $0x5000, $0x38;
	[tilespmem:$0x5800] =	vst v63  }
0x2d8: {  	_ =	swait.ge [sflag:s8], $0x5000  }
0x2d9: {  	[sflag:s8] =	ssyncset.done $0x0  }
0x2da: {  	[sflag:s8] =	ssyncadd.s32 $0xFFFFB000  }
0x2db: {  	_ =	sfence.sel $0x180000  }
0x2dc: {  	[bflag:$0x0] =	sbarrier.arrive $0xFFFF  }
0x2dd: {  	p0 =	sne.s32 s1, $0x0;
	_ =	strace $0x90000047  }
0x2de: {  	s0 =	sadd.s32 @!p0 $0x100000, s0;
	[bflag:$0x2] =	sbarrier.arrive $0xFFFF  }
0x2df: {  	[sflag:s0] =	ssyncadd.tile.s32 @!p0 $0x1;
	_ =	shalt  }
.Lfunc_end2:
_tile_overlayer_lowered:
.L_overlay_start_2:
0x2e0: {  	(tag) =	ssettag $0x2  }
0x2e1: {  	s0 =	rddreg [dreg:$0x0];
	s2 =	stileid.u32  }
0x2e2: {  	s1 =	rddreg [dreg:$0x1];
	p0 =	sne.s32 s2, $0x0  }
0x2e3: {  	s3 =	rddreg [dreg:$0x2];
	[bflag:$0x3] =	sbarrier.arrive $0xFFFF;
	s2 =	simm.s32 @!p0 $0x1C01  }
0x2e4: {  	[timem:s3], [sflag:s2] =	dma.local @!p0 [hbm:s0], s1  }
0x2e5: {  	s0 =	simm.s32 @!p0 $0x1  }
0x2e6: {  	_ =	swait.ge @!p0 [sflag:s0], s1  }
0x2e7: {  	s1 =	ssub.s32 @!p0 $0x0, s1;
	[sflag:s0] =	ssyncset.done @!p0 $0x0  }
0x2e8: {  	[sflag:s0] =	ssyncadd.s32 @!p0 s1  }
0x2e9: {  	[bflag:$0x3] =	sbarrier.arrive $0xFFFF  }
0x2ea: {  	_ =	shalt  }

</sc_bundles>
